<compile_context>
chip_gen: v7x
topology: tpu7x:2x2x1
jax: 0.10.2.dev20260603
libtpu: 0.0.44.dev20260713+nightly
codegen_flags: <defaults>
</compile_context>

<pallas_src>
import functools

import jax
import jax.numpy as jnp
from jax import lax
from jax.experimental import pallas as pl
from jax.experimental.pallas import tpu as pltpu
from jax.experimental.pallas import tpu_sc as plsc

N = 10000
E = 320000
D = 128
R = 4

NC = 2
NS = 16
L = 16
NW = NC * NS
CSZ = 128
TOTCH = E // CSZ
NFULL = TOTCH // NW
NEXTRA = TOTCH % NW
NDST = 6
NST = 3
NROW = 3
NHEX = NFULL // NDST
RPS = 624
RTAIL = N - NS * RPS

BN = 1000
NB = N // BN


def _build_y_body(x_ref, w_ref, y_ref):
    x = x_ref[...]
    for r in range(R):
        y_ref[r] = jnp.dot(x, w_ref[r], preferred_element_type=jnp.float32)


def _build_y(x, W_rel):
    return pl.pallas_call(
        _build_y_body,
        grid=(NB,),
        in_specs=[
            pl.BlockSpec((BN, D), lambda n: (n, 0)),
            pl.BlockSpec((R, D, D), lambda n: (0, 0, 0)),
        ],
        out_specs=pl.BlockSpec((R, BN, D), lambda n: (0, n, 0)),
        out_shape=jax.ShapeDtypeStruct((R, N, D), jnp.float32),
    )(x, W_rel)


_sc_mesh = plsc.VectorSubcoreMesh(
    core_axis_name="c", subcore_axis_name="s", num_cores=NC, num_subcores=NS
)


@functools.partial(
    pl.kernel,
    out_type=jax.ShapeDtypeStruct((NC * N, D), jnp.float32),
    mesh=_sc_mesh,
    scratch_types=(
        [pltpu.VMEM((CSZ,), jnp.int32) for _ in range(NDST)]
        + [pltpu.VMEM((CSZ,), jnp.int32) for _ in range(NST)]
        + [pltpu.VMEM((CSZ,), jnp.int32) for _ in range(NST)]
        + [pltpu.VMEM((CSZ, D), jnp.float32) for _ in range(NROW)]
        + [pltpu.VMEM_SHARED((N, D), jnp.float32)]
        + [pltpu.SemaphoreType.DMA for _ in range(NDST)]
        + [pltpu.SemaphoreType.DMA for _ in range(NST)]
        + [pltpu.SemaphoreType.DMA for _ in range(NROW)]
        + [pltpu.SemaphoreType.DMA]
    ),
)
def _sc_segsum(ei_hbm, typ_hbm, y_hbm, out_hbm, *scr):
    dstb = scr[0:NDST]
    srcb = scr[NDST:NDST + NST]
    gb = scr[NDST + NST:NDST + 2 * NST]
    rows = scr[NDST + 2 * NST:NDST + 2 * NST + NROW]
    accum = scr[NDST + 2 * NST + NROW]
    o = NDST + 2 * NST + NROW + 1
    dsem = scr[o:o + NDST]
    stsem = scr[o + NDST:o + NDST + NST]
    gsem = scr[o + NDST + NST:o + NDST + NST + NROW]
    scsem = scr[o + NDST + NST + NROW]

    cid = lax.axis_index("c")
    sid = lax.axis_index("s")
    wid = sid * NC + cid

    def stage_dst(i, bi):
        off = E + (wid + NW * i) * CSZ
        pltpu.make_async_copy(ei_hbm.at[pl.ds(off, CSZ)], dstb[bi], dsem[bi]).start()

    def stage_st(i, bi):
        off = (wid + NW * i) * CSZ
        pltpu.make_async_copy(ei_hbm.at[pl.ds(off, CSZ)], srcb[bi], stsem[bi]).start()
        pltpu.make_async_copy(typ_hbm.at[pl.ds(off, CSZ)], gb[bi], stsem[bi]).start()

    def wait_dst(bi):
        pltpu.make_async_copy(ei_hbm.at[pl.ds(0, CSZ)], dstb[bi], dsem[bi]).wait()

    def wait_st(bi):
        pltpu.make_async_copy(ei_hbm.at[pl.ds(0, CSZ)], srcb[bi], stsem[bi]).wait()
        pltpu.make_async_copy(ei_hbm.at[pl.ds(0, CSZ)], gb[bi], stsem[bi]).wait()

    def fill_g(bi):
        for k in range(CSZ // L):
            gb[bi][pl.ds(k * L, L)] = (
                gb[bi][pl.ds(k * L, L)] * N + srcb[bi][pl.ds(k * L, L)])

    def gather_start(sbi, p):
        pltpu.make_async_copy(y_hbm.at[gb[sbi]], rows[p], gsem[p]).start()

    def gather_wait(sbi, p):
        pltpu.make_async_copy(y_hbm.at[gb[sbi]], rows[p], gsem[p]).wait()

    def scatter_start(p, dbi):
        pltpu.make_async_copy(rows[p], accum.at[dstb[dbi]], scsem).start(add=True)

    def scatter_wait(p, dbi):
        pltpu.make_async_copy(rows[p], accum.at[dstb[dbi]], scsem).wait()

    for i in range(NDST):
        stage_dst(i, i)
    for i in range(NST):
        stage_st(i, i)

    def zfill(i, _):
        for k in range(D // L):
            rows[0][i, pl.ds(k * L, L)] = jnp.zeros((L,), jnp.float32)
        return ()
    lax.fori_loop(0, CSZ, zfill, ())
    for k in range(RPS // CSZ):
        pltpu.sync_copy(rows[0], accum.at[pl.ds(sid * RPS + k * CSZ, CSZ)])
    pltpu.sync_copy(rows[0].at[pl.ds(0, RPS - (RPS // CSZ) * CSZ)],
                    accum.at[pl.ds(sid * RPS + (RPS // CSZ) * CSZ,
                                   RPS - (RPS // CSZ) * CSZ)])
    @pl.when(sid == NS - 1)
    def _():
        pltpu.sync_copy(rows[0].at[pl.ds(0, RTAIL)],
                        accum.at[pl.ds(NS * RPS, RTAIL)])

    plsc.subcore_barrier()

    def hex_body(jj, _):
        e = jj * NDST
        for p in range(NDST):
            c = e + p
            wait_st(p % NST)
            wait_dst(p)
            fill_g(p % NST)

            def retire3():
                scatter_wait(p % NROW, (p + 3) % NDST)
                stage_dst(c + 3, (p + 3) % NDST)

            def launch2():
                gather_wait((p + 1) % NST, (p + 1) % NROW)
                scatter_start((p + 1) % NROW, (p + 4) % NDST)

                @pl.when(c + 1 < NFULL)
                def _():
                    stage_st(c + 1, (p + 1) % NST)

            if p >= 3:
                scatter_wait(p % NROW, (p + 3) % NDST)

                @pl.when(c + 3 < NFULL)
                def _():
                    stage_dst(c + 3, (p + 3) % NDST)
            else:
                @pl.when(jj > 0)
                def _():
                    retire3()

            if p >= 2:
                launch2()
            else:
                @pl.when(jj > 0)
                def _():
                    launch2()

            gather_start(p % NST, p % NROW)
        return ()

    lax.fori_loop(0, NHEX, hex_body, (), unroll=False)

    @pl.when(wid < NEXTRA)
    def _():
        stage_dst(NFULL, 0)
        stage_st(NFULL, 0)

    scatter_wait((NFULL - 3) % NROW, (NFULL - 3) % NDST)
    gather_wait((NFULL - 2) % NST, (NFULL - 2) % NROW)
    scatter_start((NFULL - 2) % NROW, (NFULL - 2) % NDST)
    scatter_wait((NFULL - 2) % NROW, (NFULL - 2) % NDST)
    gather_wait((NFULL - 1) % NST, (NFULL - 1) % NROW)
    scatter_start((NFULL - 1) % NROW, (NFULL - 1) % NDST)
    scatter_wait((NFULL - 1) % NROW, (NFULL - 1) % NDST)

    @pl.when(wid < NEXTRA)
    def _():
        wait_st(0)
        wait_dst(0)
        fill_g(0)
        gather_start(0, 0)
        gather_wait(0, 0)
        scatter_start(0, 0)
        scatter_wait(0, 0)

    plsc.subcore_barrier()

    pltpu.sync_copy(accum.at[pl.ds(sid * RPS, RPS)],
                    out_hbm.at[pl.ds(cid * N + sid * RPS, RPS)])
    @pl.when(sid == NS - 1)
    def _():
        pltpu.sync_copy(accum.at[pl.ds(NS * RPS, RTAIL)],
                        out_hbm.at[pl.ds(cid * N + NS * RPS, RTAIL)])


_CT = (((1,), (1,)), ((), ()))


def _mlp_body(x_ref, p0_ref, p1_ref, ws_ref, bp_ref, wu1_ref, b1_ref,
              wu2_ref, b2_ref, o_ref):
    x = x_ref[...]
    mid = (p0_ref[...] + p1_ref[...] + bp_ref[...] +
           jnp.dot(x, ws_ref[...], preferred_element_type=jnp.float32))
    h = (lax.dot_general(x, wu1_ref[:, :D], _CT, preferred_element_type=jnp.float32) +
         lax.dot_general(mid, wu1_ref[:, D:], _CT, preferred_element_type=jnp.float32) +
         b1_ref[...])
    h = jnp.maximum(h, 0.0)
    o_ref[...] = (lax.dot_general(h, wu2_ref[...], _CT,
                                  preferred_element_type=jnp.float32) + b2_ref[...])


def _mlp(x, partials, W_self, b_pass, W_u1, b_u1, W_u2, b_u2):
    full = lambda a, b: pl.BlockSpec((a, b), lambda n: (0, 0))
    return pl.pallas_call(
        _mlp_body,
        grid=(NB,),
        in_specs=[
            pl.BlockSpec((BN, D), lambda n: (n, 0)),
            pl.BlockSpec((BN, D), lambda n: (n, 0)),
            pl.BlockSpec((BN, D), lambda n: (NB + n, 0)),
            full(D, D),
            full(1, D),
            full(2 * D, 2 * D),
            full(1, 2 * D),
            full(D, 2 * D),
            full(1, D),
        ],
        out_specs=pl.BlockSpec((BN, D), lambda n: (n, 0)),
        out_shape=jax.ShapeDtypeStruct((N, D), jnp.float32),
    )(x, partials, partials, W_self, b_pass, W_u1, b_u1, W_u2, b_u2)


def kernel(x, edge_index, edges_type, W_rel, W_self, b_pass, W_u1, b_u1, W_u2, b_u2):
    Y = _build_y(x, W_rel).reshape(R * N, D)
    partials = _sc_segsum(edge_index.reshape(2 * E), edges_type, Y)
    return _mlp(x, partials, W_self, b_pass.reshape(1, D), W_u1,
                b_u1.reshape(1, 2 * D), W_u2, b_u2.reshape(1, D))

# --- scband reference (transcript-rebuilt; emitter-appended) ---
"""Pipeline reference for scband-gcnconv-11227044512383 (READ-ONLY COPY).

The authoritative reference and input builder live on the scoring server;
editing this copy changes nothing except your own understanding.
"""

import jax, jax.numpy as jnp
import numpy as np

N = 10000
E = 320000
D_IN = 128
D_HID = 128
D_OUT = 128
R = 4


def setup_inputs(seed: int = 0) -> dict:
    key = jax.random.key(seed)
    ks = jax.random.split(key, 12)
    x = jax.random.normal(ks[0], (N, D_IN), dtype=jnp.float32)
    edge_index = jax.random.randint(ks[1], (2, E), 0, N, dtype=jnp.int32)
    edges_type = jax.random.randint(ks[2], (E,), 0, R, dtype=jnp.int32)
    s_in = 1.0 / np.sqrt(D_IN)
    s_cat = 1.0 / np.sqrt(D_IN + D_HID)
    # RelGraphConv params (low_mem, no regularizer): per-relation weight, self-loop weight, bias
    W_rel = jax.random.normal(ks[3], (R, D_IN, D_OUT), dtype=jnp.float32) * s_in
    W_self = jax.random.normal(ks[4], (D_IN, D_OUT), dtype=jnp.float32) * s_in
    b_pass = jax.random.normal(ks[5], (D_OUT,), dtype=jnp.float32) * 0.01
    # updating1: Linear(in+hid, in+hid); updating2: Linear(in+hid, out)
    W_u1 = jax.random.normal(ks[6], (D_IN + D_HID, D_IN + D_HID), dtype=jnp.float32) * s_cat
    b_u1 = jax.random.normal(ks[7], (D_IN + D_HID,), dtype=jnp.float32) * 0.01
    W_u2 = jax.random.normal(ks[8], (D_OUT, D_IN + D_HID), dtype=jnp.float32) * s_cat
    b_u2 = jax.random.normal(ks[9], (D_OUT,), dtype=jnp.float32) * 0.01
    return {"x": x, "edge_index": edge_index, "edges_type": edges_type,
            "W_rel": W_rel, "W_self": W_self, "b_pass": b_pass,
            "W_u1": W_u1, "b_u1": b_u1, "W_u2": W_u2, "b_u2": b_u2}


def reference(x, edge_index, edges_type, W_rel, W_self, b_pass, W_u1, b_u1, W_u2, b_u2):
    src = edge_index[0]
    dst = edge_index[1]
    # --- RelGraphConv (low_mem): per-relation-type message x[src] @ W_r ---
    h_src = jnp.take(x, src, axis=0)
    msgs = jnp.zeros((h_src.shape[0], W_rel.shape[-1]), dtype=x.dtype)
    for r in range(W_rel.shape[0]):
        contrib = h_src @ W_rel[r]
        msgs = jnp.where((edges_type == r)[:, None], contrib, msgs)
    # sum-aggregate messages onto destination nodes
    agg = jax.ops.segment_sum(msgs, dst, num_segments=x.shape[0])
    # self-loop + bias
    mid = agg + x @ W_self + b_pass
    # --- update MLP ---
    h = jnp.concatenate([x, mid], axis=1)
    h = jax.nn.relu(h @ W_u1.T + b_u1)
    out = h @ W_u2.T + b_u2
    return out

if __name__ == "__main__":
    import jax
    _d = setup_inputs()
    print(jax.jit(kernel)(*tuple(_d.values())))

</pallas_src>

<mosaic_0001>
#map = affine_map<(d0, d1) -> (0)>
#map1 = affine_map<(d0, d1) -> (0, 0)>
module attributes {stable_mosaic.version = 14 : i64} {
  func.func @_sc_segsum(%arg0: i32, %arg1: i32, %arg2: memref<640000xi32, #tpu.memory_space<hbm>>, %arg3: memref<320000xi32, #tpu.memory_space<hbm>>, %arg4: memref<40000x128xf32, #tpu.memory_space<hbm>>, %arg5: memref<20000x128xf32, #tpu.memory_space<hbm>>, %arg6: memref<128xi32, #tpu.memory_space<vmem>>, %arg7: memref<128xi32, #tpu.memory_space<vmem>>, %arg8: memref<128xi32, #tpu.memory_space<vmem>>, %arg9: memref<128xi32, #tpu.memory_space<vmem>>, %arg10: memref<128xi32, #tpu.memory_space<vmem>>, %arg11: memref<128xi32, #tpu.memory_space<vmem>>, %arg12: memref<128xi32, #tpu.memory_space<vmem>>, %arg13: memref<128xi32, #tpu.memory_space<vmem>>, %arg14: memref<128xi32, #tpu.memory_space<vmem>>, %arg15: memref<128xi32, #tpu.memory_space<vmem>>, %arg16: memref<128xi32, #tpu.memory_space<vmem>>, %arg17: memref<128xi32, #tpu.memory_space<vmem>>, %arg18: memref<128x128xf32, #tpu.memory_space<vmem>>, %arg19: memref<128x128xf32, #tpu.memory_space<vmem>>, %arg20: memref<128x128xf32, #tpu.memory_space<vmem>>, %arg21: memref<10000x128xf32, #tpu.memory_space<vmem_shared>>, %arg22: memref<!tpu.dma_semaphore, #tpu.memory_space<semaphore_mem>>, %arg23: memref<!tpu.dma_semaphore, #tpu.memory_space<semaphore_mem>>, %arg24: memref<!tpu.dma_semaphore, #tpu.memory_space<semaphore_mem>>, %arg25: memref<!tpu.dma_semaphore, #tpu.memory_space<semaphore_mem>>, %arg26: memref<!tpu.dma_semaphore, #tpu.memory_space<semaphore_mem>>, %arg27: memref<!tpu.dma_semaphore, #tpu.memory_space<semaphore_mem>>, %arg28: memref<!tpu.dma_semaphore, #tpu.memory_space<semaphore_mem>>, %arg29: memref<!tpu.dma_semaphore, #tpu.memory_space<semaphore_mem>>, %arg30: memref<!tpu.dma_semaphore, #tpu.memory_space<semaphore_mem>>, %arg31: memref<!tpu.dma_semaphore, #tpu.memory_space<semaphore_mem>>, %arg32: memref<!tpu.dma_semaphore, #tpu.memory_space<semaphore_mem>>, %arg33: memref<!tpu.dma_semaphore, #tpu.memory_space<semaphore_mem>>, %arg34: memref<!tpu.dma_semaphore, #tpu.memory_space<semaphore_mem>>) attributes {dimension_semantics = [#tpu.dimension_semantics<core_parallel>, #tpu.dimension_semantics<subcore_parallel>], iteration_bounds = array<i64: 2, 16>, scalar_prefetch = 0 : i64, scratch_operands = 29 : i64, tpu.core_type = #tpu.core_type<sc_vector_subcore>, window_params = [{transform_indices = #map}, {transform_indices = #map}, {transform_indices = #map1}, {transform_indices = #map1}]} {
    %mul3A = arith.constant 2 : i32
    %mul3A_0 = arith.muli %arg1, %mul3A : i32
    %add3A = arith.addi %mul3A_0, %arg0 : i32
    %add3A_1 = arith.constant 0 : i32
    %add3A_2 = arith.addi %add3A, %add3A_1 : i32
    %mul3A_3 = arith.constant 128 : i32
    %mul3A_4 = arith.muli %add3A_2, %mul3A_3 : i32
    %add3A_5 = arith.constant 320000 : i32
    %add3A_6 = arith.addi %add3A_5, %mul3A_4 : i32
    %dma_start3A = tpu.memref_slice %arg2[%add3A_6] : memref<640000xi32, #tpu.memory_space<hbm>> -> memref<128xi32, #tpu.memory_space<hbm>>
    %dma_start3A_7 = tpu.memref_slice %arg2[%add3A_6] : memref<640000xi32, #tpu.memory_space<hbm>> -> memref<128xi32, #tpu.memory_space<hbm>>
    tpu.enqueue_dma source(%dma_start3A_7 : memref<128xi32, #tpu.memory_space<hbm>>) target(%arg6 : memref<128xi32, #tpu.memory_space<vmem>>) target_semaphore(%arg22 : memref<!tpu.dma_semaphore, #tpu.memory_space<semaphore_mem>>)
    %add3A_8 = arith.constant 32 : i32
    %add3A_9 = arith.addi %add3A, %add3A_8 : i32
    %mul3A_10 = arith.constant 128 : i32
    %mul3A_11 = arith.muli %add3A_9, %mul3A_10 : i32
    %add3A_12 = arith.constant 320000 : i32
    %add3A_13 = arith.addi %add3A_12, %mul3A_11 : i32
    %dma_start3A_14 = tpu.memref_slice %arg2[%add3A_13] : memref<640000xi32, #tpu.memory_space<hbm>> -> memref<128xi32, #tpu.memory_space<hbm>>
    %dma_start3A_15 = tpu.memref_slice %arg2[%add3A_13] : memref<640000xi32, #tpu.memory_space<hbm>> -> memref<128xi32, #tpu.memory_space<hbm>>
    tpu.enqueue_dma source(%dma_start3A_15 : memref<128xi32, #tpu.memory_space<hbm>>) target(%arg7 : memref<128xi32, #tpu.memory_space<vmem>>) target_semaphore(%arg23 : memref<!tpu.dma_semaphore, #tpu.memory_space<semaphore_mem>>)
    %add3A_16 = arith.constant 64 : i32
    %add3A_17 = arith.addi %add3A, %add3A_16 : i32
    %mul3A_18 = arith.constant 128 : i32
    %mul3A_19 = arith.muli %add3A_17, %mul3A_18 : i32
    %add3A_20 = arith.constant 320000 : i32
    %add3A_21 = arith.addi %add3A_20, %mul3A_19 : i32
    %dma_start3A_22 = tpu.memref_slice %arg2[%add3A_21] : memref<640000xi32, #tpu.memory_space<hbm>> -> memref<128xi32, #tpu.memory_space<hbm>>
    %dma_start3A_23 = tpu.memref_slice %arg2[%add3A_21] : memref<640000xi32, #tpu.memory_space<hbm>> -> memref<128xi32, #tpu.memory_space<hbm>>
    tpu.enqueue_dma source(%dma_start3A_23 : memref<128xi32, #tpu.memory_space<hbm>>) target(%arg8 : memref<128xi32, #tpu.memory_space<vmem>>) target_semaphore(%arg24 : memref<!tpu.dma_semaphore, #tpu.memory_space<semaphore_mem>>)
    %add3A_24 = arith.constant 96 : i32
    %add3A_25 = arith.addi %add3A, %add3A_24 : i32
    %mul3A_26 = arith.constant 128 : i32
    %mul3A_27 = arith.muli %add3A_25, %mul3A_26 : i32
    %add3A_28 = arith.constant 320000 : i32
    %add3A_29 = arith.addi %add3A_28, %mul3A_27 : i32
    %dma_start3A_30 = tpu.memref_slice %arg2[%add3A_29] : memref<640000xi32, #tpu.memory_space<hbm>> -> memref<128xi32, #tpu.memory_space<hbm>>
    %dma_start3A_31 = tpu.memref_slice %arg2[%add3A_29] : memref<640000xi32, #tpu.memory_space<hbm>> -> memref<128xi32, #tpu.memory_space<hbm>>
    tpu.enqueue_dma source(%dma_start3A_31 : memref<128xi32, #tpu.memory_space<hbm>>) target(%arg9 : memref<128xi32, #tpu.memory_space<vmem>>) target_semaphore(%arg25 : memref<!tpu.dma_semaphore, #tpu.memory_space<semaphore_mem>>)
    %add3A_32 = arith.constant 128 : i32
    %add3A_33 = arith.addi %add3A, %add3A_32 : i32
    %mul3A_34 = arith.constant 128 : i32
    %mul3A_35 = arith.muli %add3A_33, %mul3A_34 : i32
    %add3A_36 = arith.constant 320000 : i32
    %add3A_37 = arith.addi %add3A_36, %mul3A_35 : i32
    %dma_start3A_38 = tpu.memref_slice %arg2[%add3A_37] : memref<640000xi32, #tpu.memory_space<hbm>> -> memref<128xi32, #tpu.memory_space<hbm>>
    %dma_start3A_39 = tpu.memref_slice %arg2[%add3A_37] : memref<640000xi32, #tpu.memory_space<hbm>> -> memref<128xi32, #tpu.memory_space<hbm>>
    tpu.enqueue_dma source(%dma_start3A_39 : memref<128xi32, #tpu.memory_space<hbm>>) target(%arg10 : memref<128xi32, #tpu.memory_space<vmem>>) target_semaphore(%arg26 : memref<!tpu.dma_semaphore, #tpu.memory_space<semaphore_mem>>)
    %add3A_40 = arith.constant 160 : i32
    %add3A_41 = arith.addi %add3A, %add3A_40 : i32
    %mul3A_42 = arith.constant 128 : i32
    %mul3A_43 = arith.muli %add3A_41, %mul3A_42 : i32
    %add3A_44 = arith.constant 320000 : i32
    %add3A_45 = arith.addi %add3A_44, %mul3A_43 : i32
    %dma_start3A_46 = tpu.memref_slice %arg2[%add3A_45] : memref<640000xi32, #tpu.memory_space<hbm>> -> memref<128xi32, #tpu.memory_space<hbm>>
    %dma_start3A_47 = tpu.memref_slice %arg2[%add3A_45] : memref<640000xi32, #tpu.memory_space<hbm>> -> memref<128xi32, #tpu.memory_space<hbm>>
    tpu.enqueue_dma source(%dma_start3A_47 : memref<128xi32, #tpu.memory_space<hbm>>) target(%arg11 : memref<128xi32, #tpu.memory_space<vmem>>) target_semaphore(%arg27 : memref<!tpu.dma_semaphore, #tpu.memory_space<semaphore_mem>>)
    %add3A_48 = arith.constant 0 : i32
    %add3A_49 = arith.addi %add3A, %add3A_48 : i32
    %mul3A_50 = arith.constant 128 : i32
    %mul3A_51 = arith.muli %add3A_49, %mul3A_50 : i32
    %dma_start3A_52 = tpu.memref_slice %arg2[%mul3A_51] : memref<640000xi32, #tpu.memory_space<hbm>> -> memref<128xi32, #tpu.memory_space<hbm>>
    %dma_start3A_53 = tpu.memref_slice %arg2[%mul3A_51] : memref<640000xi32, #tpu.memory_space<hbm>> -> memref<128xi32, #tpu.memory_space<hbm>>
    tpu.enqueue_dma source(%dma_start3A_53 : memref<128xi32, #tpu.memory_space<hbm>>) target(%arg12 : memref<128xi32, #tpu.memory_space<vmem>>) target_semaphore(%arg28 : memref<!tpu.dma_semaphore, #tpu.memory_space<semaphore_mem>>)
    %dma_start3A_54 = tpu.memref_slice %arg3[%mul3A_51] : memref<320000xi32, #tpu.memory_space<hbm>> -> memref<128xi32, #tpu.memory_space<hbm>>
    %dma_start3A_55 = tpu.memref_slice %arg3[%mul3A_51] : memref<320000xi32, #tpu.memory_space<hbm>> -> memref<128xi32, #tpu.memory_space<hbm>>
    tpu.enqueue_dma source(%dma_start3A_55 : memref<128xi32, #tpu.memory_space<hbm>>) target(%arg15 : memref<128xi32, #tpu.memory_space<vmem>>) target_semaphore(%arg28 : memref<!tpu.dma_semaphore, #tpu.memory_space<semaphore_mem>>)
    %add3A_56 = arith.constant 32 : i32
    %add3A_57 = arith.addi %add3A, %add3A_56 : i32
    %mul3A_58 = arith.constant 128 : i32
    %mul3A_59 = arith.muli %add3A_57, %mul3A_58 : i32
    %dma_start3A_60 = tpu.memref_slice %arg2[%mul3A_59] : memref<640000xi32, #tpu.memory_space<hbm>> -> memref<128xi32, #tpu.memory_space<hbm>>
    %dma_start3A_61 = tpu.memref_slice %arg2[%mul3A_59] : memref<640000xi32, #tpu.memory_space<hbm>> -> memref<128xi32, #tpu.memory_space<hbm>>
    tpu.enqueue_dma source(%dma_start3A_61 : memref<128xi32, #tpu.memory_space<hbm>>) target(%arg13 : memref<128xi32, #tpu.memory_space<vmem>>) target_semaphore(%arg29 : memref<!tpu.dma_semaphore, #tpu.memory_space<semaphore_mem>>)
    %dma_start3A_62 = tpu.memref_slice %arg3[%mul3A_59] : memref<320000xi32, #tpu.memory_space<hbm>> -> memref<128xi32, #tpu.memory_space<hbm>>
    %dma_start3A_63 = tpu.memref_slice %arg3[%mul3A_59] : memref<320000xi32, #tpu.memory_space<hbm>> -> memref<128xi32, #tpu.memory_space<hbm>>
    tpu.enqueue_dma source(%dma_start3A_63 : memref<128xi32, #tpu.memory_space<hbm>>) target(%arg16 : memref<128xi32, #tpu.memory_space<vmem>>) target_semaphore(%arg29 : memref<!tpu.dma_semaphore, #tpu.memory_space<semaphore_mem>>)
    %add3A_64 = arith.constant 64 : i32
    %add3A_65 = arith.addi %add3A, %add3A_64 : i32
    %mul3A_66 = arith.constant 128 : i32
    %mul3A_67 = arith.muli %add3A_65, %mul3A_66 : i32
    %dma_start3A_68 = tpu.memref_slice %arg2[%mul3A_67] : memref<640000xi32, #tpu.memory_space<hbm>> -> memref<128xi32, #tpu.memory_space<hbm>>
    %dma_start3A_69 = tpu.memref_slice %arg2[%mul3A_67] : memref<640000xi32, #tpu.memory_space<hbm>> -> memref<128xi32, #tpu.memory_space<hbm>>
    tpu.enqueue_dma source(%dma_start3A_69 : memref<128xi32, #tpu.memory_space<hbm>>) target(%arg14 : memref<128xi32, #tpu.memory_space<vmem>>) target_semaphore(%arg30 : memref<!tpu.dma_semaphore, #tpu.memory_space<semaphore_mem>>)
    %dma_start3A_70 = tpu.memref_slice %arg3[%mul3A_67] : memref<320000xi32, #tpu.memory_space<hbm>> -> memref<128xi32, #tpu.memory_space<hbm>>
    %dma_start3A_71 = tpu.memref_slice %arg3[%mul3A_67] : memref<320000xi32, #tpu.memory_space<hbm>> -> memref<128xi32, #tpu.memory_space<hbm>>
    tpu.enqueue_dma source(%dma_start3A_71 : memref<128xi32, #tpu.memory_space<hbm>>) target(%arg17 : memref<128xi32, #tpu.memory_space<vmem>>) target_semaphore(%arg30 : memref<!tpu.dma_semaphore, #tpu.memory_space<semaphore_mem>>)
    %scan3A = arith.constant 0 : i32
    %scan3A_72 = arith.constant 128 : i32
    %scan3A_73 = arith.addi %scan3A, %scan3A_72 : i32
    %scan3A_74 = arith.constant 1 : i32
    scf.for %scan3A_145 = %scan3A to %scan3A_73 step %scan3A_74  : i32 {
      %broadcast_in_dim3A = arith.constant 0.000000e+00 : f32
      %broadcast_in_dim3A_146 = vector.broadcast %broadcast_in_dim3A : f32 to vector<16xf32>
      %swap3A = arith.index_cast %scan3A_145 : i32 to index
      %swap3A_147 = arith.constant 0 : index
      %swap3A_148 = tpu.vector_load %arg18[%swap3A, %swap3A_147] {strides = array<i32>} : memref<128x128xf32, #tpu.memory_space<vmem>>, vector<1x16xf32>,
      %swap3A_149 = vector.shape_cast %swap3A_148 : vector<1x16xf32> to vector<16xf32>
      %swap3A_150 = vector.shape_cast %broadcast_in_dim3A_146 : vector<16xf32> to vector<1x16xf32>
      tpu.vector_store %arg18[%swap3A, %swap3A_147], %swap3A_150 {strides = array<i32>} : memref<128x128xf32, #tpu.memory_space<vmem>>, vector<1x16xf32>,
      %broadcast_in_dim3A_151 = arith.constant 0.000000e+00 : f32
      %broadcast_in_dim3A_152 = vector.broadcast %broadcast_in_dim3A_151 : f32 to vector<16xf32>
      %swap3A_153 = arith.index_cast %scan3A_145 : i32 to index
      %swap3A_154 = arith.constant 16 : index
      %swap3A_155 = tpu.vector_load %arg18[%swap3A_153, %swap3A_154] {strides = array<i32>} : memref<128x128xf32, #tpu.memory_space<vmem>>, vector<1x16xf32>,
      %swap3A_156 = vector.shape_cast %swap3A_155 : vector<1x16xf32> to vector<16xf32>
      %swap3A_157 = vector.shape_cast %broadcast_in_dim3A_152 : vector<16xf32> to vector<1x16xf32>
      tpu.vector_store %arg18[%swap3A_153, %swap3A_154], %swap3A_157 {strides = array<i32>} : memref<128x128xf32, #tpu.memory_space<vmem>>, vector<1x16xf32>,
      %broadcast_in_dim3A_158 = arith.constant 0.000000e+00 : f32
      %broadcast_in_dim3A_159 = vector.broadcast %broadcast_in_dim3A_158 : f32 to vector<16xf32>
      %swap3A_160 = arith.index_cast %scan3A_145 : i32 to index
      %swap3A_161 = arith.constant 32 : index
      %swap3A_162 = tpu.vector_load %arg18[%swap3A_160, %swap3A_161] {strides = array<i32>} : memref<128x128xf32, #tpu.memory_space<vmem>>, vector<1x16xf32>,
      %swap3A_163 = vector.shape_cast %swap3A_162 : vector<1x16xf32> to vector<16xf32>
      %swap3A_164 = vector.shape_cast %broadcast_in_dim3A_159 : vector<16xf32> to vector<1x16xf32>
      tpu.vector_store %arg18[%swap3A_160, %swap3A_161], %swap3A_164 {strides = array<i32>} : memref<128x128xf32, #tpu.memory_space<vmem>>, vector<1x16xf32>,
      %broadcast_in_dim3A_165 = arith.constant 0.000000e+00 : f32
      %broadcast_in_dim3A_166 = vector.broadcast %broadcast_in_dim3A_165 : f32 to vector<16xf32>
      %swap3A_167 = arith.index_cast %scan3A_145 : i32 to index
      %swap3A_168 = arith.constant 48 : index
      %swap3A_169 = tpu.vector_load %arg18[%swap3A_167, %swap3A_168] {strides = array<i32>} : memref<128x128xf32, #tpu.memory_space<vmem>>, vector<1x16xf32>,
      %swap3A_170 = vector.shape_cast %swap3A_169 : vector<1x16xf32> to vector<16xf32>
      %swap3A_171 = vector.shape_cast %broadcast_in_dim3A_166 : vector<16xf32> to vector<1x16xf32>
      tpu.vector_store %arg18[%swap3A_167, %swap3A_168], %swap3A_171 {strides = array<i32>} : memref<128x128xf32, #tpu.memory_space<vmem>>, vector<1x16xf32>,
      %broadcast_in_dim3A_172 = arith.constant 0.000000e+00 : f32
      %broadcast_in_dim3A_173 = vector.broadcast %broadcast_in_dim3A_172 : f32 to vector<16xf32>
      %swap3A_174 = arith.index_cast %scan3A_145 : i32 to index
      %swap3A_175 = arith.constant 64 : index
      %swap3A_176 = tpu.vector_load %arg18[%swap3A_174, %swap3A_175] {strides = array<i32>} : memref<128x128xf32, #tpu.memory_space<vmem>>, vector<1x16xf32>,
      %swap3A_177 = vector.shape_cast %swap3A_176 : vector<1x16xf32> to vector<16xf32>
      %swap3A_178 = vector.shape_cast %broadcast_in_dim3A_173 : vector<16xf32> to vector<1x16xf32>
      tpu.vector_store %arg18[%swap3A_174, %swap3A_175], %swap3A_178 {strides = array<i32>} : memref<128x128xf32, #tpu.memory_space<vmem>>, vector<1x16xf32>,
      %broadcast_in_dim3A_179 = arith.constant 0.000000e+00 : f32
      %broadcast_in_dim3A_180 = vector.broadcast %broadcast_in_dim3A_179 : f32 to vector<16xf32>
      %swap3A_181 = arith.index_cast %scan3A_145 : i32 to index
      %swap3A_182 = arith.constant 80 : index
      %swap3A_183 = tpu.vector_load %arg18[%swap3A_181, %swap3A_182] {strides = array<i32>} : memref<128x128xf32, #tpu.memory_space<vmem>>, vector<1x16xf32>,
      %swap3A_184 = vector.shape_cast %swap3A_183 : vector<1x16xf32> to vector<16xf32>
      %swap3A_185 = vector.shape_cast %broadcast_in_dim3A_180 : vector<16xf32> to vector<1x16xf32>
      tpu.vector_store %arg18[%swap3A_181, %swap3A_182], %swap3A_185 {strides = array<i32>} : memref<128x128xf32, #tpu.memory_space<vmem>>, vector<1x16xf32>,
      %broadcast_in_dim3A_186 = arith.constant 0.000000e+00 : f32
      %broadcast_in_dim3A_187 = vector.broadcast %broadcast_in_dim3A_186 : f32 to vector<16xf32>
      %swap3A_188 = arith.index_cast %scan3A_145 : i32 to index
      %swap3A_189 = arith.constant 96 : index
      %swap3A_190 = tpu.vector_load %arg18[%swap3A_188, %swap3A_189] {strides = array<i32>} : memref<128x128xf32, #tpu.memory_space<vmem>>, vector<1x16xf32>,
      %swap3A_191 = vector.shape_cast %swap3A_190 : vector<1x16xf32> to vector<16xf32>
      %swap3A_192 = vector.shape_cast %broadcast_in_dim3A_187 : vector<16xf32> to vector<1x16xf32>
      tpu.vector_store %arg18[%swap3A_188, %swap3A_189], %swap3A_192 {strides = array<i32>} : memref<128x128xf32, #tpu.memory_space<vmem>>, vector<1x16xf32>,
      %broadcast_in_dim3A_193 = arith.constant 0.000000e+00 : f32
      %broadcast_in_dim3A_194 = vector.broadcast %broadcast_in_dim3A_193 : f32 to vector<16xf32>
      %swap3A_195 = arith.index_cast %scan3A_145 : i32 to index
      %swap3A_196 = arith.constant 112 : index
      %swap3A_197 = tpu.vector_load %arg18[%swap3A_195, %swap3A_196] {strides = array<i32>} : memref<128x128xf32, #tpu.memory_space<vmem>>, vector<1x16xf32>,
      %swap3A_198 = vector.shape_cast %swap3A_197 : vector<1x16xf32> to vector<16xf32>
      %swap3A_199 = vector.shape_cast %broadcast_in_dim3A_194 : vector<16xf32> to vector<1x16xf32>
      tpu.vector_store %arg18[%swap3A_195, %swap3A_196], %swap3A_199 {strides = array<i32>} : memref<128x128xf32, #tpu.memory_space<vmem>>, vector<1x16xf32>,
    }
    %scan3A_75 = arith.constant 128 : i32
    %mul3A_76 = arith.constant 624 : i32
    %mul3A_77 = arith.muli %arg1, %mul3A_76 : i32
    %add3A_78 = arith.constant 0 : i32
    %add3A_79 = arith.addi %mul3A_77, %add3A_78 : i32
    "tpu.region"() ({
      %run_scoped3A = tpu.sem_alloc : memref<!tpu.dma_semaphore, #tpu.memory_space<semaphore_mem>>
      %dma_start3A_145 = arith.constant 0 : i32
      %dma_start3A_146 = tpu.memref_slice %arg21[%add3A_79, %dma_start3A_145] : memref<10000x128xf32, #tpu.memory_space<vmem_shared>> -> memref<128x128xf32, #tpu.memory_space<vmem_shared>>
      %dma_start3A_147 = arith.constant 0 : i32
      %dma_start3A_148 = tpu.memref_slice %arg21[%add3A_79, %dma_start3A_147] : memref<10000x128xf32, #tpu.memory_space<vmem_shared>> -> memref<128x128xf32, #tpu.memory_space<vmem_shared>>
      tpu.enqueue_dma source(%arg18 : memref<128x128xf32, #tpu.memory_space<vmem>>) target(%dma_start3A_148 : memref<128x128xf32, #tpu.memory_space<vmem_shared>>) target_semaphore(%run_scoped3A : memref<!tpu.dma_semaphore, #tpu.memory_space<semaphore_mem>>)
      %dma_wait3A_149 = arith.constant 0 : i32
      %dma_wait3A_150 = tpu.memref_slice %arg21[%add3A_79, %dma_wait3A_149] : memref<10000x128xf32, #tpu.memory_space<vmem_shared>> -> memref<128x128xf32, #tpu.memory_space<vmem_shared>>
      %dma_wait3A_151 = arith.constant 0 : i32
      %dma_wait3A_152 = tpu.memref_slice %arg21[%add3A_79, %dma_wait3A_151] : memref<10000x128xf32, #tpu.memory_space<vmem_shared>> -> memref<128x128xf32, #tpu.memory_space<vmem_shared>>
      tpu.wait_dma2 semaphore(%run_scoped3A : memref<!tpu.dma_semaphore, #tpu.memory_space<semaphore_mem>>) src(%arg18 : memref<128x128xf32, #tpu.memory_space<vmem>>) dst(%dma_wait3A_152 : memref<128x128xf32, #tpu.memory_space<vmem_shared>>)
      tpu.yield
    }) : () -> ()
    %mul3A_80 = arith.constant 624 : i32
    %mul3A_81 = arith.muli %arg1, %mul3A_80 : i32
    %add3A_82 = arith.constant 128 : i32
    %add3A_83 = arith.addi %mul3A_81, %add3A_82 : i32
    "tpu.region"() ({
      %run_scoped3A = tpu.sem_alloc : memref<!tpu.dma_semaphore, #tpu.memory_space<semaphore_mem>>
      %dma_start3A_145 = arith.constant 0 : i32
      %dma_start3A_146 = tpu.memref_slice %arg21[%add3A_83, %dma_start3A_145] : memref<10000x128xf32, #tpu.memory_space<vmem_shared>> -> memref<128x128xf32, #tpu.memory_space<vmem_shared>>
      %dma_start3A_147 = arith.constant 0 : i32
      %dma_start3A_148 = tpu.memref_slice %arg21[%add3A_83, %dma_start3A_147] : memref<10000x128xf32, #tpu.memory_space<vmem_shared>> -> memref<128x128xf32, #tpu.memory_space<vmem_shared>>
      tpu.enqueue_dma source(%arg18 : memref<128x128xf32, #tpu.memory_space<vmem>>) target(%dma_start3A_148 : memref<128x128xf32, #tpu.memory_space<vmem_shared>>) target_semaphore(%run_scoped3A : memref<!tpu.dma_semaphore, #tpu.memory_space<semaphore_mem>>)
      %dma_wait3A_149 = arith.constant 0 : i32
      %dma_wait3A_150 = tpu.memref_slice %arg21[%add3A_83, %dma_wait3A_149] : memref<10000x128xf32, #tpu.memory_space<vmem_shared>> -> memref<128x128xf32, #tpu.memory_space<vmem_shared>>
      %dma_wait3A_151 = arith.constant 0 : i32
      %dma_wait3A_152 = tpu.memref_slice %arg21[%add3A_83, %dma_wait3A_151] : memref<10000x128xf32, #tpu.memory_space<vmem_shared>> -> memref<128x128xf32, #tpu.memory_space<vmem_shared>>
      tpu.wait_dma2 semaphore(%run_scoped3A : memref<!tpu.dma_semaphore, #tpu.memory_space<semaphore_mem>>) src(%arg18 : memref<128x128xf32, #tpu.memory_space<vmem>>) dst(%dma_wait3A_152 : memref<128x128xf32, #tpu.memory_space<vmem_shared>>)
      tpu.yield
    }) : () -> ()
    %mul3A_84 = arith.constant 624 : i32
    %mul3A_85 = arith.muli %arg1, %mul3A_84 : i32
    %add3A_86 = arith.constant 256 : i32
    %add3A_87 = arith.addi %mul3A_85, %add3A_86 : i32
    "tpu.region"() ({
      %run_scoped3A = tpu.sem_alloc : memref<!tpu.dma_semaphore, #tpu.memory_space<semaphore_mem>>
      %dma_start3A_145 = arith.constant 0 : i32
      %dma_start3A_146 = tpu.memref_slice %arg21[%add3A_87, %dma_start3A_145] : memref<10000x128xf32, #tpu.memory_space<vmem_shared>> -> memref<128x128xf32, #tpu.memory_space<vmem_shared>>
      %dma_start3A_147 = arith.constant 0 : i32
      %dma_start3A_148 = tpu.memref_slice %arg21[%add3A_87, %dma_start3A_147] : memref<10000x128xf32, #tpu.memory_space<vmem_shared>> -> memref<128x128xf32, #tpu.memory_space<vmem_shared>>
      tpu.enqueue_dma source(%arg18 : memref<128x128xf32, #tpu.memory_space<vmem>>) target(%dma_start3A_148 : memref<128x128xf32, #tpu.memory_space<vmem_shared>>) target_semaphore(%run_scoped3A : memref<!tpu.dma_semaphore, #tpu.memory_space<semaphore_mem>>)
      %dma_wait3A_149 = arith.constant 0 : i32
      %dma_wait3A_150 = tpu.memref_slice %arg21[%add3A_87, %dma_wait3A_149] : memref<10000x128xf32, #tpu.memory_space<vmem_shared>> -> memref<128x128xf32, #tpu.memory_space<vmem_shared>>
      %dma_wait3A_151 = arith.constant 0 : i32
      %dma_wait3A_152 = tpu.memref_slice %arg21[%add3A_87, %dma_wait3A_151] : memref<10000x128xf32, #tpu.memory_space<vmem_shared>> -> memref<128x128xf32, #tpu.memory_space<vmem_shared>>
      tpu.wait_dma2 semaphore(%run_scoped3A : memref<!tpu.dma_semaphore, #tpu.memory_space<semaphore_mem>>) src(%arg18 : memref<128x128xf32, #tpu.memory_space<vmem>>) dst(%dma_wait3A_152 : memref<128x128xf32, #tpu.memory_space<vmem_shared>>)
      tpu.yield
    }) : () -> ()
    %mul3A_88 = arith.constant 624 : i32
    %mul3A_89 = arith.muli %arg1, %mul3A_88 : i32
    %add3A_90 = arith.constant 384 : i32
    %add3A_91 = arith.addi %mul3A_89, %add3A_90 : i32
    "tpu.region"() ({
      %run_scoped3A = tpu.sem_alloc : memref<!tpu.dma_semaphore, #tpu.memory_space<semaphore_mem>>
      %dma_start3A_145 = arith.constant 0 : i32
      %dma_start3A_146 = tpu.memref_slice %arg21[%add3A_91, %dma_start3A_145] : memref<10000x128xf32, #tpu.memory_space<vmem_shared>> -> memref<128x128xf32, #tpu.memory_space<vmem_shared>>
      %dma_start3A_147 = arith.constant 0 : i32
      %dma_start3A_148 = tpu.memref_slice %arg21[%add3A_91, %dma_start3A_147] : memref<10000x128xf32, #tpu.memory_space<vmem_shared>> -> memref<128x128xf32, #tpu.memory_space<vmem_shared>>
      tpu.enqueue_dma source(%arg18 : memref<128x128xf32, #tpu.memory_space<vmem>>) target(%dma_start3A_148 : memref<128x128xf32, #tpu.memory_space<vmem_shared>>) target_semaphore(%run_scoped3A : memref<!tpu.dma_semaphore, #tpu.memory_space<semaphore_mem>>)
      %dma_wait3A_149 = arith.constant 0 : i32
      %dma_wait3A_150 = tpu.memref_slice %arg21[%add3A_91, %dma_wait3A_149] : memref<10000x128xf32, #tpu.memory_space<vmem_shared>> -> memref<128x128xf32, #tpu.memory_space<vmem_shared>>
      %dma_wait3A_151 = arith.constant 0 : i32
      %dma_wait3A_152 = tpu.memref_slice %arg21[%add3A_91, %dma_wait3A_151] : memref<10000x128xf32, #tpu.memory_space<vmem_shared>> -> memref<128x128xf32, #tpu.memory_space<vmem_shared>>
      tpu.wait_dma2 semaphore(%run_scoped3A : memref<!tpu.dma_semaphore, #tpu.memory_space<semaphore_mem>>) src(%arg18 : memref<128x128xf32, #tpu.memory_space<vmem>>) dst(%dma_wait3A_152 : memref<128x128xf32, #tpu.memory_space<vmem_shared>>)
      tpu.yield
    }) : () -> ()
    %mul3A_92 = arith.constant 624 : i32
    %mul3A_93 = arith.muli %arg1, %mul3A_92 : i32
    %add3A_94 = arith.constant 512 : i32
    %add3A_95 = arith.addi %mul3A_93, %add3A_94 : i32
    "tpu.region"() ({
      %run_scoped3A = tpu.sem_alloc : memref<!tpu.dma_semaphore, #tpu.memory_space<semaphore_mem>>
      %dma_start3A_145 = arith.constant 0 : i32
      %dma_start3A_146 = arith.constant 0 : i32
      %dma_start3A_147 = tpu.memref_slice %arg18[%dma_start3A_145, %dma_start3A_146] : memref<128x128xf32, #tpu.memory_space<vmem>> -> memref<112x128xf32, #tpu.memory_space<vmem>>
      %dma_start3A_148 = arith.constant 0 : i32
      %dma_start3A_149 = tpu.memref_slice %arg21[%add3A_95, %dma_start3A_148] : memref<10000x128xf32, #tpu.memory_space<vmem_shared>> -> memref<112x128xf32, #tpu.memory_space<vmem_shared>>
      %dma_start3A_150 = arith.constant 0 : i32
      %dma_start3A_151 = tpu.memref_slice %arg21[%add3A_95, %dma_start3A_150] : memref<10000x128xf32, #tpu.memory_space<vmem_shared>> -> memref<112x128xf32, #tpu.memory_space<vmem_shared>>
      %dma_start3A_152 = arith.constant 0 : i32
      %dma_start3A_153 = arith.constant 0 : i32
      %dma_start3A_154 = tpu.memref_slice %arg18[%dma_start3A_152, %dma_start3A_153] : memref<128x128xf32, #tpu.memory_space<vmem>> -> memref<112x128xf32, #tpu.memory_space<vmem>>
      tpu.enqueue_dma source(%dma_start3A_154 : memref<112x128xf32, #tpu.memory_space<vmem>>) target(%dma_start3A_151 : memref<112x128xf32, #tpu.memory_space<vmem_shared>>) target_semaphore(%run_scoped3A : memref<!tpu.dma_semaphore, #tpu.memory_space<semaphore_mem>>)
      %dma_wait3A_155 = arith.constant 0 : i32
      %dma_wait3A_156 = arith.constant 0 : i32
      %dma_wait3A_157 = tpu.memref_slice %arg18[%dma_wait3A_155, %dma_wait3A_156] : memref<128x128xf32, #tpu.memory_space<vmem>> -> memref<112x128xf32, #tpu.memory_space<vmem>>
      %dma_wait3A_158 = arith.constant 0 : i32
      %dma_wait3A_159 = tpu.memref_slice %arg21[%add3A_95, %dma_wait3A_158] : memref<10000x128xf32, #tpu.memory_space<vmem_shared>> -> memref<112x128xf32, #tpu.memory_space<vmem_shared>>
      %dma_wait3A_160 = arith.constant 0 : i32
      %dma_wait3A_161 = tpu.memref_slice %arg21[%add3A_95, %dma_wait3A_160] : memref<10000x128xf32, #tpu.memory_space<vmem_shared>> -> memref<112x128xf32, #tpu.memory_space<vmem_shared>>
      %dma_wait3A_162 = arith.constant 0 : i32
      %dma_wait3A_163 = arith.constant 0 : i32
      %dma_wait3A_164 = tpu.memref_slice %arg18[%dma_wait3A_162, %dma_wait3A_163] : memref<128x128xf32, #tpu.memory_space<vmem>> -> memref<112x128xf32, #tpu.memory_space<vmem>>
      tpu.wait_dma2 semaphore(%run_scoped3A : memref<!tpu.dma_semaphore, #tpu.memory_space<semaphore_mem>>) src(%dma_wait3A_164 : memref<112x128xf32, #tpu.memory_space<vmem>>) dst(%dma_wait3A_161 : memref<112x128xf32, #tpu.memory_space<vmem_shared>>)
      tpu.yield
    }) : () -> ()
    %eq3A = arith.constant 15 : i32
    %eq3A_96 = arith.cmpi eq, %arg1, %eq3A : i32
    %convert_element_type3A = arith.extui %eq3A_96 : i1 to i32
    %cond3A = arith.constant 0 : i32
    %cond3A_97 = arith.cmpi ne, %convert_element_type3A, %cond3A : i32
    scf.if %cond3A_97 {
      "tpu.region"() ({
        %run_scoped3A = tpu.sem_alloc : memref<!tpu.dma_semaphore, #tpu.memory_space<semaphore_mem>>
        %dma_start3A_145 = arith.constant 0 : i32
        %dma_start3A_146 = arith.constant 0 : i32
        %dma_start3A_147 = tpu.memref_slice %arg18[%dma_start3A_145, %dma_start3A_146] : memref<128x128xf32, #tpu.memory_space<vmem>> -> memref<16x128xf32, #tpu.memory_space<vmem>>
        %dma_start3A_148 = arith.constant 9984 : i32
        %dma_start3A_149 = arith.constant 0 : i32
        %dma_start3A_150 = tpu.memref_slice %arg21[%dma_start3A_148, %dma_start3A_149] : memref<10000x128xf32, #tpu.memory_space<vmem_shared>> -> memref<16x128xf32, #tpu.memory_space<vmem_shared>>
        %dma_start3A_151 = arith.constant 9984 : i32
        %dma_start3A_152 = arith.constant 0 : i32
        %dma_start3A_153 = tpu.memref_slice %arg21[%dma_start3A_151, %dma_start3A_152] : memref<10000x128xf32, #tpu.memory_space<vmem_shared>> -> memref<16x128xf32, #tpu.memory_space<vmem_shared>>
        %dma_start3A_154 = arith.constant 0 : i32
        %dma_start3A_155 = arith.constant 0 : i32
        %dma_start3A_156 = tpu.memref_slice %arg18[%dma_start3A_154, %dma_start3A_155] : memref<128x128xf32, #tpu.memory_space<vmem>> -> memref<16x128xf32, #tpu.memory_space<vmem>>
        tpu.enqueue_dma source(%dma_start3A_156 : memref<16x128xf32, #tpu.memory_space<vmem>>) target(%dma_start3A_153 : memref<16x128xf32, #tpu.memory_space<vmem_shared>>) target_semaphore(%run_scoped3A : memref<!tpu.dma_semaphore, #tpu.memory_space<semaphore_mem>>)
        %dma_wait3A_157 = arith.constant 0 : i32
        %dma_wait3A_158 = arith.constant 0 : i32
        %dma_wait3A_159 = tpu.memref_slice %arg18[%dma_wait3A_157, %dma_wait3A_158] : memref<128x128xf32, #tpu.memory_space<vmem>> -> memref<16x128xf32, #tpu.memory_space<vmem>>
        %dma_wait3A_160 = arith.constant 9984 : i32
        %dma_wait3A_161 = arith.constant 0 : i32
        %dma_wait3A_162 = tpu.memref_slice %arg21[%dma_wait3A_160, %dma_wait3A_161] : memref<10000x128xf32, #tpu.memory_space<vmem_shared>> -> memref<16x128xf32, #tpu.memory_space<vmem_shared>>
        %dma_wait3A_163 = arith.constant 9984 : i32
        %dma_wait3A_164 = arith.constant 0 : i32
        %dma_wait3A_165 = tpu.memref_slice %arg21[%dma_wait3A_163, %dma_wait3A_164] : memref<10000x128xf32, #tpu.memory_space<vmem_shared>> -> memref<16x128xf32, #tpu.memory_space<vmem_shared>>
        %dma_wait3A_166 = arith.constant 0 : i32
        %dma_wait3A_167 = arith.constant 0 : i32
        %dma_wait3A_168 = tpu.memref_slice %arg18[%dma_wait3A_166, %dma_wait3A_167] : memref<128x128xf32, #tpu.memory_space<vmem>> -> memref<16x128xf32, #tpu.memory_space<vmem>>
        tpu.wait_dma2 semaphore(%run_scoped3A : memref<!tpu.dma_semaphore, #tpu.memory_space<semaphore_mem>>) src(%dma_wait3A_168 : memref<16x128xf32, #tpu.memory_space<vmem>>) dst(%dma_wait3A_165 : memref<16x128xf32, #tpu.memory_space<vmem_shared>>)
        tpu.yield
      }) : () -> ()
    } else {
    }
    %barrier3A = arith.constant 0 : index
    tpu.barrier barrier_id(%barrier3A)
    %scan3A_98 = arith.constant 0 : i32
    %scan3A_99 = arith.constant 13 : i32
    %scan3A_100 = arith.addi %scan3A_98, %scan3A_99 : i32
    %scan3A_101 = arith.constant 1 : i32
    scf.for %scan3A_145 = %scan3A_98 to %scan3A_100 step %scan3A_101  : i32 {
      %mul3A_146 = arith.constant 6 : i32
      %mul3A_147 = arith.muli %scan3A_145, %mul3A_146 : i32
      %add3A_148 = arith.constant 0 : i32
      %add3A_149 = arith.addi %mul3A_147, %add3A_148 : i32
      %dma_wait3A_150 = arith.constant 0 : i32
      %dma_wait3A_151 = tpu.memref_slice %arg2[%dma_wait3A_150] : memref<640000xi32, #tpu.memory_space<hbm>> -> memref<128xi32, #tpu.memory_space<hbm>>
      %dma_wait3A_152 = arith.constant 0 : i32
      %dma_wait3A_153 = tpu.memref_slice %arg2[%dma_wait3A_152] : memref<640000xi32, #tpu.memory_space<hbm>> -> memref<128xi32, #tpu.memory_space<hbm>>
      tpu.wait_dma2 semaphore(%arg28 : memref<!tpu.dma_semaphore, #tpu.memory_space<semaphore_mem>>) src(%dma_wait3A_153 : memref<128xi32, #tpu.memory_space<hbm>>) dst(%arg12 : memref<128xi32, #tpu.memory_space<vmem>>)
      %dma_wait3A_154 = arith.constant 0 : i32
      %dma_wait3A_155 = tpu.memref_slice %arg2[%dma_wait3A_154] : memref<640000xi32, #tpu.memory_space<hbm>> -> memref<128xi32, #tpu.memory_space<hbm>>
      %dma_wait3A_156 = arith.constant 0 : i32
      %dma_wait3A_157 = tpu.memref_slice %arg2[%dma_wait3A_156] : memref<640000xi32, #tpu.memory_space<hbm>> -> memref<128xi32, #tpu.memory_space<hbm>>
      tpu.wait_dma2 semaphore(%arg28 : memref<!tpu.dma_semaphore, #tpu.memory_space<semaphore_mem>>) src(%dma_wait3A_157 : memref<128xi32, #tpu.memory_space<hbm>>) dst(%arg15 : memref<128xi32, #tpu.memory_space<vmem>>)
      %dma_wait3A_158 = arith.constant 0 : i32
      %dma_wait3A_159 = tpu.memref_slice %arg2[%dma_wait3A_158] : memref<640000xi32, #tpu.memory_space<hbm>> -> memref<128xi32, #tpu.memory_space<hbm>>
      %dma_wait3A_160 = arith.constant 0 : i32
      %dma_wait3A_161 = tpu.memref_slice %arg2[%dma_wait3A_160] : memref<640000xi32, #tpu.memory_space<hbm>> -> memref<128xi32, #tpu.memory_space<hbm>>
      tpu.wait_dma2 semaphore(%arg22 : memref<!tpu.dma_semaphore, #tpu.memory_space<semaphore_mem>>) src(%dma_wait3A_161 : memref<128xi32, #tpu.memory_space<hbm>>) dst(%arg6 : memref<128xi32, #tpu.memory_space<vmem>>)
      %get3A = arith.constant 0 : index
      %get3A_162 = tpu.vector_load %arg15[%get3A] {strides = array<i32>} : memref<128xi32, #tpu.memory_space<vmem>>, vector<16xi32>,
      %get3A_163 = vector.shape_cast %get3A_162 : vector<16xi32> to vector<16xi32>
      %mul3A_164 = arith.constant 10000 : i32
      %mul3A_165 = vector.broadcast %mul3A_164 : i32 to vector<16xi32>
      %mul3A_166 = arith.muli %get3A_163, %mul3A_165 : vector<16xi32>
      %get3A_167 = arith.constant 0 : index
      %get3A_168 = tpu.vector_load %arg12[%get3A_167] {strides = array<i32>} : memref<128xi32, #tpu.memory_space<vmem>>, vector<16xi32>,
      %get3A_169 = vector.shape_cast %get3A_168 : vector<16xi32> to vector<16xi32>
      %add3A_170 = arith.addi %mul3A_166, %get3A_169 : vector<16xi32>
      %swap3A = arith.constant 0 : index
      %swap3A_171 = tpu.vector_load %arg15[%swap3A] {strides = array<i32>} : memref<128xi32, #tpu.memory_space<vmem>>, vector<16xi32>,
      %swap3A_172 = vector.shape_cast %swap3A_171 : vector<16xi32> to vector<16xi32>
      %swap3A_173 = vector.shape_cast %add3A_170 : vector<16xi32> to vector<16xi32>
      tpu.vector_store %arg15[%swap3A], %swap3A_173 {strides = array<i32>} : memref<128xi32, #tpu.memory_space<vmem>>, vector<16xi32>,
      %get3A_174 = arith.constant 16 : index
      %get3A_175 = tpu.vector_load %arg15[%get3A_174] {strides = array<i32>} : memref<128xi32, #tpu.memory_space<vmem>>, vector<16xi32>,
      %get3A_176 = vector.shape_cast %get3A_175 : vector<16xi32> to vector<16xi32>
      %mul3A_177 = arith.constant 10000 : i32
      %mul3A_178 = vector.broadcast %mul3A_177 : i32 to vector<16xi32>
      %mul3A_179 = arith.muli %get3A_176, %mul3A_178 : vector<16xi32>
      %get3A_180 = arith.constant 16 : index
      %get3A_181 = tpu.vector_load %arg12[%get3A_180] {strides = array<i32>} : memref<128xi32, #tpu.memory_space<vmem>>, vector<16xi32>,
      %get3A_182 = vector.shape_cast %get3A_181 : vector<16xi32> to vector<16xi32>
      %add3A_183 = arith.addi %mul3A_179, %get3A_182 : vector<16xi32>
      %swap3A_184 = arith.constant 16 : index
      %swap3A_185 = tpu.vector_load %arg15[%swap3A_184] {strides = array<i32>} : memref<128xi32, #tpu.memory_space<vmem>>, vector<16xi32>,
      %swap3A_186 = vector.shape_cast %swap3A_185 : vector<16xi32> to vector<16xi32>
      %swap3A_187 = vector.shape_cast %add3A_183 : vector<16xi32> to vector<16xi32>
      tpu.vector_store %arg15[%swap3A_184], %swap3A_187 {strides = array<i32>} : memref<128xi32, #tpu.memory_space<vmem>>, vector<16xi32>,
      %get3A_188 = arith.constant 32 : index
      %get3A_189 = tpu.vector_load %arg15[%get3A_188] {strides = array<i32>} : memref<128xi32, #tpu.memory_space<vmem>>, vector<16xi32>,
      %get3A_190 = vector.shape_cast %get3A_189 : vector<16xi32> to vector<16xi32>
      %mul3A_191 = arith.constant 10000 : i32
      %mul3A_192 = vector.broadcast %mul3A_191 : i32 to vector<16xi32>
      %mul3A_193 = arith.muli %get3A_190, %mul3A_192 : vector<16xi32>
      %get3A_194 = arith.constant 32 : index
      %get3A_195 = tpu.vector_load %arg12[%get3A_194] {strides = array<i32>} : memref<128xi32, #tpu.memory_space<vmem>>, vector<16xi32>,
      %get3A_196 = vector.shape_cast %get3A_195 : vector<16xi32> to vector<16xi32>
      %add3A_197 = arith.addi %mul3A_193, %get3A_196 : vector<16xi32>
      %swap3A_198 = arith.constant 32 : index
      %swap3A_199 = tpu.vector_load %arg15[%swap3A_198] {strides = array<i32>} : memref<128xi32, #tpu.memory_space<vmem>>, vector<16xi32>,
      %swap3A_200 = vector.shape_cast %swap3A_199 : vector<16xi32> to vector<16xi32>
      %swap3A_201 = vector.shape_cast %add3A_197 : vector<16xi32> to vector<16xi32>
      tpu.vector_store %arg15[%swap3A_198], %swap3A_201 {strides = array<i32>} : memref<128xi32, #tpu.memory_space<vmem>>, vector<16xi32>,
      %get3A_202 = arith.constant 48 : index
      %get3A_203 = tpu.vector_load %arg15[%get3A_202] {strides = array<i32>} : memref<128xi32, #tpu.memory_space<vmem>>, vector<16xi32>,
      %get3A_204 = vector.shape_cast %get3A_203 : vector<16xi32> to vector<16xi32>
      %mul3A_205 = arith.constant 10000 : i32
      %mul3A_206 = vector.broadcast %mul3A_205 : i32 to vector<16xi32>
      %mul3A_207 = arith.muli %get3A_204, %mul3A_206 : vector<16xi32>
      %get3A_208 = arith.constant 48 : index
      %get3A_209 = tpu.vector_load %arg12[%get3A_208] {strides = array<i32>} : memref<128xi32, #tpu.memory_space<vmem>>, vector<16xi32>,
      %get3A_210 = vector.shape_cast %get3A_209 : vector<16xi32> to vector<16xi32>
      %add3A_211 = arith.addi %mul3A_207, %get3A_210 : vector<16xi32>
      %swap3A_212 = arith.constant 48 : index
      %swap3A_213 = tpu.vector_load %arg15[%swap3A_212] {strides = array<i32>} : memref<128xi32, #tpu.memory_space<vmem>>, vector<16xi32>,
      %swap3A_214 = vector.shape_cast %swap3A_213 : vector<16xi32> to vector<16xi32>
      %swap3A_215 = vector.shape_cast %add3A_211 : vector<16xi32> to vector<16xi32>
      tpu.vector_store %arg15[%swap3A_212], %swap3A_215 {strides = array<i32>} : memref<128xi32, #tpu.memory_space<vmem>>, vector<16xi32>,
      %get3A_216 = arith.constant 64 : index
      %get3A_217 = tpu.vector_load %arg15[%get3A_216] {strides = array<i32>} : memref<128xi32, #tpu.memory_space<vmem>>, vector<16xi32>,
      %get3A_218 = vector.shape_cast %get3A_217 : vector<16xi32> to vector<16xi32>
      %mul3A_219 = arith.constant 10000 : i32
      %mul3A_220 = vector.broadcast %mul3A_219 : i32 to vector<16xi32>
      %mul3A_221 = arith.muli %get3A_218, %mul3A_220 : vector<16xi32>
      %get3A_222 = arith.constant 64 : index
      %get3A_223 = tpu.vector_load %arg12[%get3A_222] {strides = array<i32>} : memref<128xi32, #tpu.memory_space<vmem>>, vector<16xi32>,
      %get3A_224 = vector.shape_cast %get3A_223 : vector<16xi32> to vector<16xi32>
      %add3A_225 = arith.addi %mul3A_221, %get3A_224 : vector<16xi32>
      %swap3A_226 = arith.constant 64 : index
      %swap3A_227 = tpu.vector_load %arg15[%swap3A_226] {strides = array<i32>} : memref<128xi32, #tpu.memory_space<vmem>>, vector<16xi32>,
      %swap3A_228 = vector.shape_cast %swap3A_227 : vector<16xi32> to vector<16xi32>
      %swap3A_229 = vector.shape_cast %add3A_225 : vector<16xi32> to vector<16xi32>
      tpu.vector_store %arg15[%swap3A_226], %swap3A_229 {strides = array<i32>} : memref<128xi32, #tpu.memory_space<vmem>>, vector<16xi32>,
      %get3A_230 = arith.constant 80 : index
      %get3A_231 = tpu.vector_load %arg15[%get3A_230] {strides = array<i32>} : memref<128xi32, #tpu.memory_space<vmem>>, vector<16xi32>,
      %get3A_232 = vector.shape_cast %get3A_231 : vector<16xi32> to vector<16xi32>
      %mul3A_233 = arith.constant 10000 : i32
      %mul3A_234 = vector.broadcast %mul3A_233 : i32 to vector<16xi32>
      %mul3A_235 = arith.muli %get3A_232, %mul3A_234 : vector<16xi32>
      %get3A_236 = arith.constant 80 : index
      %get3A_237 = tpu.vector_load %arg12[%get3A_236] {strides = array<i32>} : memref<128xi32, #tpu.memory_space<vmem>>, vector<16xi32>,
      %get3A_238 = vector.shape_cast %get3A_237 : vector<16xi32> to vector<16xi32>
      %add3A_239 = arith.addi %mul3A_235, %get3A_238 : vector<16xi32>
      %swap3A_240 = arith.constant 80 : index
      %swap3A_241 = tpu.vector_load %arg15[%swap3A_240] {strides = array<i32>} : memref<128xi32, #tpu.memory_space<vmem>>, vector<16xi32>,
      %swap3A_242 = vector.shape_cast %swap3A_241 : vector<16xi32> to vector<16xi32>
      %swap3A_243 = vector.shape_cast %add3A_239 : vector<16xi32> to vector<16xi32>
      tpu.vector_store %arg15[%swap3A_240], %swap3A_243 {strides = array<i32>} : memref<128xi32, #tpu.memory_space<vmem>>, vector<16xi32>,
      %get3A_244 = arith.constant 96 : index
      %get3A_245 = tpu.vector_load %arg15[%get3A_244] {strides = array<i32>} : memref<128xi32, #tpu.memory_space<vmem>>, vector<16xi32>,
      %get3A_246 = vector.shape_cast %get3A_245 : vector<16xi32> to vector<16xi32>
      %mul3A_247 = arith.constant 10000 : i32
      %mul3A_248 = vector.broadcast %mul3A_247 : i32 to vector<16xi32>
      %mul3A_249 = arith.muli %get3A_246, %mul3A_248 : vector<16xi32>
      %get3A_250 = arith.constant 96 : index
      %get3A_251 = tpu.vector_load %arg12[%get3A_250] {strides = array<i32>} : memref<128xi32, #tpu.memory_space<vmem>>, vector<16xi32>,
      %get3A_252 = vector.shape_cast %get3A_251 : vector<16xi32> to vector<16xi32>
      %add3A_253 = arith.addi %mul3A_249, %get3A_252 : vector<16xi32>
      %swap3A_254 = arith.constant 96 : index
      %swap3A_255 = tpu.vector_load %arg15[%swap3A_254] {strides = array<i32>} : memref<128xi32, #tpu.memory_space<vmem>>, vector<16xi32>,
      %swap3A_256 = vector.shape_cast %swap3A_255 : vector<16xi32> to vector<16xi32>
      %swap3A_257 = vector.shape_cast %add3A_253 : vector<16xi32> to vector<16xi32>
      tpu.vector_store %arg15[%swap3A_254], %swap3A_257 {strides = array<i32>} : memref<128xi32, #tpu.memory_space<vmem>>, vector<16xi32>,
      %get3A_258 = arith.constant 112 : index
      %get3A_259 = tpu.vector_load %arg15[%get3A_258] {strides = array<i32>} : memref<128xi32, #tpu.memory_space<vmem>>, vector<16xi32>,
      %get3A_260 = vector.shape_cast %get3A_259 : vector<16xi32> to vector<16xi32>
      %mul3A_261 = arith.constant 10000 : i32
      %mul3A_262 = vector.broadcast %mul3A_261 : i32 to vector<16xi32>
      %mul3A_263 = arith.muli %get3A_260, %mul3A_262 : vector<16xi32>
      %get3A_264 = arith.constant 112 : index
      %get3A_265 = tpu.vector_load %arg12[%get3A_264] {strides = array<i32>} : memref<128xi32, #tpu.memory_space<vmem>>, vector<16xi32>,
      %get3A_266 = vector.shape_cast %get3A_265 : vector<16xi32> to vector<16xi32>
      %add3A_267 = arith.addi %mul3A_263, %get3A_266 : vector<16xi32>
      %swap3A_268 = arith.constant 112 : index
      %swap3A_269 = tpu.vector_load %arg15[%swap3A_268] {strides = array<i32>} : memref<128xi32, #tpu.memory_space<vmem>>, vector<16xi32>,
      %swap3A_270 = vector.shape_cast %swap3A_269 : vector<16xi32> to vector<16xi32>
      %swap3A_271 = vector.shape_cast %add3A_267 : vector<16xi32> to vector<16xi32>
      tpu.vector_store %arg15[%swap3A_268], %swap3A_271 {strides = array<i32>} : memref<128xi32, #tpu.memory_space<vmem>>, vector<16xi32>,
      %gt3A = arith.constant 0 : i32
      %gt3A_272 = arith.cmpi sgt, %scan3A_145, %gt3A : i32
      %convert_element_type3A_273 = arith.extui %gt3A_272 : i1 to i32
      %cond3A_274 = arith.constant 0 : i32
      %cond3A_275 = arith.cmpi ne, %convert_element_type3A_273, %cond3A_274 : i32
      scf.if %cond3A_275 {
        %dma_wait3A_1026 = arith.constant 0 : i32
        %dma_wait3A_1027 = arith.constant 0 : i32
        %dma_wait3A_1028 = tpu.memref_slice %arg21[%dma_wait3A_1026, %dma_wait3A_1027] : memref<10000x128xf32, #tpu.memory_space<vmem_shared>> -> memref<10000x128xf32, #tpu.memory_space<vmem_shared>>
        tpu.wait_indirect_dma semaphore(%arg34 : memref<!tpu.dma_semaphore, #tpu.memory_space<semaphore_mem>>) src(%arg18 : memref<128x128xf32, #tpu.memory_space<vmem>>) dst(%dma_wait3A_1028 : memref<10000x128xf32, #tpu.memory_space<vmem_shared>>)
        %add3A_1029 = arith.constant 3 : i32
        %add3A_1030 = arith.addi %add3A_149, %add3A_1029 : i32
        %mul3A_1031 = arith.constant 32 : i32
        %mul3A_1032 = arith.muli %mul3A_1031, %add3A_1030 : i32
        %add3A_1033 = arith.addi %add3A, %mul3A_1032 : i32
        %mul3A_1034 = arith.constant 128 : i32
        %mul3A_1035 = arith.muli %add3A_1033, %mul3A_1034 : i32
        %add3A_1036 = arith.constant 320000 : i32
        %add3A_1037 = arith.addi %add3A_1036, %mul3A_1035 : i32
        %dma_start3A_1038 = tpu.memref_slice %arg2[%add3A_1037] : memref<640000xi32, #tpu.memory_space<hbm>> -> memref<128xi32, #tpu.memory_space<hbm>>
        %dma_start3A_1039 = tpu.memref_slice %arg2[%add3A_1037] : memref<640000xi32, #tpu.memory_space<hbm>> -> memref<128xi32, #tpu.memory_space<hbm>>
        tpu.enqueue_dma source(%dma_start3A_1039 : memref<128xi32, #tpu.memory_space<hbm>>) target(%arg9 : memref<128xi32, #tpu.memory_space<vmem>>) target_semaphore(%arg25 : memref<!tpu.dma_semaphore, #tpu.memory_space<semaphore_mem>>)
      } else {
      }
      %gt3A_276 = arith.constant 0 : i32
      %gt3A_277 = arith.cmpi sgt, %scan3A_145, %gt3A_276 : i32
      %convert_element_type3A_278 = arith.extui %gt3A_277 : i1 to i32
      %cond3A_279 = arith.constant 0 : i32
      %cond3A_280 = arith.cmpi ne, %convert_element_type3A_278, %cond3A_279 : i32
      scf.if %cond3A_280 {
        %dma_wait3A_1026 = arith.constant 0 : i32
        %dma_wait3A_1027 = arith.constant 0 : i32
        %dma_wait3A_1028 = tpu.memref_slice %arg4[%dma_wait3A_1026, %dma_wait3A_1027] : memref<40000x128xf32, #tpu.memory_space<hbm>> -> memref<40000x128xf32, #tpu.memory_space<hbm>>
        tpu.wait_indirect_dma semaphore(%arg32 : memref<!tpu.dma_semaphore, #tpu.memory_space<semaphore_mem>>) src(%dma_wait3A_1028 : memref<40000x128xf32, #tpu.memory_space<hbm>>) dst(%arg19 : memref<128x128xf32, #tpu.memory_space<vmem>>)
        %dma_start3A_1029 = arith.constant 0 : i32
        %dma_start3A_1030 = arith.constant 0 : i32
        %dma_start3A_1031 = tpu.memref_slice %arg21[%dma_start3A_1029, %dma_start3A_1030] : memref<10000x128xf32, #tpu.memory_space<vmem_shared>> -> memref<10000x128xf32, #tpu.memory_space<vmem_shared>>
        tpu.enqueue_indirect_dma source(%arg19 : memref<128x128xf32, #tpu.memory_space<vmem>>) target(%dma_start3A_1031 : memref<10000x128xf32, #tpu.memory_space<vmem_shared>>) offsets(%arg10 : memref<128xi32, #tpu.memory_space<vmem>>) semaphore(%arg34 : memref<!tpu.dma_semaphore, #tpu.memory_space<semaphore_mem>>) {add = true}
        %add3A_1032 = arith.constant 1 : i32
        %add3A_1033 = arith.addi %add3A_149, %add3A_1032 : i32
        %lt3A_1034 = arith.constant 78 : i32
        %lt3A_1035 = arith.cmpi slt, %add3A_1033, %lt3A_1034 : i32
        %convert_element_type3A_1036 = arith.extui %lt3A_1035 : i1 to i32
        %cond3A_1037 = arith.constant 0 : i32
        %cond3A_1038 = arith.cmpi ne, %convert_element_type3A_1036, %cond3A_1037 : i32
        scf.if %cond3A_1038 {
          %add3A_1039 = arith.constant 1 : i32
          %add3A_1040 = arith.addi %add3A_149, %add3A_1039 : i32
          %mul3A_1041 = arith.constant 32 : i32
          %mul3A_1042 = arith.muli %mul3A_1041, %add3A_1040 : i32
          %add3A_1043 = arith.addi %add3A, %mul3A_1042 : i32
          %mul3A_1044 = arith.constant 128 : i32
          %mul3A_1045 = arith.muli %add3A_1043, %mul3A_1044 : i32
          %dma_start3A_1046 = tpu.memref_slice %arg2[%mul3A_1045] : memref<640000xi32, #tpu.memory_space<hbm>> -> memref<128xi32, #tpu.memory_space<hbm>>
          %dma_start3A_1047 = tpu.memref_slice %arg2[%mul3A_1045] : memref<640000xi32, #tpu.memory_space<hbm>> -> memref<128xi32, #tpu.memory_space<hbm>>
          tpu.enqueue_dma source(%dma_start3A_1047 : memref<128xi32, #tpu.memory_space<hbm>>) target(%arg13 : memref<128xi32, #tpu.memory_space<vmem>>) target_semaphore(%arg29 : memref<!tpu.dma_semaphore, #tpu.memory_space<semaphore_mem>>)
          %dma_start3A_1048 = tpu.memref_slice %arg3[%mul3A_1045] : memref<320000xi32, #tpu.memory_space<hbm>> -> memref<128xi32, #tpu.memory_space<hbm>>
          %dma_start3A_1049 = tpu.memref_slice %arg3[%mul3A_1045] : memref<320000xi32, #tpu.memory_space<hbm>> -> memref<128xi32, #tpu.memory_space<hbm>>
          tpu.enqueue_dma source(%dma_start3A_1049 : memref<128xi32, #tpu.memory_space<hbm>>) target(%arg16 : memref<128xi32, #tpu.memory_space<vmem>>) target_semaphore(%arg29 : memref<!tpu.dma_semaphore, #tpu.memory_space<semaphore_mem>>)
        } else {
        }
      } else {
      }
      %dma_start3A_281 = arith.constant 0 : i32
      %dma_start3A_282 = arith.constant 0 : i32
      %dma_start3A_283 = tpu.memref_slice %arg4[%dma_start3A_281, %dma_start3A_282] : memref<40000x128xf32, #tpu.memory_space<hbm>> -> memref<40000x128xf32, #tpu.memory_space<hbm>>
      tpu.enqueue_indirect_dma source(%dma_start3A_283 : memref<40000x128xf32, #tpu.memory_space<hbm>>) target(%arg18 : memref<128x128xf32, #tpu.memory_space<vmem>>) offsets(%arg15 : memref<128xi32, #tpu.memory_space<vmem>>) semaphore(%arg31 : memref<!tpu.dma_semaphore, #tpu.memory_space<semaphore_mem>>)
      %add3A_284 = arith.constant 1 : i32
      %add3A_285 = arith.addi %mul3A_147, %add3A_284 : i32
      %dma_wait3A_286 = arith.constant 0 : i32
      %dma_wait3A_287 = tpu.memref_slice %arg2[%dma_wait3A_286] : memref<640000xi32, #tpu.memory_space<hbm>> -> memref<128xi32, #tpu.memory_space<hbm>>
      %dma_wait3A_288 = arith.constant 0 : i32
      %dma_wait3A_289 = tpu.memref_slice %arg2[%dma_wait3A_288] : memref<640000xi32, #tpu.memory_space<hbm>> -> memref<128xi32, #tpu.memory_space<hbm>>
      tpu.wait_dma2 semaphore(%arg29 : memref<!tpu.dma_semaphore, #tpu.memory_space<semaphore_mem>>) src(%dma_wait3A_289 : memref<128xi32, #tpu.memory_space<hbm>>) dst(%arg13 : memref<128xi32, #tpu.memory_space<vmem>>)
      %dma_wait3A_290 = arith.constant 0 : i32
      %dma_wait3A_291 = tpu.memref_slice %arg2[%dma_wait3A_290] : memref<640000xi32, #tpu.memory_space<hbm>> -> memref<128xi32, #tpu.memory_space<hbm>>
      %dma_wait3A_292 = arith.constant 0 : i32
      %dma_wait3A_293 = tpu.memref_slice %arg2[%dma_wait3A_292] : memref<640000xi32, #tpu.memory_space<hbm>> -> memref<128xi32, #tpu.memory_space<hbm>>
      tpu.wait_dma2 semaphore(%arg29 : memref<!tpu.dma_semaphore, #tpu.memory_space<semaphore_mem>>) src(%dma_wait3A_293 : memref<128xi32, #tpu.memory_space<hbm>>) dst(%arg16 : memref<128xi32, #tpu.memory_space<vmem>>)
      %dma_wait3A_294 = arith.constant 0 : i32
      %dma_wait3A_295 = tpu.memref_slice %arg2[%dma_wait3A_294] : memref<640000xi32, #tpu.memory_space<hbm>> -> memref<128xi32, #tpu.memory_space<hbm>>
      %dma_wait3A_296 = arith.constant 0 : i32
      %dma_wait3A_297 = tpu.memref_slice %arg2[%dma_wait3A_296] : memref<640000xi32, #tpu.memory_space<hbm>> -> memref<128xi32, #tpu.memory_space<hbm>>
      tpu.wait_dma2 semaphore(%arg23 : memref<!tpu.dma_semaphore, #tpu.memory_space<semaphore_mem>>) src(%dma_wait3A_297 : memref<128xi32, #tpu.memory_space<hbm>>) dst(%arg7 : memref<128xi32, #tpu.memory_space<vmem>>)
      %get3A_298 = arith.constant 0 : index
      %get3A_299 = tpu.vector_load %arg16[%get3A_298] {strides = array<i32>} : memref<128xi32, #tpu.memory_space<vmem>>, vector<16xi32>,
      %get3A_300 = vector.shape_cast %get3A_299 : vector<16xi32> to vector<16xi32>
      %mul3A_301 = arith.constant 10000 : i32
      %mul3A_302 = vector.broadcast %mul3A_301 : i32 to vector<16xi32>
      %mul3A_303 = arith.muli %get3A_300, %mul3A_302 : vector<16xi32>
      %get3A_304 = arith.constant 0 : index
      %get3A_305 = tpu.vector_load %arg13[%get3A_304] {strides = array<i32>} : memref<128xi32, #tpu.memory_space<vmem>>, vector<16xi32>,
      %get3A_306 = vector.shape_cast %get3A_305 : vector<16xi32> to vector<16xi32>
      %add3A_307 = arith.addi %mul3A_303, %get3A_306 : vector<16xi32>
      %swap3A_308 = arith.constant 0 : index
      %swap3A_309 = tpu.vector_load %arg16[%swap3A_308] {strides = array<i32>} : memref<128xi32, #tpu.memory_space<vmem>>, vector<16xi32>,
      %swap3A_310 = vector.shape_cast %swap3A_309 : vector<16xi32> to vector<16xi32>
      %swap3A_311 = vector.shape_cast %add3A_307 : vector<16xi32> to vector<16xi32>
      tpu.vector_store %arg16[%swap3A_308], %swap3A_311 {strides = array<i32>} : memref<128xi32, #tpu.memory_space<vmem>>, vector<16xi32>,
      %get3A_312 = arith.constant 16 : index
      %get3A_313 = tpu.vector_load %arg16[%get3A_312] {strides = array<i32>} : memref<128xi32, #tpu.memory_space<vmem>>, vector<16xi32>,
      %get3A_314 = vector.shape_cast %get3A_313 : vector<16xi32> to vector<16xi32>
      %mul3A_315 = arith.constant 10000 : i32
      %mul3A_316 = vector.broadcast %mul3A_315 : i32 to vector<16xi32>
      %mul3A_317 = arith.muli %get3A_314, %mul3A_316 : vector<16xi32>
      %get3A_318 = arith.constant 16 : index
      %get3A_319 = tpu.vector_load %arg13[%get3A_318] {strides = array<i32>} : memref<128xi32, #tpu.memory_space<vmem>>, vector<16xi32>,
      %get3A_320 = vector.shape_cast %get3A_319 : vector<16xi32> to vector<16xi32>
      %add3A_321 = arith.addi %mul3A_317, %get3A_320 : vector<16xi32>
      %swap3A_322 = arith.constant 16 : index
      %swap3A_323 = tpu.vector_load %arg16[%swap3A_322] {strides = array<i32>} : memref<128xi32, #tpu.memory_space<vmem>>, vector<16xi32>,
      %swap3A_324 = vector.shape_cast %swap3A_323 : vector<16xi32> to vector<16xi32>
      %swap3A_325 = vector.shape_cast %add3A_321 : vector<16xi32> to vector<16xi32>
      tpu.vector_store %arg16[%swap3A_322], %swap3A_325 {strides = array<i32>} : memref<128xi32, #tpu.memory_space<vmem>>, vector<16xi32>,
      %get3A_326 = arith.constant 32 : index
      %get3A_327 = tpu.vector_load %arg16[%get3A_326] {strides = array<i32>} : memref<128xi32, #tpu.memory_space<vmem>>, vector<16xi32>,
      %get3A_328 = vector.shape_cast %get3A_327 : vector<16xi32> to vector<16xi32>
      %mul3A_329 = arith.constant 10000 : i32
      %mul3A_330 = vector.broadcast %mul3A_329 : i32 to vector<16xi32>
      %mul3A_331 = arith.muli %get3A_328, %mul3A_330 : vector<16xi32>
      %get3A_332 = arith.constant 32 : index
      %get3A_333 = tpu.vector_load %arg13[%get3A_332] {strides = array<i32>} : memref<128xi32, #tpu.memory_space<vmem>>, vector<16xi32>,
      %get3A_334 = vector.shape_cast %get3A_333 : vector<16xi32> to vector<16xi32>
      %add3A_335 = arith.addi %mul3A_331, %get3A_334 : vector<16xi32>
      %swap3A_336 = arith.constant 32 : index
      %swap3A_337 = tpu.vector_load %arg16[%swap3A_336] {strides = array<i32>} : memref<128xi32, #tpu.memory_space<vmem>>, vector<16xi32>,
      %swap3A_338 = vector.shape_cast %swap3A_337 : vector<16xi32> to vector<16xi32>
      %swap3A_339 = vector.shape_cast %add3A_335 : vector<16xi32> to vector<16xi32>
      tpu.vector_store %arg16[%swap3A_336], %swap3A_339 {strides = array<i32>} : memref<128xi32, #tpu.memory_space<vmem>>, vector<16xi32>,
      %get3A_340 = arith.constant 48 : index
      %get3A_341 = tpu.vector_load %arg16[%get3A_340] {strides = array<i32>} : memref<128xi32, #tpu.memory_space<vmem>>, vector<16xi32>,
      %get3A_342 = vector.shape_cast %get3A_341 : vector<16xi32> to vector<16xi32>
      %mul3A_343 = arith.constant 10000 : i32
      %mul3A_344 = vector.broadcast %mul3A_343 : i32 to vector<16xi32>
      %mul3A_345 = arith.muli %get3A_342, %mul3A_344 : vector<16xi32>
      %get3A_346 = arith.constant 48 : index
      %get3A_347 = tpu.vector_load %arg13[%get3A_346] {strides = array<i32>} : memref<128xi32, #tpu.memory_space<vmem>>, vector<16xi32>,
      %get3A_348 = vector.shape_cast %get3A_347 : vector<16xi32> to vector<16xi32>
      %add3A_349 = arith.addi %mul3A_345, %get3A_348 : vector<16xi32>
      %swap3A_350 = arith.constant 48 : index
      %swap3A_351 = tpu.vector_load %arg16[%swap3A_350] {strides = array<i32>} : memref<128xi32, #tpu.memory_space<vmem>>, vector<16xi32>,
      %swap3A_352 = vector.shape_cast %swap3A_351 : vector<16xi32> to vector<16xi32>
      %swap3A_353 = vector.shape_cast %add3A_349 : vector<16xi32> to vector<16xi32>
      tpu.vector_store %arg16[%swap3A_350], %swap3A_353 {strides = array<i32>} : memref<128xi32, #tpu.memory_space<vmem>>, vector<16xi32>,
      %get3A_354 = arith.constant 64 : index
      %get3A_355 = tpu.vector_load %arg16[%get3A_354] {strides = array<i32>} : memref<128xi32, #tpu.memory_space<vmem>>, vector<16xi32>,
      %get3A_356 = vector.shape_cast %get3A_355 : vector<16xi32> to vector<16xi32>
      %mul3A_357 = arith.constant 10000 : i32
      %mul3A_358 = vector.broadcast %mul3A_357 : i32 to vector<16xi32>
      %mul3A_359 = arith.muli %get3A_356, %mul3A_358 : vector<16xi32>
      %get3A_360 = arith.constant 64 : index
      %get3A_361 = tpu.vector_load %arg13[%get3A_360] {strides = array<i32>} : memref<128xi32, #tpu.memory_space<vmem>>, vector<16xi32>,
      %get3A_362 = vector.shape_cast %get3A_361 : vector<16xi32> to vector<16xi32>
      %add3A_363 = arith.addi %mul3A_359, %get3A_362 : vector<16xi32>
      %swap3A_364 = arith.constant 64 : index
      %swap3A_365 = tpu.vector_load %arg16[%swap3A_364] {strides = array<i32>} : memref<128xi32, #tpu.memory_space<vmem>>, vector<16xi32>,
      %swap3A_366 = vector.shape_cast %swap3A_365 : vector<16xi32> to vector<16xi32>
      %swap3A_367 = vector.shape_cast %add3A_363 : vector<16xi32> to vector<16xi32>
      tpu.vector_store %arg16[%swap3A_364], %swap3A_367 {strides = array<i32>} : memref<128xi32, #tpu.memory_space<vmem>>, vector<16xi32>,
      %get3A_368 = arith.constant 80 : index
      %get3A_369 = tpu.vector_load %arg16[%get3A_368] {strides = array<i32>} : memref<128xi32, #tpu.memory_space<vmem>>, vector<16xi32>,
      %get3A_370 = vector.shape_cast %get3A_369 : vector<16xi32> to vector<16xi32>
      %mul3A_371 = arith.constant 10000 : i32
      %mul3A_372 = vector.broadcast %mul3A_371 : i32 to vector<16xi32>
      %mul3A_373 = arith.muli %get3A_370, %mul3A_372 : vector<16xi32>
      %get3A_374 = arith.constant 80 : index
      %get3A_375 = tpu.vector_load %arg13[%get3A_374] {strides = array<i32>} : memref<128xi32, #tpu.memory_space<vmem>>, vector<16xi32>,
      %get3A_376 = vector.shape_cast %get3A_375 : vector<16xi32> to vector<16xi32>
      %add3A_377 = arith.addi %mul3A_373, %get3A_376 : vector<16xi32>
      %swap3A_378 = arith.constant 80 : index
      %swap3A_379 = tpu.vector_load %arg16[%swap3A_378] {strides = array<i32>} : memref<128xi32, #tpu.memory_space<vmem>>, vector<16xi32>,
      %swap3A_380 = vector.shape_cast %swap3A_379 : vector<16xi32> to vector<16xi32>
      %swap3A_381 = vector.shape_cast %add3A_377 : vector<16xi32> to vector<16xi32>
      tpu.vector_store %arg16[%swap3A_378], %swap3A_381 {strides = array<i32>} : memref<128xi32, #tpu.memory_space<vmem>>, vector<16xi32>,
      %get3A_382 = arith.constant 96 : index
      %get3A_383 = tpu.vector_load %arg16[%get3A_382] {strides = array<i32>} : memref<128xi32, #tpu.memory_space<vmem>>, vector<16xi32>,
      %get3A_384 = vector.shape_cast %get3A_383 : vector<16xi32> to vector<16xi32>
      %mul3A_385 = arith.constant 10000 : i32
      %mul3A_386 = vector.broadcast %mul3A_385 : i32 to vector<16xi32>
      %mul3A_387 = arith.muli %get3A_384, %mul3A_386 : vector<16xi32>
      %get3A_388 = arith.constant 96 : index
      %get3A_389 = tpu.vector_load %arg13[%get3A_388] {strides = array<i32>} : memref<128xi32, #tpu.memory_space<vmem>>, vector<16xi32>,
      %get3A_390 = vector.shape_cast %get3A_389 : vector<16xi32> to vector<16xi32>
      %add3A_391 = arith.addi %mul3A_387, %get3A_390 : vector<16xi32>
      %swap3A_392 = arith.constant 96 : index
      %swap3A_393 = tpu.vector_load %arg16[%swap3A_392] {strides = array<i32>} : memref<128xi32, #tpu.memory_space<vmem>>, vector<16xi32>,
      %swap3A_394 = vector.shape_cast %swap3A_393 : vector<16xi32> to vector<16xi32>
      %swap3A_395 = vector.shape_cast %add3A_391 : vector<16xi32> to vector<16xi32>
      tpu.vector_store %arg16[%swap3A_392], %swap3A_395 {strides = array<i32>} : memref<128xi32, #tpu.memory_space<vmem>>, vector<16xi32>,
      %get3A_396 = arith.constant 112 : index
      %get3A_397 = tpu.vector_load %arg16[%get3A_396] {strides = array<i32>} : memref<128xi32, #tpu.memory_space<vmem>>, vector<16xi32>,
      %get3A_398 = vector.shape_cast %get3A_397 : vector<16xi32> to vector<16xi32>
      %mul3A_399 = arith.constant 10000 : i32
      %mul3A_400 = vector.broadcast %mul3A_399 : i32 to vector<16xi32>
      %mul3A_401 = arith.muli %get3A_398, %mul3A_400 : vector<16xi32>
      %get3A_402 = arith.constant 112 : index
      %get3A_403 = tpu.vector_load %arg13[%get3A_402] {strides = array<i32>} : memref<128xi32, #tpu.memory_space<vmem>>, vector<16xi32>,
      %get3A_404 = vector.shape_cast %get3A_403 : vector<16xi32> to vector<16xi32>
      %add3A_405 = arith.addi %mul3A_401, %get3A_404 : vector<16xi32>
      %swap3A_406 = arith.constant 112 : index
      %swap3A_407 = tpu.vector_load %arg16[%swap3A_406] {strides = array<i32>} : memref<128xi32, #tpu.memory_space<vmem>>, vector<16xi32>,
      %swap3A_408 = vector.shape_cast %swap3A_407 : vector<16xi32> to vector<16xi32>
      %swap3A_409 = vector.shape_cast %add3A_405 : vector<16xi32> to vector<16xi32>
      tpu.vector_store %arg16[%swap3A_406], %swap3A_409 {strides = array<i32>} : memref<128xi32, #tpu.memory_space<vmem>>, vector<16xi32>,
      %gt3A_410 = arith.constant 0 : i32
      %gt3A_411 = arith.cmpi sgt, %scan3A_145, %gt3A_410 : i32
      %convert_element_type3A_412 = arith.extui %gt3A_411 : i1 to i32
      %cond3A_413 = arith.constant 0 : i32
      %cond3A_414 = arith.cmpi ne, %convert_element_type3A_412, %cond3A_413 : i32
      scf.if %cond3A_414 {
        %dma_wait3A_1026 = arith.constant 0 : i32
        %dma_wait3A_1027 = arith.constant 0 : i32
        %dma_wait3A_1028 = tpu.memref_slice %arg21[%dma_wait3A_1026, %dma_wait3A_1027] : memref<10000x128xf32, #tpu.memory_space<vmem_shared>> -> memref<10000x128xf32, #tpu.memory_space<vmem_shared>>
        tpu.wait_indirect_dma semaphore(%arg34 : memref<!tpu.dma_semaphore, #tpu.memory_space<semaphore_mem>>) src(%arg19 : memref<128x128xf32, #tpu.memory_space<vmem>>) dst(%dma_wait3A_1028 : memref<10000x128xf32, #tpu.memory_space<vmem_shared>>)
        %add3A_1029 = arith.constant 3 : i32
        %add3A_1030 = arith.addi %add3A_285, %add3A_1029 : i32
        %mul3A_1031 = arith.constant 32 : i32
        %mul3A_1032 = arith.muli %mul3A_1031, %add3A_1030 : i32
        %add3A_1033 = arith.addi %add3A, %mul3A_1032 : i32
        %mul3A_1034 = arith.constant 128 : i32
        %mul3A_1035 = arith.muli %add3A_1033, %mul3A_1034 : i32
        %add3A_1036 = arith.constant 320000 : i32
        %add3A_1037 = arith.addi %add3A_1036, %mul3A_1035 : i32
        %dma_start3A_1038 = tpu.memref_slice %arg2[%add3A_1037] : memref<640000xi32, #tpu.memory_space<hbm>> -> memref<128xi32, #tpu.memory_space<hbm>>
        %dma_start3A_1039 = tpu.memref_slice %arg2[%add3A_1037] : memref<640000xi32, #tpu.memory_space<hbm>> -> memref<128xi32, #tpu.memory_space<hbm>>
        tpu.enqueue_dma source(%dma_start3A_1039 : memref<128xi32, #tpu.memory_space<hbm>>) target(%arg10 : memref<128xi32, #tpu.memory_space<vmem>>) target_semaphore(%arg26 : memref<!tpu.dma_semaphore, #tpu.memory_space<semaphore_mem>>)
      } else {
      }
      %gt3A_415 = arith.constant 0 : i32
      %gt3A_416 = arith.cmpi sgt, %scan3A_145, %gt3A_415 : i32
      %convert_element_type3A_417 = arith.extui %gt3A_416 : i1 to i32
      %cond3A_418 = arith.constant 0 : i32
      %cond3A_419 = arith.cmpi ne, %convert_element_type3A_417, %cond3A_418 : i32
      scf.if %cond3A_419 {
        %dma_wait3A_1026 = arith.constant 0 : i32
        %dma_wait3A_1027 = arith.constant 0 : i32
        %dma_wait3A_1028 = tpu.memref_slice %arg4[%dma_wait3A_1026, %dma_wait3A_1027] : memref<40000x128xf32, #tpu.memory_space<hbm>> -> memref<40000x128xf32, #tpu.memory_space<hbm>>
        tpu.wait_indirect_dma semaphore(%arg33 : memref<!tpu.dma_semaphore, #tpu.memory_space<semaphore_mem>>) src(%dma_wait3A_1028 : memref<40000x128xf32, #tpu.memory_space<hbm>>) dst(%arg20 : memref<128x128xf32, #tpu.memory_space<vmem>>)
        %dma_start3A_1029 = arith.constant 0 : i32
        %dma_start3A_1030 = arith.constant 0 : i32
        %dma_start3A_1031 = tpu.memref_slice %arg21[%dma_start3A_1029, %dma_start3A_1030] : memref<10000x128xf32, #tpu.memory_space<vmem_shared>> -> memref<10000x128xf32, #tpu.memory_space<vmem_shared>>
        tpu.enqueue_indirect_dma source(%arg20 : memref<128x128xf32, #tpu.memory_space<vmem>>) target(%dma_start3A_1031 : memref<10000x128xf32, #tpu.memory_space<vmem_shared>>) offsets(%arg11 : memref<128xi32, #tpu.memory_space<vmem>>) semaphore(%arg34 : memref<!tpu.dma_semaphore, #tpu.memory_space<semaphore_mem>>) {add = true}
        %add3A_1032 = arith.constant 1 : i32
        %add3A_1033 = arith.addi %add3A_285, %add3A_1032 : i32
        %lt3A_1034 = arith.constant 78 : i32
        %lt3A_1035 = arith.cmpi slt, %add3A_1033, %lt3A_1034 : i32
        %convert_element_type3A_1036 = arith.extui %lt3A_1035 : i1 to i32
        %cond3A_1037 = arith.constant 0 : i32
        %cond3A_1038 = arith.cmpi ne, %convert_element_type3A_1036, %cond3A_1037 : i32
        scf.if %cond3A_1038 {
          %add3A_1039 = arith.constant 1 : i32
          %add3A_1040 = arith.addi %add3A_285, %add3A_1039 : i32
          %mul3A_1041 = arith.constant 32 : i32
          %mul3A_1042 = arith.muli %mul3A_1041, %add3A_1040 : i32
          %add3A_1043 = arith.addi %add3A, %mul3A_1042 : i32
          %mul3A_1044 = arith.constant 128 : i32
          %mul3A_1045 = arith.muli %add3A_1043, %mul3A_1044 : i32
          %dma_start3A_1046 = tpu.memref_slice %arg2[%mul3A_1045] : memref<640000xi32, #tpu.memory_space<hbm>> -> memref<128xi32, #tpu.memory_space<hbm>>
          %dma_start3A_1047 = tpu.memref_slice %arg2[%mul3A_1045] : memref<640000xi32, #tpu.memory_space<hbm>> -> memref<128xi32, #tpu.memory_space<hbm>>
          tpu.enqueue_dma source(%dma_start3A_1047 : memref<128xi32, #tpu.memory_space<hbm>>) target(%arg14 : memref<128xi32, #tpu.memory_space<vmem>>) target_semaphore(%arg30 : memref<!tpu.dma_semaphore, #tpu.memory_space<semaphore_mem>>)
          %dma_start3A_1048 = tpu.memref_slice %arg3[%mul3A_1045] : memref<320000xi32, #tpu.memory_space<hbm>> -> memref<128xi32, #tpu.memory_space<hbm>>
          %dma_start3A_1049 = tpu.memref_slice %arg3[%mul3A_1045] : memref<320000xi32, #tpu.memory_space<hbm>> -> memref<128xi32, #tpu.memory_space<hbm>>
          tpu.enqueue_dma source(%dma_start3A_1049 : memref<128xi32, #tpu.memory_space<hbm>>) target(%arg17 : memref<128xi32, #tpu.memory_space<vmem>>) target_semaphore(%arg30 : memref<!tpu.dma_semaphore, #tpu.memory_space<semaphore_mem>>)
        } else {
        }
      } else {
      }
      %dma_start3A_420 = arith.constant 0 : i32
      %dma_start3A_421 = arith.constant 0 : i32
      %dma_start3A_422 = tpu.memref_slice %arg4[%dma_start3A_420, %dma_start3A_421] : memref<40000x128xf32, #tpu.memory_space<hbm>> -> memref<40000x128xf32, #tpu.memory_space<hbm>>
      tpu.enqueue_indirect_dma source(%dma_start3A_422 : memref<40000x128xf32, #tpu.memory_space<hbm>>) target(%arg19 : memref<128x128xf32, #tpu.memory_space<vmem>>) offsets(%arg16 : memref<128xi32, #tpu.memory_space<vmem>>) semaphore(%arg32 : memref<!tpu.dma_semaphore, #tpu.memory_space<semaphore_mem>>)
      %add3A_423 = arith.constant 2 : i32
      %add3A_424 = arith.addi %mul3A_147, %add3A_423 : i32
      %dma_wait3A_425 = arith.constant 0 : i32
      %dma_wait3A_426 = tpu.memref_slice %arg2[%dma_wait3A_425] : memref<640000xi32, #tpu.memory_space<hbm>> -> memref<128xi32, #tpu.memory_space<hbm>>
      %dma_wait3A_427 = arith.constant 0 : i32
      %dma_wait3A_428 = tpu.memref_slice %arg2[%dma_wait3A_427] : memref<640000xi32, #tpu.memory_space<hbm>> -> memref<128xi32, #tpu.memory_space<hbm>>
      tpu.wait_dma2 semaphore(%arg30 : memref<!tpu.dma_semaphore, #tpu.memory_space<semaphore_mem>>) src(%dma_wait3A_428 : memref<128xi32, #tpu.memory_space<hbm>>) dst(%arg14 : memref<128xi32, #tpu.memory_space<vmem>>)
      %dma_wait3A_429 = arith.constant 0 : i32
      %dma_wait3A_430 = tpu.memref_slice %arg2[%dma_wait3A_429] : memref<640000xi32, #tpu.memory_space<hbm>> -> memref<128xi32, #tpu.memory_space<hbm>>
      %dma_wait3A_431 = arith.constant 0 : i32
      %dma_wait3A_432 = tpu.memref_slice %arg2[%dma_wait3A_431] : memref<640000xi32, #tpu.memory_space<hbm>> -> memref<128xi32, #tpu.memory_space<hbm>>
      tpu.wait_dma2 semaphore(%arg30 : memref<!tpu.dma_semaphore, #tpu.memory_space<semaphore_mem>>) src(%dma_wait3A_432 : memref<128xi32, #tpu.memory_space<hbm>>) dst(%arg17 : memref<128xi32, #tpu.memory_space<vmem>>)
      %dma_wait3A_433 = arith.constant 0 : i32
      %dma_wait3A_434 = tpu.memref_slice %arg2[%dma_wait3A_433] : memref<640000xi32, #tpu.memory_space<hbm>> -> memref<128xi32, #tpu.memory_space<hbm>>
      %dma_wait3A_435 = arith.constant 0 : i32
      %dma_wait3A_436 = tpu.memref_slice %arg2[%dma_wait3A_435] : memref<640000xi32, #tpu.memory_space<hbm>> -> memref<128xi32, #tpu.memory_space<hbm>>
      tpu.wait_dma2 semaphore(%arg24 : memref<!tpu.dma_semaphore, #tpu.memory_space<semaphore_mem>>) src(%dma_wait3A_436 : memref<128xi32, #tpu.memory_space<hbm>>) dst(%arg8 : memref<128xi32, #tpu.memory_space<vmem>>)
      %get3A_437 = arith.constant 0 : index
      %get3A_438 = tpu.vector_load %arg17[%get3A_437] {strides = array<i32>} : memref<128xi32, #tpu.memory_space<vmem>>, vector<16xi32>,
      %get3A_439 = vector.shape_cast %get3A_438 : vector<16xi32> to vector<16xi32>
      %mul3A_440 = arith.constant 10000 : i32
      %mul3A_441 = vector.broadcast %mul3A_440 : i32 to vector<16xi32>
      %mul3A_442 = arith.muli %get3A_439, %mul3A_441 : vector<16xi32>
      %get3A_443 = arith.constant 0 : index
      %get3A_444 = tpu.vector_load %arg14[%get3A_443] {strides = array<i32>} : memref<128xi32, #tpu.memory_space<vmem>>, vector<16xi32>,
      %get3A_445 = vector.shape_cast %get3A_444 : vector<16xi32> to vector<16xi32>
      %add3A_446 = arith.addi %mul3A_442, %get3A_445 : vector<16xi32>
      %swap3A_447 = arith.constant 0 : index
      %swap3A_448 = tpu.vector_load %arg17[%swap3A_447] {strides = array<i32>} : memref<128xi32, #tpu.memory_space<vmem>>, vector<16xi32>,
      %swap3A_449 = vector.shape_cast %swap3A_448 : vector<16xi32> to vector<16xi32>
      %swap3A_450 = vector.shape_cast %add3A_446 : vector<16xi32> to vector<16xi32>
      tpu.vector_store %arg17[%swap3A_447], %swap3A_450 {strides = array<i32>} : memref<128xi32, #tpu.memory_space<vmem>>, vector<16xi32>,
      %get3A_451 = arith.constant 16 : index
      %get3A_452 = tpu.vector_load %arg17[%get3A_451] {strides = array<i32>} : memref<128xi32, #tpu.memory_space<vmem>>, vector<16xi32>,
      %get3A_453 = vector.shape_cast %get3A_452 : vector<16xi32> to vector<16xi32>
      %mul3A_454 = arith.constant 10000 : i32
      %mul3A_455 = vector.broadcast %mul3A_454 : i32 to vector<16xi32>
      %mul3A_456 = arith.muli %get3A_453, %mul3A_455 : vector<16xi32>
      %get3A_457 = arith.constant 16 : index
      %get3A_458 = tpu.vector_load %arg14[%get3A_457] {strides = array<i32>} : memref<128xi32, #tpu.memory_space<vmem>>, vector<16xi32>,
      %get3A_459 = vector.shape_cast %get3A_458 : vector<16xi32> to vector<16xi32>
      %add3A_460 = arith.addi %mul3A_456, %get3A_459 : vector<16xi32>
      %swap3A_461 = arith.constant 16 : index
      %swap3A_462 = tpu.vector_load %arg17[%swap3A_461] {strides = array<i32>} : memref<128xi32, #tpu.memory_space<vmem>>, vector<16xi32>,
      %swap3A_463 = vector.shape_cast %swap3A_462 : vector<16xi32> to vector<16xi32>
      %swap3A_464 = vector.shape_cast %add3A_460 : vector<16xi32> to vector<16xi32>
      tpu.vector_store %arg17[%swap3A_461], %swap3A_464 {strides = array<i32>} : memref<128xi32, #tpu.memory_space<vmem>>, vector<16xi32>,
      %get3A_465 = arith.constant 32 : index
      %get3A_466 = tpu.vector_load %arg17[%get3A_465] {strides = array<i32>} : memref<128xi32, #tpu.memory_space<vmem>>, vector<16xi32>,
      %get3A_467 = vector.shape_cast %get3A_466 : vector<16xi32> to vector<16xi32>
      %mul3A_468 = arith.constant 10000 : i32
      %mul3A_469 = vector.broadcast %mul3A_468 : i32 to vector<16xi32>
      %mul3A_470 = arith.muli %get3A_467, %mul3A_469 : vector<16xi32>
      %get3A_471 = arith.constant 32 : index
      %get3A_472 = tpu.vector_load %arg14[%get3A_471] {strides = array<i32>} : memref<128xi32, #tpu.memory_space<vmem>>, vector<16xi32>,
      %get3A_473 = vector.shape_cast %get3A_472 : vector<16xi32> to vector<16xi32>
      %add3A_474 = arith.addi %mul3A_470, %get3A_473 : vector<16xi32>
      %swap3A_475 = arith.constant 32 : index
      %swap3A_476 = tpu.vector_load %arg17[%swap3A_475] {strides = array<i32>} : memref<128xi32, #tpu.memory_space<vmem>>, vector<16xi32>,
      %swap3A_477 = vector.shape_cast %swap3A_476 : vector<16xi32> to vector<16xi32>
      %swap3A_478 = vector.shape_cast %add3A_474 : vector<16xi32> to vector<16xi32>
      tpu.vector_store %arg17[%swap3A_475], %swap3A_478 {strides = array<i32>} : memref<128xi32, #tpu.memory_space<vmem>>, vector<16xi32>,
      %get3A_479 = arith.constant 48 : index
      %get3A_480 = tpu.vector_load %arg17[%get3A_479] {strides = array<i32>} : memref<128xi32, #tpu.memory_space<vmem>>, vector<16xi32>,
      %get3A_481 = vector.shape_cast %get3A_480 : vector<16xi32> to vector<16xi32>
      %mul3A_482 = arith.constant 10000 : i32
      %mul3A_483 = vector.broadcast %mul3A_482 : i32 to vector<16xi32>
      %mul3A_484 = arith.muli %get3A_481, %mul3A_483 : vector<16xi32>
      %get3A_485 = arith.constant 48 : index
      %get3A_486 = tpu.vector_load %arg14[%get3A_485] {strides = array<i32>} : memref<128xi32, #tpu.memory_space<vmem>>, vector<16xi32>,
      %get3A_487 = vector.shape_cast %get3A_486 : vector<16xi32> to vector<16xi32>
      %add3A_488 = arith.addi %mul3A_484, %get3A_487 : vector<16xi32>
      %swap3A_489 = arith.constant 48 : index
      %swap3A_490 = tpu.vector_load %arg17[%swap3A_489] {strides = array<i32>} : memref<128xi32, #tpu.memory_space<vmem>>, vector<16xi32>,
      %swap3A_491 = vector.shape_cast %swap3A_490 : vector<16xi32> to vector<16xi32>
      %swap3A_492 = vector.shape_cast %add3A_488 : vector<16xi32> to vector<16xi32>
      tpu.vector_store %arg17[%swap3A_489], %swap3A_492 {strides = array<i32>} : memref<128xi32, #tpu.memory_space<vmem>>, vector<16xi32>,
      %get3A_493 = arith.constant 64 : index
      %get3A_494 = tpu.vector_load %arg17[%get3A_493] {strides = array<i32>} : memref<128xi32, #tpu.memory_space<vmem>>, vector<16xi32>,
      %get3A_495 = vector.shape_cast %get3A_494 : vector<16xi32> to vector<16xi32>
      %mul3A_496 = arith.constant 10000 : i32
      %mul3A_497 = vector.broadcast %mul3A_496 : i32 to vector<16xi32>
      %mul3A_498 = arith.muli %get3A_495, %mul3A_497 : vector<16xi32>
      %get3A_499 = arith.constant 64 : index
      %get3A_500 = tpu.vector_load %arg14[%get3A_499] {strides = array<i32>} : memref<128xi32, #tpu.memory_space<vmem>>, vector<16xi32>,
      %get3A_501 = vector.shape_cast %get3A_500 : vector<16xi32> to vector<16xi32>
      %add3A_502 = arith.addi %mul3A_498, %get3A_501 : vector<16xi32>
      %swap3A_503 = arith.constant 64 : index
      %swap3A_504 = tpu.vector_load %arg17[%swap3A_503] {strides = array<i32>} : memref<128xi32, #tpu.memory_space<vmem>>, vector<16xi32>,
      %swap3A_505 = vector.shape_cast %swap3A_504 : vector<16xi32> to vector<16xi32>
      %swap3A_506 = vector.shape_cast %add3A_502 : vector<16xi32> to vector<16xi32>
      tpu.vector_store %arg17[%swap3A_503], %swap3A_506 {strides = array<i32>} : memref<128xi32, #tpu.memory_space<vmem>>, vector<16xi32>,
      %get3A_507 = arith.constant 80 : index
      %get3A_508 = tpu.vector_load %arg17[%get3A_507] {strides = array<i32>} : memref<128xi32, #tpu.memory_space<vmem>>, vector<16xi32>,
      %get3A_509 = vector.shape_cast %get3A_508 : vector<16xi32> to vector<16xi32>
      %mul3A_510 = arith.constant 10000 : i32
      %mul3A_511 = vector.broadcast %mul3A_510 : i32 to vector<16xi32>
      %mul3A_512 = arith.muli %get3A_509, %mul3A_511 : vector<16xi32>
      %get3A_513 = arith.constant 80 : index
      %get3A_514 = tpu.vector_load %arg14[%get3A_513] {strides = array<i32>} : memref<128xi32, #tpu.memory_space<vmem>>, vector<16xi32>,
      %get3A_515 = vector.shape_cast %get3A_514 : vector<16xi32> to vector<16xi32>
      %add3A_516 = arith.addi %mul3A_512, %get3A_515 : vector<16xi32>
      %swap3A_517 = arith.constant 80 : index
      %swap3A_518 = tpu.vector_load %arg17[%swap3A_517] {strides = array<i32>} : memref<128xi32, #tpu.memory_space<vmem>>, vector<16xi32>,
      %swap3A_519 = vector.shape_cast %swap3A_518 : vector<16xi32> to vector<16xi32>
      %swap3A_520 = vector.shape_cast %add3A_516 : vector<16xi32> to vector<16xi32>
      tpu.vector_store %arg17[%swap3A_517], %swap3A_520 {strides = array<i32>} : memref<128xi32, #tpu.memory_space<vmem>>, vector<16xi32>,
      %get3A_521 = arith.constant 96 : index
      %get3A_522 = tpu.vector_load %arg17[%get3A_521] {strides = array<i32>} : memref<128xi32, #tpu.memory_space<vmem>>, vector<16xi32>,
      %get3A_523 = vector.shape_cast %get3A_522 : vector<16xi32> to vector<16xi32>
      %mul3A_524 = arith.constant 10000 : i32
      %mul3A_525 = vector.broadcast %mul3A_524 : i32 to vector<16xi32>
      %mul3A_526 = arith.muli %get3A_523, %mul3A_525 : vector<16xi32>
      %get3A_527 = arith.constant 96 : index
      %get3A_528 = tpu.vector_load %arg14[%get3A_527] {strides = array<i32>} : memref<128xi32, #tpu.memory_space<vmem>>, vector<16xi32>,
      %get3A_529 = vector.shape_cast %get3A_528 : vector<16xi32> to vector<16xi32>
      %add3A_530 = arith.addi %mul3A_526, %get3A_529 : vector<16xi32>
      %swap3A_531 = arith.constant 96 : index
      %swap3A_532 = tpu.vector_load %arg17[%swap3A_531] {strides = array<i32>} : memref<128xi32, #tpu.memory_space<vmem>>, vector<16xi32>,
      %swap3A_533 = vector.shape_cast %swap3A_532 : vector<16xi32> to vector<16xi32>
      %swap3A_534 = vector.shape_cast %add3A_530 : vector<16xi32> to vector<16xi32>
      tpu.vector_store %arg17[%swap3A_531], %swap3A_534 {strides = array<i32>} : memref<128xi32, #tpu.memory_space<vmem>>, vector<16xi32>,
      %get3A_535 = arith.constant 112 : index
      %get3A_536 = tpu.vector_load %arg17[%get3A_535] {strides = array<i32>} : memref<128xi32, #tpu.memory_space<vmem>>, vector<16xi32>,
      %get3A_537 = vector.shape_cast %get3A_536 : vector<16xi32> to vector<16xi32>
      %mul3A_538 = arith.constant 10000 : i32
      %mul3A_539 = vector.broadcast %mul3A_538 : i32 to vector<16xi32>
      %mul3A_540 = arith.muli %get3A_537, %mul3A_539 : vector<16xi32>
      %get3A_541 = arith.constant 112 : index
      %get3A_542 = tpu.vector_load %arg14[%get3A_541] {strides = array<i32>} : memref<128xi32, #tpu.memory_space<vmem>>, vector<16xi32>,
      %get3A_543 = vector.shape_cast %get3A_542 : vector<16xi32> to vector<16xi32>
      %add3A_544 = arith.addi %mul3A_540, %get3A_543 : vector<16xi32>
      %swap3A_545 = arith.constant 112 : index
      %swap3A_546 = tpu.vector_load %arg17[%swap3A_545] {strides = array<i32>} : memref<128xi32, #tpu.memory_space<vmem>>, vector<16xi32>,
      %swap3A_547 = vector.shape_cast %swap3A_546 : vector<16xi32> to vector<16xi32>
      %swap3A_548 = vector.shape_cast %add3A_544 : vector<16xi32> to vector<16xi32>
      tpu.vector_store %arg17[%swap3A_545], %swap3A_548 {strides = array<i32>} : memref<128xi32, #tpu.memory_space<vmem>>, vector<16xi32>,
      %gt3A_549 = arith.constant 0 : i32
      %gt3A_550 = arith.cmpi sgt, %scan3A_145, %gt3A_549 : i32
      %convert_element_type3A_551 = arith.extui %gt3A_550 : i1 to i32
      %cond3A_552 = arith.constant 0 : i32
      %cond3A_553 = arith.cmpi ne, %convert_element_type3A_551, %cond3A_552 : i32
      scf.if %cond3A_553 {
        %dma_wait3A_1026 = arith.constant 0 : i32
        %dma_wait3A_1027 = arith.constant 0 : i32
        %dma_wait3A_1028 = tpu.memref_slice %arg21[%dma_wait3A_1026, %dma_wait3A_1027] : memref<10000x128xf32, #tpu.memory_space<vmem_shared>> -> memref<10000x128xf32, #tpu.memory_space<vmem_shared>>
        tpu.wait_indirect_dma semaphore(%arg34 : memref<!tpu.dma_semaphore, #tpu.memory_space<semaphore_mem>>) src(%arg20 : memref<128x128xf32, #tpu.memory_space<vmem>>) dst(%dma_wait3A_1028 : memref<10000x128xf32, #tpu.memory_space<vmem_shared>>)
        %add3A_1029 = arith.constant 3 : i32
        %add3A_1030 = arith.addi %add3A_424, %add3A_1029 : i32
        %mul3A_1031 = arith.constant 32 : i32
        %mul3A_1032 = arith.muli %mul3A_1031, %add3A_1030 : i32
        %add3A_1033 = arith.addi %add3A, %mul3A_1032 : i32
        %mul3A_1034 = arith.constant 128 : i32
        %mul3A_1035 = arith.muli %add3A_1033, %mul3A_1034 : i32
        %add3A_1036 = arith.constant 320000 : i32
        %add3A_1037 = arith.addi %add3A_1036, %mul3A_1035 : i32
        %dma_start3A_1038 = tpu.memref_slice %arg2[%add3A_1037] : memref<640000xi32, #tpu.memory_space<hbm>> -> memref<128xi32, #tpu.memory_space<hbm>>
        %dma_start3A_1039 = tpu.memref_slice %arg2[%add3A_1037] : memref<640000xi32, #tpu.memory_space<hbm>> -> memref<128xi32, #tpu.memory_space<hbm>>
        tpu.enqueue_dma source(%dma_start3A_1039 : memref<128xi32, #tpu.memory_space<hbm>>) target(%arg11 : memref<128xi32, #tpu.memory_space<vmem>>) target_semaphore(%arg27 : memref<!tpu.dma_semaphore, #tpu.memory_space<semaphore_mem>>)
      } else {
      }
      %dma_wait3A_554 = arith.constant 0 : i32
      %dma_wait3A_555 = arith.constant 0 : i32
      %dma_wait3A_556 = tpu.memref_slice %arg4[%dma_wait3A_554, %dma_wait3A_555] : memref<40000x128xf32, #tpu.memory_space<hbm>> -> memref<40000x128xf32, #tpu.memory_space<hbm>>
      tpu.wait_indirect_dma semaphore(%arg31 : memref<!tpu.dma_semaphore, #tpu.memory_space<semaphore_mem>>) src(%dma_wait3A_556 : memref<40000x128xf32, #tpu.memory_space<hbm>>) dst(%arg18 : memref<128x128xf32, #tpu.memory_space<vmem>>)
      %dma_start3A_557 = arith.constant 0 : i32
      %dma_start3A_558 = arith.constant 0 : i32
      %dma_start3A_559 = tpu.memref_slice %arg21[%dma_start3A_557, %dma_start3A_558] : memref<10000x128xf32, #tpu.memory_space<vmem_shared>> -> memref<10000x128xf32, #tpu.memory_space<vmem_shared>>
      tpu.enqueue_indirect_dma source(%arg18 : memref<128x128xf32, #tpu.memory_space<vmem>>) target(%dma_start3A_559 : memref<10000x128xf32, #tpu.memory_space<vmem_shared>>) offsets(%arg6 : memref<128xi32, #tpu.memory_space<vmem>>) semaphore(%arg34 : memref<!tpu.dma_semaphore, #tpu.memory_space<semaphore_mem>>) {add = true}
      %add3A_560 = arith.constant 1 : i32
      %add3A_561 = arith.addi %add3A_424, %add3A_560 : i32
      %lt3A_562 = arith.constant 78 : i32
      %lt3A_563 = arith.cmpi slt, %add3A_561, %lt3A_562 : i32
      %convert_element_type3A_564 = arith.extui %lt3A_563 : i1 to i32
      %cond3A_565 = arith.constant 0 : i32
      %cond3A_566 = arith.cmpi ne, %convert_element_type3A_564, %cond3A_565 : i32
      scf.if %cond3A_566 {
        %add3A_1026 = arith.constant 1 : i32
        %add3A_1027 = arith.addi %add3A_424, %add3A_1026 : i32
        %mul3A_1028 = arith.constant 32 : i32
        %mul3A_1029 = arith.muli %mul3A_1028, %add3A_1027 : i32
        %add3A_1030 = arith.addi %add3A, %mul3A_1029 : i32
        %mul3A_1031 = arith.constant 128 : i32
        %mul3A_1032 = arith.muli %add3A_1030, %mul3A_1031 : i32
        %dma_start3A_1033 = tpu.memref_slice %arg2[%mul3A_1032] : memref<640000xi32, #tpu.memory_space<hbm>> -> memref<128xi32, #tpu.memory_space<hbm>>
        %dma_start3A_1034 = tpu.memref_slice %arg2[%mul3A_1032] : memref<640000xi32, #tpu.memory_space<hbm>> -> memref<128xi32, #tpu.memory_space<hbm>>
        tpu.enqueue_dma source(%dma_start3A_1034 : memref<128xi32, #tpu.memory_space<hbm>>) target(%arg12 : memref<128xi32, #tpu.memory_space<vmem>>) target_semaphore(%arg28 : memref<!tpu.dma_semaphore, #tpu.memory_space<semaphore_mem>>)
        %dma_start3A_1035 = tpu.memref_slice %arg3[%mul3A_1032] : memref<320000xi32, #tpu.memory_space<hbm>> -> memref<128xi32, #tpu.memory_space<hbm>>
        %dma_start3A_1036 = tpu.memref_slice %arg3[%mul3A_1032] : memref<320000xi32, #tpu.memory_space<hbm>> -> memref<128xi32, #tpu.memory_space<hbm>>
        tpu.enqueue_dma source(%dma_start3A_1036 : memref<128xi32, #tpu.memory_space<hbm>>) target(%arg15 : memref<128xi32, #tpu.memory_space<vmem>>) target_semaphore(%arg28 : memref<!tpu.dma_semaphore, #tpu.memory_space<semaphore_mem>>)
      } else {
      }
      %dma_start3A_567 = arith.constant 0 : i32
      %dma_start3A_568 = arith.constant 0 : i32
      %dma_start3A_569 = tpu.memref_slice %arg4[%dma_start3A_567, %dma_start3A_568] : memref<40000x128xf32, #tpu.memory_space<hbm>> -> memref<40000x128xf32, #tpu.memory_space<hbm>>
      tpu.enqueue_indirect_dma source(%dma_start3A_569 : memref<40000x128xf32, #tpu.memory_space<hbm>>) target(%arg20 : memref<128x128xf32, #tpu.memory_space<vmem>>) offsets(%arg17 : memref<128xi32, #tpu.memory_space<vmem>>) semaphore(%arg33 : memref<!tpu.dma_semaphore, #tpu.memory_space<semaphore_mem>>)
      %add3A_570 = arith.constant 3 : i32
      %add3A_571 = arith.addi %mul3A_147, %add3A_570 : i32
      %dma_wait3A_572 = arith.constant 0 : i32
      %dma_wait3A_573 = tpu.memref_slice %arg2[%dma_wait3A_572] : memref<640000xi32, #tpu.memory_space<hbm>> -> memref<128xi32, #tpu.memory_space<hbm>>
      %dma_wait3A_574 = arith.constant 0 : i32
      %dma_wait3A_575 = tpu.memref_slice %arg2[%dma_wait3A_574] : memref<640000xi32, #tpu.memory_space<hbm>> -> memref<128xi32, #tpu.memory_space<hbm>>
      tpu.wait_dma2 semaphore(%arg28 : memref<!tpu.dma_semaphore, #tpu.memory_space<semaphore_mem>>) src(%dma_wait3A_575 : memref<128xi32, #tpu.memory_space<hbm>>) dst(%arg12 : memref<128xi32, #tpu.memory_space<vmem>>)
      %dma_wait3A_576 = arith.constant 0 : i32
      %dma_wait3A_577 = tpu.memref_slice %arg2[%dma_wait3A_576] : memref<640000xi32, #tpu.memory_space<hbm>> -> memref<128xi32, #tpu.memory_space<hbm>>
      %dma_wait3A_578 = arith.constant 0 : i32
      %dma_wait3A_579 = tpu.memref_slice %arg2[%dma_wait3A_578] : memref<640000xi32, #tpu.memory_space<hbm>> -> memref<128xi32, #tpu.memory_space<hbm>>
      tpu.wait_dma2 semaphore(%arg28 : memref<!tpu.dma_semaphore, #tpu.memory_space<semaphore_mem>>) src(%dma_wait3A_579 : memref<128xi32, #tpu.memory_space<hbm>>) dst(%arg15 : memref<128xi32, #tpu.memory_space<vmem>>)
      %dma_wait3A_580 = arith.constant 0 : i32
      %dma_wait3A_581 = tpu.memref_slice %arg2[%dma_wait3A_580] : memref<640000xi32, #tpu.memory_space<hbm>> -> memref<128xi32, #tpu.memory_space<hbm>>
      %dma_wait3A_582 = arith.constant 0 : i32
      %dma_wait3A_583 = tpu.memref_slice %arg2[%dma_wait3A_582] : memref<640000xi32, #tpu.memory_space<hbm>> -> memref<128xi32, #tpu.memory_space<hbm>>
      tpu.wait_dma2 semaphore(%arg25 : memref<!tpu.dma_semaphore, #tpu.memory_space<semaphore_mem>>) src(%dma_wait3A_583 : memref<128xi32, #tpu.memory_space<hbm>>) dst(%arg9 : memref<128xi32, #tpu.memory_space<vmem>>)
      %get3A_584 = arith.constant 0 : index
      %get3A_585 = tpu.vector_load %arg15[%get3A_584] {strides = array<i32>} : memref<128xi32, #tpu.memory_space<vmem>>, vector<16xi32>,
      %get3A_586 = vector.shape_cast %get3A_585 : vector<16xi32> to vector<16xi32>
      %mul3A_587 = arith.constant 10000 : i32
      %mul3A_588 = vector.broadcast %mul3A_587 : i32 to vector<16xi32>
      %mul3A_589 = arith.muli %get3A_586, %mul3A_588 : vector<16xi32>
      %get3A_590 = arith.constant 0 : index
      %get3A_591 = tpu.vector_load %arg12[%get3A_590] {strides = array<i32>} : memref<128xi32, #tpu.memory_space<vmem>>, vector<16xi32>,
      %get3A_592 = vector.shape_cast %get3A_591 : vector<16xi32> to vector<16xi32>
      %add3A_593 = arith.addi %mul3A_589, %get3A_592 : vector<16xi32>
      %swap3A_594 = arith.constant 0 : index
      %swap3A_595 = tpu.vector_load %arg15[%swap3A_594] {strides = array<i32>} : memref<128xi32, #tpu.memory_space<vmem>>, vector<16xi32>,
      %swap3A_596 = vector.shape_cast %swap3A_595 : vector<16xi32> to vector<16xi32>
      %swap3A_597 = vector.shape_cast %add3A_593 : vector<16xi32> to vector<16xi32>
      tpu.vector_store %arg15[%swap3A_594], %swap3A_597 {strides = array<i32>} : memref<128xi32, #tpu.memory_space<vmem>>, vector<16xi32>,
      %get3A_598 = arith.constant 16 : index
      %get3A_599 = tpu.vector_load %arg15[%get3A_598] {strides = array<i32>} : memref<128xi32, #tpu.memory_space<vmem>>, vector<16xi32>,
      %get3A_600 = vector.shape_cast %get3A_599 : vector<16xi32> to vector<16xi32>
      %mul3A_601 = arith.constant 10000 : i32
      %mul3A_602 = vector.broadcast %mul3A_601 : i32 to vector<16xi32>
      %mul3A_603 = arith.muli %get3A_600, %mul3A_602 : vector<16xi32>
      %get3A_604 = arith.constant 16 : index
      %get3A_605 = tpu.vector_load %arg12[%get3A_604] {strides = array<i32>} : memref<128xi32, #tpu.memory_space<vmem>>, vector<16xi32>,
      %get3A_606 = vector.shape_cast %get3A_605 : vector<16xi32> to vector<16xi32>
      %add3A_607 = arith.addi %mul3A_603, %get3A_606 : vector<16xi32>
      %swap3A_608 = arith.constant 16 : index
      %swap3A_609 = tpu.vector_load %arg15[%swap3A_608] {strides = array<i32>} : memref<128xi32, #tpu.memory_space<vmem>>, vector<16xi32>,
      %swap3A_610 = vector.shape_cast %swap3A_609 : vector<16xi32> to vector<16xi32>
      %swap3A_611 = vector.shape_cast %add3A_607 : vector<16xi32> to vector<16xi32>
      tpu.vector_store %arg15[%swap3A_608], %swap3A_611 {strides = array<i32>} : memref<128xi32, #tpu.memory_space<vmem>>, vector<16xi32>,
      %get3A_612 = arith.constant 32 : index
      %get3A_613 = tpu.vector_load %arg15[%get3A_612] {strides = array<i32>} : memref<128xi32, #tpu.memory_space<vmem>>, vector<16xi32>,
      %get3A_614 = vector.shape_cast %get3A_613 : vector<16xi32> to vector<16xi32>
      %mul3A_615 = arith.constant 10000 : i32
      %mul3A_616 = vector.broadcast %mul3A_615 : i32 to vector<16xi32>
      %mul3A_617 = arith.muli %get3A_614, %mul3A_616 : vector<16xi32>
      %get3A_618 = arith.constant 32 : index
      %get3A_619 = tpu.vector_load %arg12[%get3A_618] {strides = array<i32>} : memref<128xi32, #tpu.memory_space<vmem>>, vector<16xi32>,
      %get3A_620 = vector.shape_cast %get3A_619 : vector<16xi32> to vector<16xi32>
      %add3A_621 = arith.addi %mul3A_617, %get3A_620 : vector<16xi32>
      %swap3A_622 = arith.constant 32 : index
      %swap3A_623 = tpu.vector_load %arg15[%swap3A_622] {strides = array<i32>} : memref<128xi32, #tpu.memory_space<vmem>>, vector<16xi32>,
      %swap3A_624 = vector.shape_cast %swap3A_623 : vector<16xi32> to vector<16xi32>
      %swap3A_625 = vector.shape_cast %add3A_621 : vector<16xi32> to vector<16xi32>
      tpu.vector_store %arg15[%swap3A_622], %swap3A_625 {strides = array<i32>} : memref<128xi32, #tpu.memory_space<vmem>>, vector<16xi32>,
      %get3A_626 = arith.constant 48 : index
      %get3A_627 = tpu.vector_load %arg15[%get3A_626] {strides = array<i32>} : memref<128xi32, #tpu.memory_space<vmem>>, vector<16xi32>,
      %get3A_628 = vector.shape_cast %get3A_627 : vector<16xi32> to vector<16xi32>
      %mul3A_629 = arith.constant 10000 : i32
      %mul3A_630 = vector.broadcast %mul3A_629 : i32 to vector<16xi32>
      %mul3A_631 = arith.muli %get3A_628, %mul3A_630 : vector<16xi32>
      %get3A_632 = arith.constant 48 : index
      %get3A_633 = tpu.vector_load %arg12[%get3A_632] {strides = array<i32>} : memref<128xi32, #tpu.memory_space<vmem>>, vector<16xi32>,
      %get3A_634 = vector.shape_cast %get3A_633 : vector<16xi32> to vector<16xi32>
      %add3A_635 = arith.addi %mul3A_631, %get3A_634 : vector<16xi32>
      %swap3A_636 = arith.constant 48 : index
      %swap3A_637 = tpu.vector_load %arg15[%swap3A_636] {strides = array<i32>} : memref<128xi32, #tpu.memory_space<vmem>>, vector<16xi32>,
      %swap3A_638 = vector.shape_cast %swap3A_637 : vector<16xi32> to vector<16xi32>
      %swap3A_639 = vector.shape_cast %add3A_635 : vector<16xi32> to vector<16xi32>
      tpu.vector_store %arg15[%swap3A_636], %swap3A_639 {strides = array<i32>} : memref<128xi32, #tpu.memory_space<vmem>>, vector<16xi32>,
      %get3A_640 = arith.constant 64 : index
      %get3A_641 = tpu.vector_load %arg15[%get3A_640] {strides = array<i32>} : memref<128xi32, #tpu.memory_space<vmem>>, vector<16xi32>,
      %get3A_642 = vector.shape_cast %get3A_641 : vector<16xi32> to vector<16xi32>
      %mul3A_643 = arith.constant 10000 : i32
      %mul3A_644 = vector.broadcast %mul3A_643 : i32 to vector<16xi32>
      %mul3A_645 = arith.muli %get3A_642, %mul3A_644 : vector<16xi32>
      %get3A_646 = arith.constant 64 : index
      %get3A_647 = tpu.vector_load %arg12[%get3A_646] {strides = array<i32>} : memref<128xi32, #tpu.memory_space<vmem>>, vector<16xi32>,
      %get3A_648 = vector.shape_cast %get3A_647 : vector<16xi32> to vector<16xi32>
      %add3A_649 = arith.addi %mul3A_645, %get3A_648 : vector<16xi32>
      %swap3A_650 = arith.constant 64 : index
      %swap3A_651 = tpu.vector_load %arg15[%swap3A_650] {strides = array<i32>} : memref<128xi32, #tpu.memory_space<vmem>>, vector<16xi32>,
      %swap3A_652 = vector.shape_cast %swap3A_651 : vector<16xi32> to vector<16xi32>
      %swap3A_653 = vector.shape_cast %add3A_649 : vector<16xi32> to vector<16xi32>
      tpu.vector_store %arg15[%swap3A_650], %swap3A_653 {strides = array<i32>} : memref<128xi32, #tpu.memory_space<vmem>>, vector<16xi32>,
      %get3A_654 = arith.constant 80 : index
      %get3A_655 = tpu.vector_load %arg15[%get3A_654] {strides = array<i32>} : memref<128xi32, #tpu.memory_space<vmem>>, vector<16xi32>,
      %get3A_656 = vector.shape_cast %get3A_655 : vector<16xi32> to vector<16xi32>
      %mul3A_657 = arith.constant 10000 : i32
      %mul3A_658 = vector.broadcast %mul3A_657 : i32 to vector<16xi32>
      %mul3A_659 = arith.muli %get3A_656, %mul3A_658 : vector<16xi32>
      %get3A_660 = arith.constant 80 : index
      %get3A_661 = tpu.vector_load %arg12[%get3A_660] {strides = array<i32>} : memref<128xi32, #tpu.memory_space<vmem>>, vector<16xi32>,
      %get3A_662 = vector.shape_cast %get3A_661 : vector<16xi32> to vector<16xi32>
      %add3A_663 = arith.addi %mul3A_659, %get3A_662 : vector<16xi32>
      %swap3A_664 = arith.constant 80 : index
      %swap3A_665 = tpu.vector_load %arg15[%swap3A_664] {strides = array<i32>} : memref<128xi32, #tpu.memory_space<vmem>>, vector<16xi32>,
      %swap3A_666 = vector.shape_cast %swap3A_665 : vector<16xi32> to vector<16xi32>
      %swap3A_667 = vector.shape_cast %add3A_663 : vector<16xi32> to vector<16xi32>
      tpu.vector_store %arg15[%swap3A_664], %swap3A_667 {strides = array<i32>} : memref<128xi32, #tpu.memory_space<vmem>>, vector<16xi32>,
      %get3A_668 = arith.constant 96 : index
      %get3A_669 = tpu.vector_load %arg15[%get3A_668] {strides = array<i32>} : memref<128xi32, #tpu.memory_space<vmem>>, vector<16xi32>,
      %get3A_670 = vector.shape_cast %get3A_669 : vector<16xi32> to vector<16xi32>
      %mul3A_671 = arith.constant 10000 : i32
      %mul3A_672 = vector.broadcast %mul3A_671 : i32 to vector<16xi32>
      %mul3A_673 = arith.muli %get3A_670, %mul3A_672 : vector<16xi32>
      %get3A_674 = arith.constant 96 : index
      %get3A_675 = tpu.vector_load %arg12[%get3A_674] {strides = array<i32>} : memref<128xi32, #tpu.memory_space<vmem>>, vector<16xi32>,
      %get3A_676 = vector.shape_cast %get3A_675 : vector<16xi32> to vector<16xi32>
      %add3A_677 = arith.addi %mul3A_673, %get3A_676 : vector<16xi32>
      %swap3A_678 = arith.constant 96 : index
      %swap3A_679 = tpu.vector_load %arg15[%swap3A_678] {strides = array<i32>} : memref<128xi32, #tpu.memory_space<vmem>>, vector<16xi32>,
      %swap3A_680 = vector.shape_cast %swap3A_679 : vector<16xi32> to vector<16xi32>
      %swap3A_681 = vector.shape_cast %add3A_677 : vector<16xi32> to vector<16xi32>
      tpu.vector_store %arg15[%swap3A_678], %swap3A_681 {strides = array<i32>} : memref<128xi32, #tpu.memory_space<vmem>>, vector<16xi32>,
      %get3A_682 = arith.constant 112 : index
      %get3A_683 = tpu.vector_load %arg15[%get3A_682] {strides = array<i32>} : memref<128xi32, #tpu.memory_space<vmem>>, vector<16xi32>,
      %get3A_684 = vector.shape_cast %get3A_683 : vector<16xi32> to vector<16xi32>
      %mul3A_685 = arith.constant 10000 : i32
      %mul3A_686 = vector.broadcast %mul3A_685 : i32 to vector<16xi32>
      %mul3A_687 = arith.muli %get3A_684, %mul3A_686 : vector<16xi32>
      %get3A_688 = arith.constant 112 : index
      %get3A_689 = tpu.vector_load %arg12[%get3A_688] {strides = array<i32>} : memref<128xi32, #tpu.memory_space<vmem>>, vector<16xi32>,
      %get3A_690 = vector.shape_cast %get3A_689 : vector<16xi32> to vector<16xi32>
      %add3A_691 = arith.addi %mul3A_687, %get3A_690 : vector<16xi32>
      %swap3A_692 = arith.constant 112 : index
      %swap3A_693 = tpu.vector_load %arg15[%swap3A_692] {strides = array<i32>} : memref<128xi32, #tpu.memory_space<vmem>>, vector<16xi32>,
      %swap3A_694 = vector.shape_cast %swap3A_693 : vector<16xi32> to vector<16xi32>
      %swap3A_695 = vector.shape_cast %add3A_691 : vector<16xi32> to vector<16xi32>
      tpu.vector_store %arg15[%swap3A_692], %swap3A_695 {strides = array<i32>} : memref<128xi32, #tpu.memory_space<vmem>>, vector<16xi32>,
      %dma_wait3A_696 = arith.constant 0 : i32
      %dma_wait3A_697 = arith.constant 0 : i32
      %dma_wait3A_698 = tpu.memref_slice %arg21[%dma_wait3A_696, %dma_wait3A_697] : memref<10000x128xf32, #tpu.memory_space<vmem_shared>> -> memref<10000x128xf32, #tpu.memory_space<vmem_shared>>
      tpu.wait_indirect_dma semaphore(%arg34 : memref<!tpu.dma_semaphore, #tpu.memory_space<semaphore_mem>>) src(%arg18 : memref<128x128xf32, #tpu.memory_space<vmem>>) dst(%dma_wait3A_698 : memref<10000x128xf32, #tpu.memory_space<vmem_shared>>)
      %add3A_699 = arith.constant 3 : i32
      %add3A_700 = arith.addi %add3A_571, %add3A_699 : i32
      %lt3A_701 = arith.constant 78 : i32
      %lt3A_702 = arith.cmpi slt, %add3A_700, %lt3A_701 : i32
      %convert_element_type3A_703 = arith.extui %lt3A_702 : i1 to i32
      %cond3A_704 = arith.constant 0 : i32
      %cond3A_705 = arith.cmpi ne, %convert_element_type3A_703, %cond3A_704 : i32
      scf.if %cond3A_705 {
        %add3A_1026 = arith.constant 3 : i32
        %add3A_1027 = arith.addi %add3A_571, %add3A_1026 : i32
        %mul3A_1028 = arith.constant 32 : i32
        %mul3A_1029 = arith.muli %mul3A_1028, %add3A_1027 : i32
        %add3A_1030 = arith.addi %add3A, %mul3A_1029 : i32
        %mul3A_1031 = arith.constant 128 : i32
        %mul3A_1032 = arith.muli %add3A_1030, %mul3A_1031 : i32
        %add3A_1033 = arith.constant 320000 : i32
        %add3A_1034 = arith.addi %add3A_1033, %mul3A_1032 : i32
        %dma_start3A_1035 = tpu.memref_slice %arg2[%add3A_1034] : memref<640000xi32, #tpu.memory_space<hbm>> -> memref<128xi32, #tpu.memory_space<hbm>>
        %dma_start3A_1036 = tpu.memref_slice %arg2[%add3A_1034] : memref<640000xi32, #tpu.memory_space<hbm>> -> memref<128xi32, #tpu.memory_space<hbm>>
        tpu.enqueue_dma source(%dma_start3A_1036 : memref<128xi32, #tpu.memory_space<hbm>>) target(%arg6 : memref<128xi32, #tpu.memory_space<vmem>>) target_semaphore(%arg22 : memref<!tpu.dma_semaphore, #tpu.memory_space<semaphore_mem>>)
      } else {
      }
      %dma_wait3A_706 = arith.constant 0 : i32
      %dma_wait3A_707 = arith.constant 0 : i32
      %dma_wait3A_708 = tpu.memref_slice %arg4[%dma_wait3A_706, %dma_wait3A_707] : memref<40000x128xf32, #tpu.memory_space<hbm>> -> memref<40000x128xf32, #tpu.memory_space<hbm>>
      tpu.wait_indirect_dma semaphore(%arg32 : memref<!tpu.dma_semaphore, #tpu.memory_space<semaphore_mem>>) src(%dma_wait3A_708 : memref<40000x128xf32, #tpu.memory_space<hbm>>) dst(%arg19 : memref<128x128xf32, #tpu.memory_space<vmem>>)
      %dma_start3A_709 = arith.constant 0 : i32
      %dma_start3A_710 = arith.constant 0 : i32
      %dma_start3A_711 = tpu.memref_slice %arg21[%dma_start3A_709, %dma_start3A_710] : memref<10000x128xf32, #tpu.memory_space<vmem_shared>> -> memref<10000x128xf32, #tpu.memory_space<vmem_shared>>
      tpu.enqueue_indirect_dma source(%arg19 : memref<128x128xf32, #tpu.memory_space<vmem>>) target(%dma_start3A_711 : memref<10000x128xf32, #tpu.memory_space<vmem_shared>>) offsets(%arg7 : memref<128xi32, #tpu.memory_space<vmem>>) semaphore(%arg34 : memref<!tpu.dma_semaphore, #tpu.memory_space<semaphore_mem>>) {add = true}
      %add3A_712 = arith.constant 1 : i32
      %add3A_713 = arith.addi %add3A_571, %add3A_712 : i32
      %lt3A_714 = arith.constant 78 : i32
      %lt3A_715 = arith.cmpi slt, %add3A_713, %lt3A_714 : i32
      %convert_element_type3A_716 = arith.extui %lt3A_715 : i1 to i32
      %cond3A_717 = arith.constant 0 : i32
      %cond3A_718 = arith.cmpi ne, %convert_element_type3A_716, %cond3A_717 : i32
      scf.if %cond3A_718 {
        %add3A_1026 = arith.constant 1 : i32
        %add3A_1027 = arith.addi %add3A_571, %add3A_1026 : i32
        %mul3A_1028 = arith.constant 32 : i32
        %mul3A_1029 = arith.muli %mul3A_1028, %add3A_1027 : i32
        %add3A_1030 = arith.addi %add3A, %mul3A_1029 : i32
        %mul3A_1031 = arith.constant 128 : i32
        %mul3A_1032 = arith.muli %add3A_1030, %mul3A_1031 : i32
        %dma_start3A_1033 = tpu.memref_slice %arg2[%mul3A_1032] : memref<640000xi32, #tpu.memory_space<hbm>> -> memref<128xi32, #tpu.memory_space<hbm>>
        %dma_start3A_1034 = tpu.memref_slice %arg2[%mul3A_1032] : memref<640000xi32, #tpu.memory_space<hbm>> -> memref<128xi32, #tpu.memory_space<hbm>>
        tpu.enqueue_dma source(%dma_start3A_1034 : memref<128xi32, #tpu.memory_space<hbm>>) target(%arg13 : memref<128xi32, #tpu.memory_space<vmem>>) target_semaphore(%arg29 : memref<!tpu.dma_semaphore, #tpu.memory_space<semaphore_mem>>)
        %dma_start3A_1035 = tpu.memref_slice %arg3[%mul3A_1032] : memref<320000xi32, #tpu.memory_space<hbm>> -> memref<128xi32, #tpu.memory_space<hbm>>
        %dma_start3A_1036 = tpu.memref_slice %arg3[%mul3A_1032] : memref<320000xi32, #tpu.memory_space<hbm>> -> memref<128xi32, #tpu.memory_space<hbm>>
        tpu.enqueue_dma source(%dma_start3A_1036 : memref<128xi32, #tpu.memory_space<hbm>>) target(%arg16 : memref<128xi32, #tpu.memory_space<vmem>>) target_semaphore(%arg29 : memref<!tpu.dma_semaphore, #tpu.memory_space<semaphore_mem>>)
      } else {
      }
      %dma_start3A_719 = arith.constant 0 : i32
      %dma_start3A_720 = arith.constant 0 : i32
      %dma_start3A_721 = tpu.memref_slice %arg4[%dma_start3A_719, %dma_start3A_720] : memref<40000x128xf32, #tpu.memory_space<hbm>> -> memref<40000x128xf32, #tpu.memory_space<hbm>>
      tpu.enqueue_indirect_dma source(%dma_start3A_721 : memref<40000x128xf32, #tpu.memory_space<hbm>>) target(%arg18 : memref<128x128xf32, #tpu.memory_space<vmem>>) offsets(%arg15 : memref<128xi32, #tpu.memory_space<vmem>>) semaphore(%arg31 : memref<!tpu.dma_semaphore, #tpu.memory_space<semaphore_mem>>)
      %add3A_722 = arith.constant 4 : i32
      %add3A_723 = arith.addi %mul3A_147, %add3A_722 : i32
      %dma_wait3A_724 = arith.constant 0 : i32
      %dma_wait3A_725 = tpu.memref_slice %arg2[%dma_wait3A_724] : memref<640000xi32, #tpu.memory_space<hbm>> -> memref<128xi32, #tpu.memory_space<hbm>>
      %dma_wait3A_726 = arith.constant 0 : i32
      %dma_wait3A_727 = tpu.memref_slice %arg2[%dma_wait3A_726] : memref<640000xi32, #tpu.memory_space<hbm>> -> memref<128xi32, #tpu.memory_space<hbm>>
      tpu.wait_dma2 semaphore(%arg29 : memref<!tpu.dma_semaphore, #tpu.memory_space<semaphore_mem>>) src(%dma_wait3A_727 : memref<128xi32, #tpu.memory_space<hbm>>) dst(%arg13 : memref<128xi32, #tpu.memory_space<vmem>>)
      %dma_wait3A_728 = arith.constant 0 : i32
      %dma_wait3A_729 = tpu.memref_slice %arg2[%dma_wait3A_728] : memref<640000xi32, #tpu.memory_space<hbm>> -> memref<128xi32, #tpu.memory_space<hbm>>
      %dma_wait3A_730 = arith.constant 0 : i32
      %dma_wait3A_731 = tpu.memref_slice %arg2[%dma_wait3A_730] : memref<640000xi32, #tpu.memory_space<hbm>> -> memref<128xi32, #tpu.memory_space<hbm>>
      tpu.wait_dma2 semaphore(%arg29 : memref<!tpu.dma_semaphore, #tpu.memory_space<semaphore_mem>>) src(%dma_wait3A_731 : memref<128xi32, #tpu.memory_space<hbm>>) dst(%arg16 : memref<128xi32, #tpu.memory_space<vmem>>)
      %dma_wait3A_732 = arith.constant 0 : i32
      %dma_wait3A_733 = tpu.memref_slice %arg2[%dma_wait3A_732] : memref<640000xi32, #tpu.memory_space<hbm>> -> memref<128xi32, #tpu.memory_space<hbm>>
      %dma_wait3A_734 = arith.constant 0 : i32
      %dma_wait3A_735 = tpu.memref_slice %arg2[%dma_wait3A_734] : memref<640000xi32, #tpu.memory_space<hbm>> -> memref<128xi32, #tpu.memory_space<hbm>>
      tpu.wait_dma2 semaphore(%arg26 : memref<!tpu.dma_semaphore, #tpu.memory_space<semaphore_mem>>) src(%dma_wait3A_735 : memref<128xi32, #tpu.memory_space<hbm>>) dst(%arg10 : memref<128xi32, #tpu.memory_space<vmem>>)
      %get3A_736 = arith.constant 0 : index
      %get3A_737 = tpu.vector_load %arg16[%get3A_736] {strides = array<i32>} : memref<128xi32, #tpu.memory_space<vmem>>, vector<16xi32>,
      %get3A_738 = vector.shape_cast %get3A_737 : vector<16xi32> to vector<16xi32>
      %mul3A_739 = arith.constant 10000 : i32
      %mul3A_740 = vector.broadcast %mul3A_739 : i32 to vector<16xi32>
      %mul3A_741 = arith.muli %get3A_738, %mul3A_740 : vector<16xi32>
      %get3A_742 = arith.constant 0 : index
      %get3A_743 = tpu.vector_load %arg13[%get3A_742] {strides = array<i32>} : memref<128xi32, #tpu.memory_space<vmem>>, vector<16xi32>,
      %get3A_744 = vector.shape_cast %get3A_743 : vector<16xi32> to vector<16xi32>
      %add3A_745 = arith.addi %mul3A_741, %get3A_744 : vector<16xi32>
      %swap3A_746 = arith.constant 0 : index
      %swap3A_747 = tpu.vector_load %arg16[%swap3A_746] {strides = array<i32>} : memref<128xi32, #tpu.memory_space<vmem>>, vector<16xi32>,
      %swap3A_748 = vector.shape_cast %swap3A_747 : vector<16xi32> to vector<16xi32>
      %swap3A_749 = vector.shape_cast %add3A_745 : vector<16xi32> to vector<16xi32>
      tpu.vector_store %arg16[%swap3A_746], %swap3A_749 {strides = array<i32>} : memref<128xi32, #tpu.memory_space<vmem>>, vector<16xi32>,
      %get3A_750 = arith.constant 16 : index
      %get3A_751 = tpu.vector_load %arg16[%get3A_750] {strides = array<i32>} : memref<128xi32, #tpu.memory_space<vmem>>, vector<16xi32>,
      %get3A_752 = vector.shape_cast %get3A_751 : vector<16xi32> to vector<16xi32>
      %mul3A_753 = arith.constant 10000 : i32
      %mul3A_754 = vector.broadcast %mul3A_753 : i32 to vector<16xi32>
      %mul3A_755 = arith.muli %get3A_752, %mul3A_754 : vector<16xi32>
      %get3A_756 = arith.constant 16 : index
      %get3A_757 = tpu.vector_load %arg13[%get3A_756] {strides = array<i32>} : memref<128xi32, #tpu.memory_space<vmem>>, vector<16xi32>,
      %get3A_758 = vector.shape_cast %get3A_757 : vector<16xi32> to vector<16xi32>
      %add3A_759 = arith.addi %mul3A_755, %get3A_758 : vector<16xi32>
      %swap3A_760 = arith.constant 16 : index
      %swap3A_761 = tpu.vector_load %arg16[%swap3A_760] {strides = array<i32>} : memref<128xi32, #tpu.memory_space<vmem>>, vector<16xi32>,
      %swap3A_762 = vector.shape_cast %swap3A_761 : vector<16xi32> to vector<16xi32>
      %swap3A_763 = vector.shape_cast %add3A_759 : vector<16xi32> to vector<16xi32>
      tpu.vector_store %arg16[%swap3A_760], %swap3A_763 {strides = array<i32>} : memref<128xi32, #tpu.memory_space<vmem>>, vector<16xi32>,
      %get3A_764 = arith.constant 32 : index
      %get3A_765 = tpu.vector_load %arg16[%get3A_764] {strides = array<i32>} : memref<128xi32, #tpu.memory_space<vmem>>, vector<16xi32>,
      %get3A_766 = vector.shape_cast %get3A_765 : vector<16xi32> to vector<16xi32>
      %mul3A_767 = arith.constant 10000 : i32
      %mul3A_768 = vector.broadcast %mul3A_767 : i32 to vector<16xi32>
      %mul3A_769 = arith.muli %get3A_766, %mul3A_768 : vector<16xi32>
      %get3A_770 = arith.constant 32 : index
      %get3A_771 = tpu.vector_load %arg13[%get3A_770] {strides = array<i32>} : memref<128xi32, #tpu.memory_space<vmem>>, vector<16xi32>,
      %get3A_772 = vector.shape_cast %get3A_771 : vector<16xi32> to vector<16xi32>
      %add3A_773 = arith.addi %mul3A_769, %get3A_772 : vector<16xi32>
      %swap3A_774 = arith.constant 32 : index
      %swap3A_775 = tpu.vector_load %arg16[%swap3A_774] {strides = array<i32>} : memref<128xi32, #tpu.memory_space<vmem>>, vector<16xi32>,
      %swap3A_776 = vector.shape_cast %swap3A_775 : vector<16xi32> to vector<16xi32>
      %swap3A_777 = vector.shape_cast %add3A_773 : vector<16xi32> to vector<16xi32>
      tpu.vector_store %arg16[%swap3A_774], %swap3A_777 {strides = array<i32>} : memref<128xi32, #tpu.memory_space<vmem>>, vector<16xi32>,
      %get3A_778 = arith.constant 48 : index
      %get3A_779 = tpu.vector_load %arg16[%get3A_778] {strides = array<i32>} : memref<128xi32, #tpu.memory_space<vmem>>, vector<16xi32>,
      %get3A_780 = vector.shape_cast %get3A_779 : vector<16xi32> to vector<16xi32>
      %mul3A_781 = arith.constant 10000 : i32
      %mul3A_782 = vector.broadcast %mul3A_781 : i32 to vector<16xi32>
      %mul3A_783 = arith.muli %get3A_780, %mul3A_782 : vector<16xi32>
      %get3A_784 = arith.constant 48 : index
      %get3A_785 = tpu.vector_load %arg13[%get3A_784] {strides = array<i32>} : memref<128xi32, #tpu.memory_space<vmem>>, vector<16xi32>,
      %get3A_786 = vector.shape_cast %get3A_785 : vector<16xi32> to vector<16xi32>
      %add3A_787 = arith.addi %mul3A_783, %get3A_786 : vector<16xi32>
      %swap3A_788 = arith.constant 48 : index
      %swap3A_789 = tpu.vector_load %arg16[%swap3A_788] {strides = array<i32>} : memref<128xi32, #tpu.memory_space<vmem>>, vector<16xi32>,
      %swap3A_790 = vector.shape_cast %swap3A_789 : vector<16xi32> to vector<16xi32>
      %swap3A_791 = vector.shape_cast %add3A_787 : vector<16xi32> to vector<16xi32>
      tpu.vector_store %arg16[%swap3A_788], %swap3A_791 {strides = array<i32>} : memref<128xi32, #tpu.memory_space<vmem>>, vector<16xi32>,
      %get3A_792 = arith.constant 64 : index
      %get3A_793 = tpu.vector_load %arg16[%get3A_792] {strides = array<i32>} : memref<128xi32, #tpu.memory_space<vmem>>, vector<16xi32>,
      %get3A_794 = vector.shape_cast %get3A_793 : vector<16xi32> to vector<16xi32>
      %mul3A_795 = arith.constant 10000 : i32
      %mul3A_796 = vector.broadcast %mul3A_795 : i32 to vector<16xi32>
      %mul3A_797 = arith.muli %get3A_794, %mul3A_796 : vector<16xi32>
      %get3A_798 = arith.constant 64 : index
      %get3A_799 = tpu.vector_load %arg13[%get3A_798] {strides = array<i32>} : memref<128xi32, #tpu.memory_space<vmem>>, vector<16xi32>,
      %get3A_800 = vector.shape_cast %get3A_799 : vector<16xi32> to vector<16xi32>
      %add3A_801 = arith.addi %mul3A_797, %get3A_800 : vector<16xi32>
      %swap3A_802 = arith.constant 64 : index
      %swap3A_803 = tpu.vector_load %arg16[%swap3A_802] {strides = array<i32>} : memref<128xi32, #tpu.memory_space<vmem>>, vector<16xi32>,
      %swap3A_804 = vector.shape_cast %swap3A_803 : vector<16xi32> to vector<16xi32>
      %swap3A_805 = vector.shape_cast %add3A_801 : vector<16xi32> to vector<16xi32>
      tpu.vector_store %arg16[%swap3A_802], %swap3A_805 {strides = array<i32>} : memref<128xi32, #tpu.memory_space<vmem>>, vector<16xi32>,
      %get3A_806 = arith.constant 80 : index
      %get3A_807 = tpu.vector_load %arg16[%get3A_806] {strides = array<i32>} : memref<128xi32, #tpu.memory_space<vmem>>, vector<16xi32>,
      %get3A_808 = vector.shape_cast %get3A_807 : vector<16xi32> to vector<16xi32>
      %mul3A_809 = arith.constant 10000 : i32
      %mul3A_810 = vector.broadcast %mul3A_809 : i32 to vector<16xi32>
      %mul3A_811 = arith.muli %get3A_808, %mul3A_810 : vector<16xi32>
      %get3A_812 = arith.constant 80 : index
      %get3A_813 = tpu.vector_load %arg13[%get3A_812] {strides = array<i32>} : memref<128xi32, #tpu.memory_space<vmem>>, vector<16xi32>,
      %get3A_814 = vector.shape_cast %get3A_813 : vector<16xi32> to vector<16xi32>
      %add3A_815 = arith.addi %mul3A_811, %get3A_814 : vector<16xi32>
      %swap3A_816 = arith.constant 80 : index
      %swap3A_817 = tpu.vector_load %arg16[%swap3A_816] {strides = array<i32>} : memref<128xi32, #tpu.memory_space<vmem>>, vector<16xi32>,
      %swap3A_818 = vector.shape_cast %swap3A_817 : vector<16xi32> to vector<16xi32>
      %swap3A_819 = vector.shape_cast %add3A_815 : vector<16xi32> to vector<16xi32>
      tpu.vector_store %arg16[%swap3A_816], %swap3A_819 {strides = array<i32>} : memref<128xi32, #tpu.memory_space<vmem>>, vector<16xi32>,
      %get3A_820 = arith.constant 96 : index
      %get3A_821 = tpu.vector_load %arg16[%get3A_820] {strides = array<i32>} : memref<128xi32, #tpu.memory_space<vmem>>, vector<16xi32>,
      %get3A_822 = vector.shape_cast %get3A_821 : vector<16xi32> to vector<16xi32>
      %mul3A_823 = arith.constant 10000 : i32
      %mul3A_824 = vector.broadcast %mul3A_823 : i32 to vector<16xi32>
      %mul3A_825 = arith.muli %get3A_822, %mul3A_824 : vector<16xi32>
      %get3A_826 = arith.constant 96 : index
      %get3A_827 = tpu.vector_load %arg13[%get3A_826] {strides = array<i32>} : memref<128xi32, #tpu.memory_space<vmem>>, vector<16xi32>,
      %get3A_828 = vector.shape_cast %get3A_827 : vector<16xi32> to vector<16xi32>
      %add3A_829 = arith.addi %mul3A_825, %get3A_828 : vector<16xi32>
      %swap3A_830 = arith.constant 96 : index
      %swap3A_831 = tpu.vector_load %arg16[%swap3A_830] {strides = array<i32>} : memref<128xi32, #tpu.memory_space<vmem>>, vector<16xi32>,
      %swap3A_832 = vector.shape_cast %swap3A_831 : vector<16xi32> to vector<16xi32>
      %swap3A_833 = vector.shape_cast %add3A_829 : vector<16xi32> to vector<16xi32>
      tpu.vector_store %arg16[%swap3A_830], %swap3A_833 {strides = array<i32>} : memref<128xi32, #tpu.memory_space<vmem>>, vector<16xi32>,
      %get3A_834 = arith.constant 112 : index
      %get3A_835 = tpu.vector_load %arg16[%get3A_834] {strides = array<i32>} : memref<128xi32, #tpu.memory_space<vmem>>, vector<16xi32>,
      %get3A_836 = vector.shape_cast %get3A_835 : vector<16xi32> to vector<16xi32>
      %mul3A_837 = arith.constant 10000 : i32
      %mul3A_838 = vector.broadcast %mul3A_837 : i32 to vector<16xi32>
      %mul3A_839 = arith.muli %get3A_836, %mul3A_838 : vector<16xi32>
      %get3A_840 = arith.constant 112 : index
      %get3A_841 = tpu.vector_load %arg13[%get3A_840] {strides = array<i32>} : memref<128xi32, #tpu.memory_space<vmem>>, vector<16xi32>,
      %get3A_842 = vector.shape_cast %get3A_841 : vector<16xi32> to vector<16xi32>
      %add3A_843 = arith.addi %mul3A_839, %get3A_842 : vector<16xi32>
      %swap3A_844 = arith.constant 112 : index
      %swap3A_845 = tpu.vector_load %arg16[%swap3A_844] {strides = array<i32>} : memref<128xi32, #tpu.memory_space<vmem>>, vector<16xi32>,
      %swap3A_846 = vector.shape_cast %swap3A_845 : vector<16xi32> to vector<16xi32>
      %swap3A_847 = vector.shape_cast %add3A_843 : vector<16xi32> to vector<16xi32>
      tpu.vector_store %arg16[%swap3A_844], %swap3A_847 {strides = array<i32>} : memref<128xi32, #tpu.memory_space<vmem>>, vector<16xi32>,
      %dma_wait3A_848 = arith.constant 0 : i32
      %dma_wait3A_849 = arith.constant 0 : i32
      %dma_wait3A_850 = tpu.memref_slice %arg21[%dma_wait3A_848, %dma_wait3A_849] : memref<10000x128xf32, #tpu.memory_space<vmem_shared>> -> memref<10000x128xf32, #tpu.memory_space<vmem_shared>>
      tpu.wait_indirect_dma semaphore(%arg34 : memref<!tpu.dma_semaphore, #tpu.memory_space<semaphore_mem>>) src(%arg19 : memref<128x128xf32, #tpu.memory_space<vmem>>) dst(%dma_wait3A_850 : memref<10000x128xf32, #tpu.memory_space<vmem_shared>>)
      %add3A_851 = arith.constant 3 : i32
      %add3A_852 = arith.addi %add3A_723, %add3A_851 : i32
      %lt3A_853 = arith.constant 78 : i32
      %lt3A_854 = arith.cmpi slt, %add3A_852, %lt3A_853 : i32
      %convert_element_type3A_855 = arith.extui %lt3A_854 : i1 to i32
      %cond3A_856 = arith.constant 0 : i32
      %cond3A_857 = arith.cmpi ne, %convert_element_type3A_855, %cond3A_856 : i32
      scf.if %cond3A_857 {
        %add3A_1026 = arith.constant 3 : i32
        %add3A_1027 = arith.addi %add3A_723, %add3A_1026 : i32
        %mul3A_1028 = arith.constant 32 : i32
        %mul3A_1029 = arith.muli %mul3A_1028, %add3A_1027 : i32
        %add3A_1030 = arith.addi %add3A, %mul3A_1029 : i32
        %mul3A_1031 = arith.constant 128 : i32
        %mul3A_1032 = arith.muli %add3A_1030, %mul3A_1031 : i32
        %add3A_1033 = arith.constant 320000 : i32
        %add3A_1034 = arith.addi %add3A_1033, %mul3A_1032 : i32
        %dma_start3A_1035 = tpu.memref_slice %arg2[%add3A_1034] : memref<640000xi32, #tpu.memory_space<hbm>> -> memref<128xi32, #tpu.memory_space<hbm>>
        %dma_start3A_1036 = tpu.memref_slice %arg2[%add3A_1034] : memref<640000xi32, #tpu.memory_space<hbm>> -> memref<128xi32, #tpu.memory_space<hbm>>
        tpu.enqueue_dma source(%dma_start3A_1036 : memref<128xi32, #tpu.memory_space<hbm>>) target(%arg7 : memref<128xi32, #tpu.memory_space<vmem>>) target_semaphore(%arg23 : memref<!tpu.dma_semaphore, #tpu.memory_space<semaphore_mem>>)
      } else {
      }
      %dma_wait3A_858 = arith.constant 0 : i32
      %dma_wait3A_859 = arith.constant 0 : i32
      %dma_wait3A_860 = tpu.memref_slice %arg4[%dma_wait3A_858, %dma_wait3A_859] : memref<40000x128xf32, #tpu.memory_space<hbm>> -> memref<40000x128xf32, #tpu.memory_space<hbm>>
      tpu.wait_indirect_dma semaphore(%arg33 : memref<!tpu.dma_semaphore, #tpu.memory_space<semaphore_mem>>) src(%dma_wait3A_860 : memref<40000x128xf32, #tpu.memory_space<hbm>>) dst(%arg20 : memref<128x128xf32, #tpu.memory_space<vmem>>)
      %dma_start3A_861 = arith.constant 0 : i32
      %dma_start3A_862 = arith.constant 0 : i32
      %dma_start3A_863 = tpu.memref_slice %arg21[%dma_start3A_861, %dma_start3A_862] : memref<10000x128xf32, #tpu.memory_space<vmem_shared>> -> memref<10000x128xf32, #tpu.memory_space<vmem_shared>>
      tpu.enqueue_indirect_dma source(%arg20 : memref<128x128xf32, #tpu.memory_space<vmem>>) target(%dma_start3A_863 : memref<10000x128xf32, #tpu.memory_space<vmem_shared>>) offsets(%arg8 : memref<128xi32, #tpu.memory_space<vmem>>) semaphore(%arg34 : memref<!tpu.dma_semaphore, #tpu.memory_space<semaphore_mem>>) {add = true}
      %add3A_864 = arith.constant 1 : i32
      %add3A_865 = arith.addi %add3A_723, %add3A_864 : i32
      %lt3A_866 = arith.constant 78 : i32
      %lt3A_867 = arith.cmpi slt, %add3A_865, %lt3A_866 : i32
      %convert_element_type3A_868 = arith.extui %lt3A_867 : i1 to i32
      %cond3A_869 = arith.constant 0 : i32
      %cond3A_870 = arith.cmpi ne, %convert_element_type3A_868, %cond3A_869 : i32
      scf.if %cond3A_870 {
        %add3A_1026 = arith.constant 1 : i32
        %add3A_1027 = arith.addi %add3A_723, %add3A_1026 : i32
        %mul3A_1028 = arith.constant 32 : i32
        %mul3A_1029 = arith.muli %mul3A_1028, %add3A_1027 : i32
        %add3A_1030 = arith.addi %add3A, %mul3A_1029 : i32
        %mul3A_1031 = arith.constant 128 : i32
        %mul3A_1032 = arith.muli %add3A_1030, %mul3A_1031 : i32
        %dma_start3A_1033 = tpu.memref_slice %arg2[%mul3A_1032] : memref<640000xi32, #tpu.memory_space<hbm>> -> memref<128xi32, #tpu.memory_space<hbm>>
        %dma_start3A_1034 = tpu.memref_slice %arg2[%mul3A_1032] : memref<640000xi32, #tpu.memory_space<hbm>> -> memref<128xi32, #tpu.memory_space<hbm>>
        tpu.enqueue_dma source(%dma_start3A_1034 : memref<128xi32, #tpu.memory_space<hbm>>) target(%arg14 : memref<128xi32, #tpu.memory_space<vmem>>) target_semaphore(%arg30 : memref<!tpu.dma_semaphore, #tpu.memory_space<semaphore_mem>>)
        %dma_start3A_1035 = tpu.memref_slice %arg3[%mul3A_1032] : memref<320000xi32, #tpu.memory_space<hbm>> -> memref<128xi32, #tpu.memory_space<hbm>>
        %dma_start3A_1036 = tpu.memref_slice %arg3[%mul3A_1032] : memref<320000xi32, #tpu.memory_space<hbm>> -> memref<128xi32, #tpu.memory_space<hbm>>
        tpu.enqueue_dma source(%dma_start3A_1036 : memref<128xi32, #tpu.memory_space<hbm>>) target(%arg17 : memref<128xi32, #tpu.memory_space<vmem>>) target_semaphore(%arg30 : memref<!tpu.dma_semaphore, #tpu.memory_space<semaphore_mem>>)
      } else {
      }
      %dma_start3A_871 = arith.constant 0 : i32
      %dma_start3A_872 = arith.constant 0 : i32
      %dma_start3A_873 = tpu.memref_slice %arg4[%dma_start3A_871, %dma_start3A_872] : memref<40000x128xf32, #tpu.memory_space<hbm>> -> memref<40000x128xf32, #tpu.memory_space<hbm>>
      tpu.enqueue_indirect_dma source(%dma_start3A_873 : memref<40000x128xf32, #tpu.memory_space<hbm>>) target(%arg19 : memref<128x128xf32, #tpu.memory_space<vmem>>) offsets(%arg16 : memref<128xi32, #tpu.memory_space<vmem>>) semaphore(%arg32 : memref<!tpu.dma_semaphore, #tpu.memory_space<semaphore_mem>>)
      %add3A_874 = arith.constant 5 : i32
      %add3A_875 = arith.addi %mul3A_147, %add3A_874 : i32
      %dma_wait3A_876 = arith.constant 0 : i32
      %dma_wait3A_877 = tpu.memref_slice %arg2[%dma_wait3A_876] : memref<640000xi32, #tpu.memory_space<hbm>> -> memref<128xi32, #tpu.memory_space<hbm>>
      %dma_wait3A_878 = arith.constant 0 : i32
      %dma_wait3A_879 = tpu.memref_slice %arg2[%dma_wait3A_878] : memref<640000xi32, #tpu.memory_space<hbm>> -> memref<128xi32, #tpu.memory_space<hbm>>
      tpu.wait_dma2 semaphore(%arg30 : memref<!tpu.dma_semaphore, #tpu.memory_space<semaphore_mem>>) src(%dma_wait3A_879 : memref<128xi32, #tpu.memory_space<hbm>>) dst(%arg14 : memref<128xi32, #tpu.memory_space<vmem>>)
      %dma_wait3A_880 = arith.constant 0 : i32
      %dma_wait3A_881 = tpu.memref_slice %arg2[%dma_wait3A_880] : memref<640000xi32, #tpu.memory_space<hbm>> -> memref<128xi32, #tpu.memory_space<hbm>>
      %dma_wait3A_882 = arith.constant 0 : i32
      %dma_wait3A_883 = tpu.memref_slice %arg2[%dma_wait3A_882] : memref<640000xi32, #tpu.memory_space<hbm>> -> memref<128xi32, #tpu.memory_space<hbm>>
      tpu.wait_dma2 semaphore(%arg30 : memref<!tpu.dma_semaphore, #tpu.memory_space<semaphore_mem>>) src(%dma_wait3A_883 : memref<128xi32, #tpu.memory_space<hbm>>) dst(%arg17 : memref<128xi32, #tpu.memory_space<vmem>>)
      %dma_wait3A_884 = arith.constant 0 : i32
      %dma_wait3A_885 = tpu.memref_slice %arg2[%dma_wait3A_884] : memref<640000xi32, #tpu.memory_space<hbm>> -> memref<128xi32, #tpu.memory_space<hbm>>
      %dma_wait3A_886 = arith.constant 0 : i32
      %dma_wait3A_887 = tpu.memref_slice %arg2[%dma_wait3A_886] : memref<640000xi32, #tpu.memory_space<hbm>> -> memref<128xi32, #tpu.memory_space<hbm>>
      tpu.wait_dma2 semaphore(%arg27 : memref<!tpu.dma_semaphore, #tpu.memory_space<semaphore_mem>>) src(%dma_wait3A_887 : memref<128xi32, #tpu.memory_space<hbm>>) dst(%arg11 : memref<128xi32, #tpu.memory_space<vmem>>)
      %get3A_888 = arith.constant 0 : index
      %get3A_889 = tpu.vector_load %arg17[%get3A_888] {strides = array<i32>} : memref<128xi32, #tpu.memory_space<vmem>>, vector<16xi32>,
      %get3A_890 = vector.shape_cast %get3A_889 : vector<16xi32> to vector<16xi32>
      %mul3A_891 = arith.constant 10000 : i32
      %mul3A_892 = vector.broadcast %mul3A_891 : i32 to vector<16xi32>
      %mul3A_893 = arith.muli %get3A_890, %mul3A_892 : vector<16xi32>
      %get3A_894 = arith.constant 0 : index
      %get3A_895 = tpu.vector_load %arg14[%get3A_894] {strides = array<i32>} : memref<128xi32, #tpu.memory_space<vmem>>, vector<16xi32>,
      %get3A_896 = vector.shape_cast %get3A_895 : vector<16xi32> to vector<16xi32>
      %add3A_897 = arith.addi %mul3A_893, %get3A_896 : vector<16xi32>
      %swap3A_898 = arith.constant 0 : index
      %swap3A_899 = tpu.vector_load %arg17[%swap3A_898] {strides = array<i32>} : memref<128xi32, #tpu.memory_space<vmem>>, vector<16xi32>,
      %swap3A_900 = vector.shape_cast %swap3A_899 : vector<16xi32> to vector<16xi32>
      %swap3A_901 = vector.shape_cast %add3A_897 : vector<16xi32> to vector<16xi32>
      tpu.vector_store %arg17[%swap3A_898], %swap3A_901 {strides = array<i32>} : memref<128xi32, #tpu.memory_space<vmem>>, vector<16xi32>,
      %get3A_902 = arith.constant 16 : index
      %get3A_903 = tpu.vector_load %arg17[%get3A_902] {strides = array<i32>} : memref<128xi32, #tpu.memory_space<vmem>>, vector<16xi32>,
      %get3A_904 = vector.shape_cast %get3A_903 : vector<16xi32> to vector<16xi32>
      %mul3A_905 = arith.constant 10000 : i32
      %mul3A_906 = vector.broadcast %mul3A_905 : i32 to vector<16xi32>
      %mul3A_907 = arith.muli %get3A_904, %mul3A_906 : vector<16xi32>
      %get3A_908 = arith.constant 16 : index
      %get3A_909 = tpu.vector_load %arg14[%get3A_908] {strides = array<i32>} : memref<128xi32, #tpu.memory_space<vmem>>, vector<16xi32>,
      %get3A_910 = vector.shape_cast %get3A_909 : vector<16xi32> to vector<16xi32>
      %add3A_911 = arith.addi %mul3A_907, %get3A_910 : vector<16xi32>
      %swap3A_912 = arith.constant 16 : index
      %swap3A_913 = tpu.vector_load %arg17[%swap3A_912] {strides = array<i32>} : memref<128xi32, #tpu.memory_space<vmem>>, vector<16xi32>,
      %swap3A_914 = vector.shape_cast %swap3A_913 : vector<16xi32> to vector<16xi32>
      %swap3A_915 = vector.shape_cast %add3A_911 : vector<16xi32> to vector<16xi32>
      tpu.vector_store %arg17[%swap3A_912], %swap3A_915 {strides = array<i32>} : memref<128xi32, #tpu.memory_space<vmem>>, vector<16xi32>,
      %get3A_916 = arith.constant 32 : index
      %get3A_917 = tpu.vector_load %arg17[%get3A_916] {strides = array<i32>} : memref<128xi32, #tpu.memory_space<vmem>>, vector<16xi32>,
      %get3A_918 = vector.shape_cast %get3A_917 : vector<16xi32> to vector<16xi32>
      %mul3A_919 = arith.constant 10000 : i32
      %mul3A_920 = vector.broadcast %mul3A_919 : i32 to vector<16xi32>
      %mul3A_921 = arith.muli %get3A_918, %mul3A_920 : vector<16xi32>
      %get3A_922 = arith.constant 32 : index
      %get3A_923 = tpu.vector_load %arg14[%get3A_922] {strides = array<i32>} : memref<128xi32, #tpu.memory_space<vmem>>, vector<16xi32>,
      %get3A_924 = vector.shape_cast %get3A_923 : vector<16xi32> to vector<16xi32>
      %add3A_925 = arith.addi %mul3A_921, %get3A_924 : vector<16xi32>
      %swap3A_926 = arith.constant 32 : index
      %swap3A_927 = tpu.vector_load %arg17[%swap3A_926] {strides = array<i32>} : memref<128xi32, #tpu.memory_space<vmem>>, vector<16xi32>,
      %swap3A_928 = vector.shape_cast %swap3A_927 : vector<16xi32> to vector<16xi32>
      %swap3A_929 = vector.shape_cast %add3A_925 : vector<16xi32> to vector<16xi32>
      tpu.vector_store %arg17[%swap3A_926], %swap3A_929 {strides = array<i32>} : memref<128xi32, #tpu.memory_space<vmem>>, vector<16xi32>,
      %get3A_930 = arith.constant 48 : index
      %get3A_931 = tpu.vector_load %arg17[%get3A_930] {strides = array<i32>} : memref<128xi32, #tpu.memory_space<vmem>>, vector<16xi32>,
      %get3A_932 = vector.shape_cast %get3A_931 : vector<16xi32> to vector<16xi32>
      %mul3A_933 = arith.constant 10000 : i32
      %mul3A_934 = vector.broadcast %mul3A_933 : i32 to vector<16xi32>
      %mul3A_935 = arith.muli %get3A_932, %mul3A_934 : vector<16xi32>
      %get3A_936 = arith.constant 48 : index
      %get3A_937 = tpu.vector_load %arg14[%get3A_936] {strides = array<i32>} : memref<128xi32, #tpu.memory_space<vmem>>, vector<16xi32>,
      %get3A_938 = vector.shape_cast %get3A_937 : vector<16xi32> to vector<16xi32>
      %add3A_939 = arith.addi %mul3A_935, %get3A_938 : vector<16xi32>
      %swap3A_940 = arith.constant 48 : index
      %swap3A_941 = tpu.vector_load %arg17[%swap3A_940] {strides = array<i32>} : memref<128xi32, #tpu.memory_space<vmem>>, vector<16xi32>,
      %swap3A_942 = vector.shape_cast %swap3A_941 : vector<16xi32> to vector<16xi32>
      %swap3A_943 = vector.shape_cast %add3A_939 : vector<16xi32> to vector<16xi32>
      tpu.vector_store %arg17[%swap3A_940], %swap3A_943 {strides = array<i32>} : memref<128xi32, #tpu.memory_space<vmem>>, vector<16xi32>,
      %get3A_944 = arith.constant 64 : index
      %get3A_945 = tpu.vector_load %arg17[%get3A_944] {strides = array<i32>} : memref<128xi32, #tpu.memory_space<vmem>>, vector<16xi32>,
      %get3A_946 = vector.shape_cast %get3A_945 : vector<16xi32> to vector<16xi32>
      %mul3A_947 = arith.constant 10000 : i32
      %mul3A_948 = vector.broadcast %mul3A_947 : i32 to vector<16xi32>
      %mul3A_949 = arith.muli %get3A_946, %mul3A_948 : vector<16xi32>
      %get3A_950 = arith.constant 64 : index
      %get3A_951 = tpu.vector_load %arg14[%get3A_950] {strides = array<i32>} : memref<128xi32, #tpu.memory_space<vmem>>, vector<16xi32>,
      %get3A_952 = vector.shape_cast %get3A_951 : vector<16xi32> to vector<16xi32>
      %add3A_953 = arith.addi %mul3A_949, %get3A_952 : vector<16xi32>
      %swap3A_954 = arith.constant 64 : index
      %swap3A_955 = tpu.vector_load %arg17[%swap3A_954] {strides = array<i32>} : memref<128xi32, #tpu.memory_space<vmem>>, vector<16xi32>,
      %swap3A_956 = vector.shape_cast %swap3A_955 : vector<16xi32> to vector<16xi32>
      %swap3A_957 = vector.shape_cast %add3A_953 : vector<16xi32> to vector<16xi32>
      tpu.vector_store %arg17[%swap3A_954], %swap3A_957 {strides = array<i32>} : memref<128xi32, #tpu.memory_space<vmem>>, vector<16xi32>,
      %get3A_958 = arith.constant 80 : index
      %get3A_959 = tpu.vector_load %arg17[%get3A_958] {strides = array<i32>} : memref<128xi32, #tpu.memory_space<vmem>>, vector<16xi32>,
      %get3A_960 = vector.shape_cast %get3A_959 : vector<16xi32> to vector<16xi32>
      %mul3A_961 = arith.constant 10000 : i32
      %mul3A_962 = vector.broadcast %mul3A_961 : i32 to vector<16xi32>
      %mul3A_963 = arith.muli %get3A_960, %mul3A_962 : vector<16xi32>
      %get3A_964 = arith.constant 80 : index
      %get3A_965 = tpu.vector_load %arg14[%get3A_964] {strides = array<i32>} : memref<128xi32, #tpu.memory_space<vmem>>, vector<16xi32>,
      %get3A_966 = vector.shape_cast %get3A_965 : vector<16xi32> to vector<16xi32>
      %add3A_967 = arith.addi %mul3A_963, %get3A_966 : vector<16xi32>
      %swap3A_968 = arith.constant 80 : index
      %swap3A_969 = tpu.vector_load %arg17[%swap3A_968] {strides = array<i32>} : memref<128xi32, #tpu.memory_space<vmem>>, vector<16xi32>,
      %swap3A_970 = vector.shape_cast %swap3A_969 : vector<16xi32> to vector<16xi32>
      %swap3A_971 = vector.shape_cast %add3A_967 : vector<16xi32> to vector<16xi32>
      tpu.vector_store %arg17[%swap3A_968], %swap3A_971 {strides = array<i32>} : memref<128xi32, #tpu.memory_space<vmem>>, vector<16xi32>,
      %get3A_972 = arith.constant 96 : index
      %get3A_973 = tpu.vector_load %arg17[%get3A_972] {strides = array<i32>} : memref<128xi32, #tpu.memory_space<vmem>>, vector<16xi32>,
      %get3A_974 = vector.shape_cast %get3A_973 : vector<16xi32> to vector<16xi32>
      %mul3A_975 = arith.constant 10000 : i32
      %mul3A_976 = vector.broadcast %mul3A_975 : i32 to vector<16xi32>
      %mul3A_977 = arith.muli %get3A_974, %mul3A_976 : vector<16xi32>
      %get3A_978 = arith.constant 96 : index
      %get3A_979 = tpu.vector_load %arg14[%get3A_978] {strides = array<i32>} : memref<128xi32, #tpu.memory_space<vmem>>, vector<16xi32>,
      %get3A_980 = vector.shape_cast %get3A_979 : vector<16xi32> to vector<16xi32>
      %add3A_981 = arith.addi %mul3A_977, %get3A_980 : vector<16xi32>
      %swap3A_982 = arith.constant 96 : index
      %swap3A_983 = tpu.vector_load %arg17[%swap3A_982] {strides = array<i32>} : memref<128xi32, #tpu.memory_space<vmem>>, vector<16xi32>,
      %swap3A_984 = vector.shape_cast %swap3A_983 : vector<16xi32> to vector<16xi32>
      %swap3A_985 = vector.shape_cast %add3A_981 : vector<16xi32> to vector<16xi32>
      tpu.vector_store %arg17[%swap3A_982], %swap3A_985 {strides = array<i32>} : memref<128xi32, #tpu.memory_space<vmem>>, vector<16xi32>,
      %get3A_986 = arith.constant 112 : index
      %get3A_987 = tpu.vector_load %arg17[%get3A_986] {strides = array<i32>} : memref<128xi32, #tpu.memory_space<vmem>>, vector<16xi32>,
      %get3A_988 = vector.shape_cast %get3A_987 : vector<16xi32> to vector<16xi32>
      %mul3A_989 = arith.constant 10000 : i32
      %mul3A_990 = vector.broadcast %mul3A_989 : i32 to vector<16xi32>
      %mul3A_991 = arith.muli %get3A_988, %mul3A_990 : vector<16xi32>
      %get3A_992 = arith.constant 112 : index
      %get3A_993 = tpu.vector_load %arg14[%get3A_992] {strides = array<i32>} : memref<128xi32, #tpu.memory_space<vmem>>, vector<16xi32>,
      %get3A_994 = vector.shape_cast %get3A_993 : vector<16xi32> to vector<16xi32>
      %add3A_995 = arith.addi %mul3A_991, %get3A_994 : vector<16xi32>
      %swap3A_996 = arith.constant 112 : index
      %swap3A_997 = tpu.vector_load %arg17[%swap3A_996] {strides = array<i32>} : memref<128xi32, #tpu.memory_space<vmem>>, vector<16xi32>,
      %swap3A_998 = vector.shape_cast %swap3A_997 : vector<16xi32> to vector<16xi32>
      %swap3A_999 = vector.shape_cast %add3A_995 : vector<16xi32> to vector<16xi32>
      tpu.vector_store %arg17[%swap3A_996], %swap3A_999 {strides = array<i32>} : memref<128xi32, #tpu.memory_space<vmem>>, vector<16xi32>,
      %dma_wait3A_1000 = arith.constant 0 : i32
      %dma_wait3A_1001 = arith.constant 0 : i32
      %dma_wait3A_1002 = tpu.memref_slice %arg21[%dma_wait3A_1000, %dma_wait3A_1001] : memref<10000x128xf32, #tpu.memory_space<vmem_shared>> -> memref<10000x128xf32, #tpu.memory_space<vmem_shared>>
      tpu.wait_indirect_dma semaphore(%arg34 : memref<!tpu.dma_semaphore, #tpu.memory_space<semaphore_mem>>) src(%arg20 : memref<128x128xf32, #tpu.memory_space<vmem>>) dst(%dma_wait3A_1002 : memref<10000x128xf32, #tpu.memory_space<vmem_shared>>)
      %add3A_1003 = arith.constant 3 : i32
      %add3A_1004 = arith.addi %add3A_875, %add3A_1003 : i32
      %lt3A_1005 = arith.constant 78 : i32
      %lt3A_1006 = arith.cmpi slt, %add3A_1004, %lt3A_1005 : i32
      %convert_element_type3A_1007 = arith.extui %lt3A_1006 : i1 to i32
      %cond3A_1008 = arith.constant 0 : i32
      %cond3A_1009 = arith.cmpi ne, %convert_element_type3A_1007, %cond3A_1008 : i32
      scf.if %cond3A_1009 {
        %add3A_1026 = arith.constant 3 : i32
        %add3A_1027 = arith.addi %add3A_875, %add3A_1026 : i32
        %mul3A_1028 = arith.constant 32 : i32
        %mul3A_1029 = arith.muli %mul3A_1028, %add3A_1027 : i32
        %add3A_1030 = arith.addi %add3A, %mul3A_1029 : i32
        %mul3A_1031 = arith.constant 128 : i32
        %mul3A_1032 = arith.muli %add3A_1030, %mul3A_1031 : i32
        %add3A_1033 = arith.constant 320000 : i32
        %add3A_1034 = arith.addi %add3A_1033, %mul3A_1032 : i32
        %dma_start3A_1035 = tpu.memref_slice %arg2[%add3A_1034] : memref<640000xi32, #tpu.memory_space<hbm>> -> memref<128xi32, #tpu.memory_space<hbm>>
        %dma_start3A_1036 = tpu.memref_slice %arg2[%add3A_1034] : memref<640000xi32, #tpu.memory_space<hbm>> -> memref<128xi32, #tpu.memory_space<hbm>>
        tpu.enqueue_dma source(%dma_start3A_1036 : memref<128xi32, #tpu.memory_space<hbm>>) target(%arg8 : memref<128xi32, #tpu.memory_space<vmem>>) target_semaphore(%arg24 : memref<!tpu.dma_semaphore, #tpu.memory_space<semaphore_mem>>)
      } else {
      }
      %dma_wait3A_1010 = arith.constant 0 : i32
      %dma_wait3A_1011 = arith.constant 0 : i32
      %dma_wait3A_1012 = tpu.memref_slice %arg4[%dma_wait3A_1010, %dma_wait3A_1011] : memref<40000x128xf32, #tpu.memory_space<hbm>> -> memref<40000x128xf32, #tpu.memory_space<hbm>>
      tpu.wait_indirect_dma semaphore(%arg31 : memref<!tpu.dma_semaphore, #tpu.memory_space<semaphore_mem>>) src(%dma_wait3A_1012 : memref<40000x128xf32, #tpu.memory_space<hbm>>) dst(%arg18 : memref<128x128xf32, #tpu.memory_space<vmem>>)
      %dma_start3A_1013 = arith.constant 0 : i32
      %dma_start3A_1014 = arith.constant 0 : i32
      %dma_start3A_1015 = tpu.memref_slice %arg21[%dma_start3A_1013, %dma_start3A_1014] : memref<10000x128xf32, #tpu.memory_space<vmem_shared>> -> memref<10000x128xf32, #tpu.memory_space<vmem_shared>>
      tpu.enqueue_indirect_dma source(%arg18 : memref<128x128xf32, #tpu.memory_space<vmem>>) target(%dma_start3A_1015 : memref<10000x128xf32, #tpu.memory_space<vmem_shared>>) offsets(%arg9 : memref<128xi32, #tpu.memory_space<vmem>>) semaphore(%arg34 : memref<!tpu.dma_semaphore, #tpu.memory_space<semaphore_mem>>) {add = true}
      %add3A_1016 = arith.constant 1 : i32
      %add3A_1017 = arith.addi %add3A_875, %add3A_1016 : i32
      %lt3A_1018 = arith.constant 78 : i32
      %lt3A_1019 = arith.cmpi slt, %add3A_1017, %lt3A_1018 : i32
      %convert_element_type3A_1020 = arith.extui %lt3A_1019 : i1 to i32
      %cond3A_1021 = arith.constant 0 : i32
      %cond3A_1022 = arith.cmpi ne, %convert_element_type3A_1020, %cond3A_1021 : i32
      scf.if %cond3A_1022 {
        %add3A_1026 = arith.constant 1 : i32
        %add3A_1027 = arith.addi %add3A_875, %add3A_1026 : i32
        %mul3A_1028 = arith.constant 32 : i32
        %mul3A_1029 = arith.muli %mul3A_1028, %add3A_1027 : i32
        %add3A_1030 = arith.addi %add3A, %mul3A_1029 : i32
        %mul3A_1031 = arith.constant 128 : i32
        %mul3A_1032 = arith.muli %add3A_1030, %mul3A_1031 : i32
        %dma_start3A_1033 = tpu.memref_slice %arg2[%mul3A_1032] : memref<640000xi32, #tpu.memory_space<hbm>> -> memref<128xi32, #tpu.memory_space<hbm>>
        %dma_start3A_1034 = tpu.memref_slice %arg2[%mul3A_1032] : memref<640000xi32, #tpu.memory_space<hbm>> -> memref<128xi32, #tpu.memory_space<hbm>>
        tpu.enqueue_dma source(%dma_start3A_1034 : memref<128xi32, #tpu.memory_space<hbm>>) target(%arg12 : memref<128xi32, #tpu.memory_space<vmem>>) target_semaphore(%arg28 : memref<!tpu.dma_semaphore, #tpu.memory_space<semaphore_mem>>)
        %dma_start3A_1035 = tpu.memref_slice %arg3[%mul3A_1032] : memref<320000xi32, #tpu.memory_space<hbm>> -> memref<128xi32, #tpu.memory_space<hbm>>
        %dma_start3A_1036 = tpu.memref_slice %arg3[%mul3A_1032] : memref<320000xi32, #tpu.memory_space<hbm>> -> memref<128xi32, #tpu.memory_space<hbm>>
        tpu.enqueue_dma source(%dma_start3A_1036 : memref<128xi32, #tpu.memory_space<hbm>>) target(%arg15 : memref<128xi32, #tpu.memory_space<vmem>>) target_semaphore(%arg28 : memref<!tpu.dma_semaphore, #tpu.memory_space<semaphore_mem>>)
      } else {
      }
      %dma_start3A_1023 = arith.constant 0 : i32
      %dma_start3A_1024 = arith.constant 0 : i32
      %dma_start3A_1025 = tpu.memref_slice %arg4[%dma_start3A_1023, %dma_start3A_1024] : memref<40000x128xf32, #tpu.memory_space<hbm>> -> memref<40000x128xf32, #tpu.memory_space<hbm>>
      tpu.enqueue_indirect_dma source(%dma_start3A_1025 : memref<40000x128xf32, #tpu.memory_space<hbm>>) target(%arg20 : memref<128x128xf32, #tpu.memory_space<vmem>>) offsets(%arg17 : memref<128xi32, #tpu.memory_space<vmem>>) semaphore(%arg33 : memref<!tpu.dma_semaphore, #tpu.memory_space<semaphore_mem>>)
    }
    %scan3A_102 = arith.constant 13 : i32
    %lt3A = arith.constant 4 : i32
    %lt3A_103 = arith.cmpi slt, %add3A, %lt3A : i32
    %convert_element_type3A_104 = arith.extui %lt3A_103 : i1 to i32
    %cond3A_105 = arith.constant 0 : i32
    %cond3A_106 = arith.cmpi ne, %convert_element_type3A_104, %cond3A_105 : i32
    scf.if %cond3A_106 {
      %add3A_145 = arith.constant 2496 : i32
      %add3A_146 = arith.addi %add3A, %add3A_145 : i32
      %mul3A_147 = arith.constant 128 : i32
      %mul3A_148 = arith.muli %add3A_146, %mul3A_147 : i32
      %add3A_149 = arith.constant 320000 : i32
      %add3A_150 = arith.addi %add3A_149, %mul3A_148 : i32
      %dma_start3A_151 = tpu.memref_slice %arg2[%add3A_150] : memref<640000xi32, #tpu.memory_space<hbm>> -> memref<128xi32, #tpu.memory_space<hbm>>
      %dma_start3A_152 = tpu.memref_slice %arg2[%add3A_150] : memref<640000xi32, #tpu.memory_space<hbm>> -> memref<128xi32, #tpu.memory_space<hbm>>
      tpu.enqueue_dma source(%dma_start3A_152 : memref<128xi32, #tpu.memory_space<hbm>>) target(%arg6 : memref<128xi32, #tpu.memory_space<vmem>>) target_semaphore(%arg22 : memref<!tpu.dma_semaphore, #tpu.memory_space<semaphore_mem>>)
      %add3A_153 = arith.constant 2496 : i32
      %add3A_154 = arith.addi %add3A, %add3A_153 : i32
      %mul3A_155 = arith.constant 128 : i32
      %mul3A_156 = arith.muli %add3A_154, %mul3A_155 : i32
      %dma_start3A_157 = tpu.memref_slice %arg2[%mul3A_156] : memref<640000xi32, #tpu.memory_space<hbm>> -> memref<128xi32, #tpu.memory_space<hbm>>
      %dma_start3A_158 = tpu.memref_slice %arg2[%mul3A_156] : memref<640000xi32, #tpu.memory_space<hbm>> -> memref<128xi32, #tpu.memory_space<hbm>>
      tpu.enqueue_dma source(%dma_start3A_158 : memref<128xi32, #tpu.memory_space<hbm>>) target(%arg12 : memref<128xi32, #tpu.memory_space<vmem>>) target_semaphore(%arg28 : memref<!tpu.dma_semaphore, #tpu.memory_space<semaphore_mem>>)
      %dma_start3A_159 = tpu.memref_slice %arg3[%mul3A_156] : memref<320000xi32, #tpu.memory_space<hbm>> -> memref<128xi32, #tpu.memory_space<hbm>>
      %dma_start3A_160 = tpu.memref_slice %arg3[%mul3A_156] : memref<320000xi32, #tpu.memory_space<hbm>> -> memref<128xi32, #tpu.memory_space<hbm>>
      tpu.enqueue_dma source(%dma_start3A_160 : memref<128xi32, #tpu.memory_space<hbm>>) target(%arg15 : memref<128xi32, #tpu.memory_space<vmem>>) target_semaphore(%arg28 : memref<!tpu.dma_semaphore, #tpu.memory_space<semaphore_mem>>)
    } else {
    }
    %dma_wait3A = arith.constant 0 : i32
    %dma_wait3A_107 = arith.constant 0 : i32
    %dma_wait3A_108 = tpu.memref_slice %arg21[%dma_wait3A, %dma_wait3A_107] : memref<10000x128xf32, #tpu.memory_space<vmem_shared>> -> memref<10000x128xf32, #tpu.memory_space<vmem_shared>>
    tpu.wait_indirect_dma semaphore(%arg34 : memref<!tpu.dma_semaphore, #tpu.memory_space<semaphore_mem>>) src(%arg18 : memref<128x128xf32, #tpu.memory_space<vmem>>) dst(%dma_wait3A_108 : memref<10000x128xf32, #tpu.memory_space<vmem_shared>>)
    %dma_wait3A_109 = arith.constant 0 : i32
    %dma_wait3A_110 = arith.constant 0 : i32
    %dma_wait3A_111 = tpu.memref_slice %arg4[%dma_wait3A_109, %dma_wait3A_110] : memref<40000x128xf32, #tpu.memory_space<hbm>> -> memref<40000x128xf32, #tpu.memory_space<hbm>>
    tpu.wait_indirect_dma semaphore(%arg32 : memref<!tpu.dma_semaphore, #tpu.memory_space<semaphore_mem>>) src(%dma_wait3A_111 : memref<40000x128xf32, #tpu.memory_space<hbm>>) dst(%arg19 : memref<128x128xf32, #tpu.memory_space<vmem>>)
    %dma_start3A_112 = arith.constant 0 : i32
    %dma_start3A_113 = arith.constant 0 : i32
    %dma_start3A_114 = tpu.memref_slice %arg21[%dma_start3A_112, %dma_start3A_113] : memref<10000x128xf32, #tpu.memory_space<vmem_shared>> -> memref<10000x128xf32, #tpu.memory_space<vmem_shared>>
    tpu.enqueue_indirect_dma source(%arg19 : memref<128x128xf32, #tpu.memory_space<vmem>>) target(%dma_start3A_114 : memref<10000x128xf32, #tpu.memory_space<vmem_shared>>) offsets(%arg10 : memref<128xi32, #tpu.memory_space<vmem>>) semaphore(%arg34 : memref<!tpu.dma_semaphore, #tpu.memory_space<semaphore_mem>>) {add = true}
    %dma_wait3A_115 = arith.constant 0 : i32
    %dma_wait3A_116 = arith.constant 0 : i32
    %dma_wait3A_117 = tpu.memref_slice %arg21[%dma_wait3A_115, %dma_wait3A_116] : memref<10000x128xf32, #tpu.memory_space<vmem_shared>> -> memref<10000x128xf32, #tpu.memory_space<vmem_shared>>
    tpu.wait_indirect_dma semaphore(%arg34 : memref<!tpu.dma_semaphore, #tpu.memory_space<semaphore_mem>>) src(%arg19 : memref<128x128xf32, #tpu.memory_space<vmem>>) dst(%dma_wait3A_117 : memref<10000x128xf32, #tpu.memory_space<vmem_shared>>)
    %dma_wait3A_118 = arith.constant 0 : i32
    %dma_wait3A_119 = arith.constant 0 : i32
    %dma_wait3A_120 = tpu.memref_slice %arg4[%dma_wait3A_118, %dma_wait3A_119] : memref<40000x128xf32, #tpu.memory_space<hbm>> -> memref<40000x128xf32, #tpu.memory_space<hbm>>
    tpu.wait_indirect_dma semaphore(%arg33 : memref<!tpu.dma_semaphore, #tpu.memory_space<semaphore_mem>>) src(%dma_wait3A_120 : memref<40000x128xf32, #tpu.memory_space<hbm>>) dst(%arg20 : memref<128x128xf32, #tpu.memory_space<vmem>>)
    %dma_start3A_121 = arith.constant 0 : i32
    %dma_start3A_122 = arith.constant 0 : i32
    %dma_start3A_123 = tpu.memref_slice %arg21[%dma_start3A_121, %dma_start3A_122] : memref<10000x128xf32, #tpu.memory_space<vmem_shared>> -> memref<10000x128xf32, #tpu.memory_space<vmem_shared>>
    tpu.enqueue_indirect_dma source(%arg20 : memref<128x128xf32, #tpu.memory_space<vmem>>) target(%dma_start3A_123 : memref<10000x128xf32, #tpu.memory_space<vmem_shared>>) offsets(%arg11 : memref<128xi32, #tpu.memory_space<vmem>>) semaphore(%arg34 : memref<!tpu.dma_semaphore, #tpu.memory_space<semaphore_mem>>) {add = true}
    %dma_wait3A_124 = arith.constant 0 : i32
    %dma_wait3A_125 = arith.constant 0 : i32
    %dma_wait3A_126 = tpu.memref_slice %arg21[%dma_wait3A_124, %dma_wait3A_125] : memref<10000x128xf32, #tpu.memory_space<vmem_shared>> -> memref<10000x128xf32, #tpu.memory_space<vmem_shared>>
    tpu.wait_indirect_dma semaphore(%arg34 : memref<!tpu.dma_semaphore, #tpu.memory_space<semaphore_mem>>) src(%arg20 : memref<128x128xf32, #tpu.memory_space<vmem>>) dst(%dma_wait3A_126 : memref<10000x128xf32, #tpu.memory_space<vmem_shared>>)
    %lt3A_127 = arith.constant 4 : i32
    %lt3A_128 = arith.cmpi slt, %add3A, %lt3A_127 : i32
    %convert_element_type3A_129 = arith.extui %lt3A_128 : i1 to i32
    %cond3A_130 = arith.constant 0 : i32
    %cond3A_131 = arith.cmpi ne, %convert_element_type3A_129, %cond3A_130 : i32
    scf.if %cond3A_131 {
      %dma_wait3A_145 = arith.constant 0 : i32
      %dma_wait3A_146 = tpu.memref_slice %arg2[%dma_wait3A_145] : memref<640000xi32, #tpu.memory_space<hbm>> -> memref<128xi32, #tpu.memory_space<hbm>>
      %dma_wait3A_147 = arith.constant 0 : i32
      %dma_wait3A_148 = tpu.memref_slice %arg2[%dma_wait3A_147] : memref<640000xi32, #tpu.memory_space<hbm>> -> memref<128xi32, #tpu.memory_space<hbm>>
      tpu.wait_dma2 semaphore(%arg28 : memref<!tpu.dma_semaphore, #tpu.memory_space<semaphore_mem>>) src(%dma_wait3A_148 : memref<128xi32, #tpu.memory_space<hbm>>) dst(%arg12 : memref<128xi32, #tpu.memory_space<vmem>>)
      %dma_wait3A_149 = arith.constant 0 : i32
      %dma_wait3A_150 = tpu.memref_slice %arg2[%dma_wait3A_149] : memref<640000xi32, #tpu.memory_space<hbm>> -> memref<128xi32, #tpu.memory_space<hbm>>
      %dma_wait3A_151 = arith.constant 0 : i32
      %dma_wait3A_152 = tpu.memref_slice %arg2[%dma_wait3A_151] : memref<640000xi32, #tpu.memory_space<hbm>> -> memref<128xi32, #tpu.memory_space<hbm>>
      tpu.wait_dma2 semaphore(%arg28 : memref<!tpu.dma_semaphore, #tpu.memory_space<semaphore_mem>>) src(%dma_wait3A_152 : memref<128xi32, #tpu.memory_space<hbm>>) dst(%arg15 : memref<128xi32, #tpu.memory_space<vmem>>)
      %dma_wait3A_153 = arith.constant 0 : i32
      %dma_wait3A_154 = tpu.memref_slice %arg2[%dma_wait3A_153] : memref<640000xi32, #tpu.memory_space<hbm>> -> memref<128xi32, #tpu.memory_space<hbm>>
      %dma_wait3A_155 = arith.constant 0 : i32
      %dma_wait3A_156 = tpu.memref_slice %arg2[%dma_wait3A_155] : memref<640000xi32, #tpu.memory_space<hbm>> -> memref<128xi32, #tpu.memory_space<hbm>>
      tpu.wait_dma2 semaphore(%arg22 : memref<!tpu.dma_semaphore, #tpu.memory_space<semaphore_mem>>) src(%dma_wait3A_156 : memref<128xi32, #tpu.memory_space<hbm>>) dst(%arg6 : memref<128xi32, #tpu.memory_space<vmem>>)
      %get3A = arith.constant 0 : index
      %get3A_157 = tpu.vector_load %arg15[%get3A] {strides = array<i32>} : memref<128xi32, #tpu.memory_space<vmem>>, vector<16xi32>,
      %get3A_158 = vector.shape_cast %get3A_157 : vector<16xi32> to vector<16xi32>
      %mul3A_159 = arith.constant 10000 : i32
      %mul3A_160 = vector.broadcast %mul3A_159 : i32 to vector<16xi32>
      %mul3A_161 = arith.muli %get3A_158, %mul3A_160 : vector<16xi32>
      %get3A_162 = arith.constant 0 : index
      %get3A_163 = tpu.vector_load %arg12[%get3A_162] {strides = array<i32>} : memref<128xi32, #tpu.memory_space<vmem>>, vector<16xi32>,
      %get3A_164 = vector.shape_cast %get3A_163 : vector<16xi32> to vector<16xi32>
      %add3A_165 = arith.addi %mul3A_161, %get3A_164 : vector<16xi32>
      %swap3A = arith.constant 0 : index
      %swap3A_166 = tpu.vector_load %arg15[%swap3A] {strides = array<i32>} : memref<128xi32, #tpu.memory_space<vmem>>, vector<16xi32>,
      %swap3A_167 = vector.shape_cast %swap3A_166 : vector<16xi32> to vector<16xi32>
      %swap3A_168 = vector.shape_cast %add3A_165 : vector<16xi32> to vector<16xi32>
      tpu.vector_store %arg15[%swap3A], %swap3A_168 {strides = array<i32>} : memref<128xi32, #tpu.memory_space<vmem>>, vector<16xi32>,
      %get3A_169 = arith.constant 16 : index
      %get3A_170 = tpu.vector_load %arg15[%get3A_169] {strides = array<i32>} : memref<128xi32, #tpu.memory_space<vmem>>, vector<16xi32>,
      %get3A_171 = vector.shape_cast %get3A_170 : vector<16xi32> to vector<16xi32>
      %mul3A_172 = arith.constant 10000 : i32
      %mul3A_173 = vector.broadcast %mul3A_172 : i32 to vector<16xi32>
      %mul3A_174 = arith.muli %get3A_171, %mul3A_173 : vector<16xi32>
      %get3A_175 = arith.constant 16 : index
      %get3A_176 = tpu.vector_load %arg12[%get3A_175] {strides = array<i32>} : memref<128xi32, #tpu.memory_space<vmem>>, vector<16xi32>,
      %get3A_177 = vector.shape_cast %get3A_176 : vector<16xi32> to vector<16xi32>
      %add3A_178 = arith.addi %mul3A_174, %get3A_177 : vector<16xi32>
      %swap3A_179 = arith.constant 16 : index
      %swap3A_180 = tpu.vector_load %arg15[%swap3A_179] {strides = array<i32>} : memref<128xi32, #tpu.memory_space<vmem>>, vector<16xi32>,
      %swap3A_181 = vector.shape_cast %swap3A_180 : vector<16xi32> to vector<16xi32>
      %swap3A_182 = vector.shape_cast %add3A_178 : vector<16xi32> to vector<16xi32>
      tpu.vector_store %arg15[%swap3A_179], %swap3A_182 {strides = array<i32>} : memref<128xi32, #tpu.memory_space<vmem>>, vector<16xi32>,
      %get3A_183 = arith.constant 32 : index
      %get3A_184 = tpu.vector_load %arg15[%get3A_183] {strides = array<i32>} : memref<128xi32, #tpu.memory_space<vmem>>, vector<16xi32>,
      %get3A_185 = vector.shape_cast %get3A_184 : vector<16xi32> to vector<16xi32>
      %mul3A_186 = arith.constant 10000 : i32
      %mul3A_187 = vector.broadcast %mul3A_186 : i32 to vector<16xi32>
      %mul3A_188 = arith.muli %get3A_185, %mul3A_187 : vector<16xi32>
      %get3A_189 = arith.constant 32 : index
      %get3A_190 = tpu.vector_load %arg12[%get3A_189] {strides = array<i32>} : memref<128xi32, #tpu.memory_space<vmem>>, vector<16xi32>,
      %get3A_191 = vector.shape_cast %get3A_190 : vector<16xi32> to vector<16xi32>
      %add3A_192 = arith.addi %mul3A_188, %get3A_191 : vector<16xi32>
      %swap3A_193 = arith.constant 32 : index
      %swap3A_194 = tpu.vector_load %arg15[%swap3A_193] {strides = array<i32>} : memref<128xi32, #tpu.memory_space<vmem>>, vector<16xi32>,
      %swap3A_195 = vector.shape_cast %swap3A_194 : vector<16xi32> to vector<16xi32>
      %swap3A_196 = vector.shape_cast %add3A_192 : vector<16xi32> to vector<16xi32>
      tpu.vector_store %arg15[%swap3A_193], %swap3A_196 {strides = array<i32>} : memref<128xi32, #tpu.memory_space<vmem>>, vector<16xi32>,
      %get3A_197 = arith.constant 48 : index
      %get3A_198 = tpu.vector_load %arg15[%get3A_197] {strides = array<i32>} : memref<128xi32, #tpu.memory_space<vmem>>, vector<16xi32>,
      %get3A_199 = vector.shape_cast %get3A_198 : vector<16xi32> to vector<16xi32>
      %mul3A_200 = arith.constant 10000 : i32
      %mul3A_201 = vector.broadcast %mul3A_200 : i32 to vector<16xi32>
      %mul3A_202 = arith.muli %get3A_199, %mul3A_201 : vector<16xi32>
      %get3A_203 = arith.constant 48 : index
      %get3A_204 = tpu.vector_load %arg12[%get3A_203] {strides = array<i32>} : memref<128xi32, #tpu.memory_space<vmem>>, vector<16xi32>,
      %get3A_205 = vector.shape_cast %get3A_204 : vector<16xi32> to vector<16xi32>
      %add3A_206 = arith.addi %mul3A_202, %get3A_205 : vector<16xi32>
      %swap3A_207 = arith.constant 48 : index
      %swap3A_208 = tpu.vector_load %arg15[%swap3A_207] {strides = array<i32>} : memref<128xi32, #tpu.memory_space<vmem>>, vector<16xi32>,
      %swap3A_209 = vector.shape_cast %swap3A_208 : vector<16xi32> to vector<16xi32>
      %swap3A_210 = vector.shape_cast %add3A_206 : vector<16xi32> to vector<16xi32>
      tpu.vector_store %arg15[%swap3A_207], %swap3A_210 {strides = array<i32>} : memref<128xi32, #tpu.memory_space<vmem>>, vector<16xi32>,
      %get3A_211 = arith.constant 64 : index
      %get3A_212 = tpu.vector_load %arg15[%get3A_211] {strides = array<i32>} : memref<128xi32, #tpu.memory_space<vmem>>, vector<16xi32>,
      %get3A_213 = vector.shape_cast %get3A_212 : vector<16xi32> to vector<16xi32>
      %mul3A_214 = arith.constant 10000 : i32
      %mul3A_215 = vector.broadcast %mul3A_214 : i32 to vector<16xi32>
      %mul3A_216 = arith.muli %get3A_213, %mul3A_215 : vector<16xi32>
      %get3A_217 = arith.constant 64 : index
      %get3A_218 = tpu.vector_load %arg12[%get3A_217] {strides = array<i32>} : memref<128xi32, #tpu.memory_space<vmem>>, vector<16xi32>,
      %get3A_219 = vector.shape_cast %get3A_218 : vector<16xi32> to vector<16xi32>
      %add3A_220 = arith.addi %mul3A_216, %get3A_219 : vector<16xi32>
      %swap3A_221 = arith.constant 64 : index
      %swap3A_222 = tpu.vector_load %arg15[%swap3A_221] {strides = array<i32>} : memref<128xi32, #tpu.memory_space<vmem>>, vector<16xi32>,
      %swap3A_223 = vector.shape_cast %swap3A_222 : vector<16xi32> to vector<16xi32>
      %swap3A_224 = vector.shape_cast %add3A_220 : vector<16xi32> to vector<16xi32>
      tpu.vector_store %arg15[%swap3A_221], %swap3A_224 {strides = array<i32>} : memref<128xi32, #tpu.memory_space<vmem>>, vector<16xi32>,
      %get3A_225 = arith.constant 80 : index
      %get3A_226 = tpu.vector_load %arg15[%get3A_225] {strides = array<i32>} : memref<128xi32, #tpu.memory_space<vmem>>, vector<16xi32>,
      %get3A_227 = vector.shape_cast %get3A_226 : vector<16xi32> to vector<16xi32>
      %mul3A_228 = arith.constant 10000 : i32
      %mul3A_229 = vector.broadcast %mul3A_228 : i32 to vector<16xi32>
      %mul3A_230 = arith.muli %get3A_227, %mul3A_229 : vector<16xi32>
      %get3A_231 = arith.constant 80 : index
      %get3A_232 = tpu.vector_load %arg12[%get3A_231] {strides = array<i32>} : memref<128xi32, #tpu.memory_space<vmem>>, vector<16xi32>,
      %get3A_233 = vector.shape_cast %get3A_232 : vector<16xi32> to vector<16xi32>
      %add3A_234 = arith.addi %mul3A_230, %get3A_233 : vector<16xi32>
      %swap3A_235 = arith.constant 80 : index
      %swap3A_236 = tpu.vector_load %arg15[%swap3A_235] {strides = array<i32>} : memref<128xi32, #tpu.memory_space<vmem>>, vector<16xi32>,
      %swap3A_237 = vector.shape_cast %swap3A_236 : vector<16xi32> to vector<16xi32>
      %swap3A_238 = vector.shape_cast %add3A_234 : vector<16xi32> to vector<16xi32>
      tpu.vector_store %arg15[%swap3A_235], %swap3A_238 {strides = array<i32>} : memref<128xi32, #tpu.memory_space<vmem>>, vector<16xi32>,
      %get3A_239 = arith.constant 96 : index
      %get3A_240 = tpu.vector_load %arg15[%get3A_239] {strides = array<i32>} : memref<128xi32, #tpu.memory_space<vmem>>, vector<16xi32>,
      %get3A_241 = vector.shape_cast %get3A_240 : vector<16xi32> to vector<16xi32>
      %mul3A_242 = arith.constant 10000 : i32
      %mul3A_243 = vector.broadcast %mul3A_242 : i32 to vector<16xi32>
      %mul3A_244 = arith.muli %get3A_241, %mul3A_243 : vector<16xi32>
      %get3A_245 = arith.constant 96 : index
      %get3A_246 = tpu.vector_load %arg12[%get3A_245] {strides = array<i32>} : memref<128xi32, #tpu.memory_space<vmem>>, vector<16xi32>,
      %get3A_247 = vector.shape_cast %get3A_246 : vector<16xi32> to vector<16xi32>
      %add3A_248 = arith.addi %mul3A_244, %get3A_247 : vector<16xi32>
      %swap3A_249 = arith.constant 96 : index
      %swap3A_250 = tpu.vector_load %arg15[%swap3A_249] {strides = array<i32>} : memref<128xi32, #tpu.memory_space<vmem>>, vector<16xi32>,
      %swap3A_251 = vector.shape_cast %swap3A_250 : vector<16xi32> to vector<16xi32>
      %swap3A_252 = vector.shape_cast %add3A_248 : vector<16xi32> to vector<16xi32>
      tpu.vector_store %arg15[%swap3A_249], %swap3A_252 {strides = array<i32>} : memref<128xi32, #tpu.memory_space<vmem>>, vector<16xi32>,
      %get3A_253 = arith.constant 112 : index
      %get3A_254 = tpu.vector_load %arg15[%get3A_253] {strides = array<i32>} : memref<128xi32, #tpu.memory_space<vmem>>, vector<16xi32>,
      %get3A_255 = vector.shape_cast %get3A_254 : vector<16xi32> to vector<16xi32>
      %mul3A_256 = arith.constant 10000 : i32
      %mul3A_257 = vector.broadcast %mul3A_256 : i32 to vector<16xi32>
      %mul3A_258 = arith.muli %get3A_255, %mul3A_257 : vector<16xi32>
      %get3A_259 = arith.constant 112 : index
      %get3A_260 = tpu.vector_load %arg12[%get3A_259] {strides = array<i32>} : memref<128xi32, #tpu.memory_space<vmem>>, vector<16xi32>,
      %get3A_261 = vector.shape_cast %get3A_260 : vector<16xi32> to vector<16xi32>
      %add3A_262 = arith.addi %mul3A_258, %get3A_261 : vector<16xi32>
      %swap3A_263 = arith.constant 112 : index
      %swap3A_264 = tpu.vector_load %arg15[%swap3A_263] {strides = array<i32>} : memref<128xi32, #tpu.memory_space<vmem>>, vector<16xi32>,
      %swap3A_265 = vector.shape_cast %swap3A_264 : vector<16xi32> to vector<16xi32>
      %swap3A_266 = vector.shape_cast %add3A_262 : vector<16xi32> to vector<16xi32>
      tpu.vector_store %arg15[%swap3A_263], %swap3A_266 {strides = array<i32>} : memref<128xi32, #tpu.memory_space<vmem>>, vector<16xi32>,
      %dma_start3A_267 = arith.constant 0 : i32
      %dma_start3A_268 = arith.constant 0 : i32
      %dma_start3A_269 = tpu.memref_slice %arg4[%dma_start3A_267, %dma_start3A_268] : memref<40000x128xf32, #tpu.memory_space<hbm>> -> memref<40000x128xf32, #tpu.memory_space<hbm>>
      tpu.enqueue_indirect_dma source(%dma_start3A_269 : memref<40000x128xf32, #tpu.memory_space<hbm>>) target(%arg18 : memref<128x128xf32, #tpu.memory_space<vmem>>) offsets(%arg15 : memref<128xi32, #tpu.memory_space<vmem>>) semaphore(%arg31 : memref<!tpu.dma_semaphore, #tpu.memory_space<semaphore_mem>>)
      %dma_wait3A_270 = arith.constant 0 : i32
      %dma_wait3A_271 = arith.constant 0 : i32
      %dma_wait3A_272 = tpu.memref_slice %arg4[%dma_wait3A_270, %dma_wait3A_271] : memref<40000x128xf32, #tpu.memory_space<hbm>> -> memref<40000x128xf32, #tpu.memory_space<hbm>>
      tpu.wait_indirect_dma semaphore(%arg31 : memref<!tpu.dma_semaphore, #tpu.memory_space<semaphore_mem>>) src(%dma_wait3A_272 : memref<40000x128xf32, #tpu.memory_space<hbm>>) dst(%arg18 : memref<128x128xf32, #tpu.memory_space<vmem>>)
      %dma_start3A_273 = arith.constant 0 : i32
      %dma_start3A_274 = arith.constant 0 : i32
      %dma_start3A_275 = tpu.memref_slice %arg21[%dma_start3A_273, %dma_start3A_274] : memref<10000x128xf32, #tpu.memory_space<vmem_shared>> -> memref<10000x128xf32, #tpu.memory_space<vmem_shared>>
      tpu.enqueue_indirect_dma source(%arg18 : memref<128x128xf32, #tpu.memory_space<vmem>>) target(%dma_start3A_275 : memref<10000x128xf32, #tpu.memory_space<vmem_shared>>) offsets(%arg6 : memref<128xi32, #tpu.memory_space<vmem>>) semaphore(%arg34 : memref<!tpu.dma_semaphore, #tpu.memory_space<semaphore_mem>>) {add = true}
      %dma_wait3A_276 = arith.constant 0 : i32
      %dma_wait3A_277 = arith.constant 0 : i32
      %dma_wait3A_278 = tpu.memref_slice %arg21[%dma_wait3A_276, %dma_wait3A_277] : memref<10000x128xf32, #tpu.memory_space<vmem_shared>> -> memref<10000x128xf32, #tpu.memory_space<vmem_shared>>
      tpu.wait_indirect_dma semaphore(%arg34 : memref<!tpu.dma_semaphore, #tpu.memory_space<semaphore_mem>>) src(%arg18 : memref<128x128xf32, #tpu.memory_space<vmem>>) dst(%dma_wait3A_278 : memref<10000x128xf32, #tpu.memory_space<vmem_shared>>)
    } else {
    }
    %barrier3A_132 = arith.constant 0 : index
    tpu.barrier barrier_id(%barrier3A_132)
    %mul3A_133 = arith.constant 624 : i32
    %mul3A_134 = arith.muli %arg1, %mul3A_133 : i32
    %mul3A_135 = arith.constant 10000 : i32
    %mul3A_136 = arith.muli %arg0, %mul3A_135 : i32
    %mul3A_137 = arith.constant 624 : i32
    %mul3A_138 = arith.muli %arg1, %mul3A_137 : i32
    %add3A_139 = arith.addi %mul3A_136, %mul3A_138 : i32
    "tpu.region"() ({
      %run_scoped3A = tpu.sem_alloc : memref<!tpu.dma_semaphore, #tpu.memory_space<semaphore_mem>>
      %dma_start3A_145 = arith.constant 0 : i32
      %dma_start3A_146 = tpu.memref_slice %arg5[%add3A_139, %dma_start3A_145] : memref<20000x128xf32, #tpu.memory_space<hbm>> -> memref<624x128xf32, #tpu.memory_space<hbm>>
      %dma_start3A_147 = arith.constant 0 : i32
      %dma_start3A_148 = tpu.memref_slice %arg21[%mul3A_134, %dma_start3A_147] : memref<10000x128xf32, #tpu.memory_space<vmem_shared>> -> memref<624x128xf32, #tpu.memory_space<vmem_shared>>
      tpu.enqueue_dma source(%dma_start3A_148 : memref<624x128xf32, #tpu.memory_space<vmem_shared>>) target(%dma_start3A_146 : memref<624x128xf32, #tpu.memory_space<hbm>>) target_semaphore(%run_scoped3A : memref<!tpu.dma_semaphore, #tpu.memory_space<semaphore_mem>>)
      %dma_wait3A_149 = arith.constant 0 : i32
      %dma_wait3A_150 = tpu.memref_slice %arg5[%add3A_139, %dma_wait3A_149] : memref<20000x128xf32, #tpu.memory_space<hbm>> -> memref<624x128xf32, #tpu.memory_space<hbm>>
      %dma_wait3A_151 = arith.constant 0 : i32
      %dma_wait3A_152 = tpu.memref_slice %arg21[%mul3A_134, %dma_wait3A_151] : memref<10000x128xf32, #tpu.memory_space<vmem_shared>> -> memref<624x128xf32, #tpu.memory_space<vmem_shared>>
      tpu.wait_dma2 semaphore(%run_scoped3A : memref<!tpu.dma_semaphore, #tpu.memory_space<semaphore_mem>>) src(%dma_wait3A_152 : memref<624x128xf32, #tpu.memory_space<vmem_shared>>) dst(%dma_wait3A_150 : memref<624x128xf32, #tpu.memory_space<hbm>>)
      tpu.yield
    }) : () -> ()
    %eq3A_140 = arith.constant 15 : i32
    %eq3A_141 = arith.cmpi eq, %arg1, %eq3A_140 : i32
    %convert_element_type3A_142 = arith.extui %eq3A_141 : i1 to i32
    %cond3A_143 = arith.constant 0 : i32
    %cond3A_144 = arith.cmpi ne, %convert_element_type3A_142, %cond3A_143 : i32
    scf.if %cond3A_144 {
      %mul3A_145 = arith.constant 10000 : i32
      %mul3A_146 = arith.muli %arg0, %mul3A_145 : i32
      %add3A_147 = arith.constant 9984 : i32
      %add3A_148 = arith.addi %mul3A_146, %add3A_147 : i32
      "tpu.region"() ({
        %run_scoped3A = tpu.sem_alloc : memref<!tpu.dma_semaphore, #tpu.memory_space<semaphore_mem>>
        %dma_start3A_149 = arith.constant 0 : i32
        %dma_start3A_150 = tpu.memref_slice %arg5[%add3A_148, %dma_start3A_149] : memref<20000x128xf32, #tpu.memory_space<hbm>> -> memref<16x128xf32, #tpu.memory_space<hbm>>
        %dma_start3A_151 = arith.constant 9984 : i32
        %dma_start3A_152 = arith.constant 0 : i32
        %dma_start3A_153 = tpu.memref_slice %arg21[%dma_start3A_151, %dma_start3A_152] : memref<10000x128xf32, #tpu.memory_space<vmem_shared>> -> memref<16x128xf32, #tpu.memory_space<vmem_shared>>
        tpu.enqueue_dma source(%dma_start3A_153 : memref<16x128xf32, #tpu.memory_space<vmem_shared>>) target(%dma_start3A_150 : memref<16x128xf32, #tpu.memory_space<hbm>>) target_semaphore(%run_scoped3A : memref<!tpu.dma_semaphore, #tpu.memory_space<semaphore_mem>>)
        %dma_wait3A_154 = arith.constant 0 : i32
        %dma_wait3A_155 = tpu.memref_slice %arg5[%add3A_148, %dma_wait3A_154] : memref<20000x128xf32, #tpu.memory_space<hbm>> -> memref<16x128xf32, #tpu.memory_space<hbm>>
        %dma_wait3A_156 = arith.constant 9984 : i32
        %dma_wait3A_157 = arith.constant 0 : i32
        %dma_wait3A_158 = tpu.memref_slice %arg21[%dma_wait3A_156, %dma_wait3A_157] : memref<10000x128xf32, #tpu.memory_space<vmem_shared>> -> memref<16x128xf32, #tpu.memory_space<vmem_shared>>
        tpu.wait_dma2 semaphore(%run_scoped3A : memref<!tpu.dma_semaphore, #tpu.memory_space<semaphore_mem>>) src(%dma_wait3A_158 : memref<16x128xf32, #tpu.memory_space<vmem_shared>>) dst(%dma_wait3A_155 : memref<16x128xf32, #tpu.memory_space<hbm>>)
        tpu.yield
      }) : () -> ()
    } else {
    }
    return
  }
}

module attributes {stable_mosaic.version = 14 : i64} {
  func.func @_mlp_body(%arg0: i32, %arg1: memref<1000x128xf32, #tpu.memory_space<vmem>>, %arg2: memref<1000x128xf32, #tpu.memory_space<vmem>>, %arg3: memref<1000x128xf32, #tpu.memory_space<vmem>>, %arg4: memref<128x128xf32, #tpu.memory_space<vmem>>, %arg5: memref<1x128xf32, #tpu.memory_space<vmem>>, %arg6: memref<256x256xf32, #tpu.memory_space<vmem>>, %arg7: memref<1x256xf32, #tpu.memory_space<vmem>>, %arg8: memref<128x256xf32, #tpu.memory_space<vmem>>, %arg9: memref<1x128xf32, #tpu.memory_space<vmem>>, %arg10: memref<1000x128xf32, #tpu.memory_space<vmem>>) attributes {dimension_semantics = [#tpu.dimension_semantics<arbitrary>], iteration_bounds = array<i64: 10>, scalar_prefetch = 0 : i64, scratch_operands = 0 : i64, tpu.core_type = #tpu.core_type<tc>, window_params = [{transform_indices = @transform_0, window_bounds = array<i64: 1000, 128>}, {transform_indices = @transform_1, window_bounds = array<i64: 1000, 128>}, {transform_indices = @transform_2, window_bounds = array<i64: 1000, 128>}, {pipeline_mode = #tpu.pipeline_mode<synchronous>, transform_indices = @transform_3, window_bounds = array<i64: 128, 128>}, {pipeline_mode = #tpu.pipeline_mode<synchronous>, transform_indices = @transform_4, window_bounds = array<i64: 1, 128>}, {pipeline_mode = #tpu.pipeline_mode<synchronous>, transform_indices = @transform_5, window_bounds = array<i64: 256, 256>}, {pipeline_mode = #tpu.pipeline_mode<synchronous>, transform_indices = @transform_6, window_bounds = array<i64: 1, 256>}, {pipeline_mode = #tpu.pipeline_mode<synchronous>, transform_indices = @transform_7, window_bounds = array<i64: 128, 256>}, {pipeline_mode = #tpu.pipeline_mode<synchronous>, transform_indices = @transform_8, window_bounds = array<i64: 1, 128>}, {transform_indices = @transform_9, window_bounds = array<i64: 1000, 128>}]} {
    %get3A = arith.constant 0 : index
    %get3A_0 = arith.constant 0 : index
    %get3A_1 = vector.load %arg1[%get3A, %get3A_0] : memref<1000x128xf32, #tpu.memory_space<vmem>>, vector<1000x128xf32>
    %get3A_2 = arith.constant 0 : index
    %get3A_3 = arith.constant 0 : index
    %get3A_4 = vector.load %arg2[%get3A_2, %get3A_3] : memref<1000x128xf32, #tpu.memory_space<vmem>>, vector<1000x128xf32>
    %get3A_5 = arith.constant 0 : index
    %get3A_6 = arith.constant 0 : index
    %get3A_7 = vector.load %arg3[%get3A_5, %get3A_6] : memref<1000x128xf32, #tpu.memory_space<vmem>>, vector<1000x128xf32>
    %add3A = arith.addf %get3A_4, %get3A_7 : vector<1000x128xf32>
    %get3A_8 = arith.constant 0 : index
    %get3A_9 = arith.constant 0 : index
    %get3A_10 = vector.load %arg5[%get3A_8, %get3A_9] : memref<1x128xf32, #tpu.memory_space<vmem>>, vector<1x128xf32>
    %add3A_11 = vector.broadcast %get3A_10 : vector<1x128xf32> to vector<1000x128xf32>
    %add3A_12 = arith.addf %add3A, %add3A_11 : vector<1000x128xf32>
    %get3A_13 = arith.constant 0 : index
    %get3A_14 = arith.constant 0 : index
    %get3A_15 = vector.load %arg4[%get3A_13, %get3A_14] : memref<128x128xf32, #tpu.memory_space<vmem>>, vector<128x128xf32>
    %dot_general3A = arith.constant dense<0.000000e+00> : vector<1000x128xf32>
    %dot_general3A_16 = tpu.matmul %get3A_1, %get3A_15, %dot_general3A {dimension_numbers = #tpu.dot_dimension_numbers<[1], [0], [0], [1], [0, 0, 1, 1], [], []>, transpose_lhs_hint = false} : vector<1000x128xf32>, vector<128x128xf32>, vector<1000x128xf32> -> vector<1000x128xf32>
    %add3A_17 = arith.addf %add3A_12, %dot_general3A_16 : vector<1000x128xf32>
    %get3A_18 = arith.constant 0 : index
    %get3A_19 = arith.constant 0 : index
    %get3A_20 = vector.load %arg6[%get3A_18, %get3A_19] : memref<256x256xf32, #tpu.memory_space<vmem>>, vector<256x128xf32>
    %dot_general3A_21 = arith.constant dense<0.000000e+00> : vector<1000x256xf32>
    %dot_general3A_22 = tpu.matmul %get3A_1, %get3A_20, %dot_general3A_21 {dimension_numbers = #tpu.dot_dimension_numbers<[1], [1], [0], [0], [0, 0, 1, 0], [], []>, transpose_lhs_hint = false} : vector<1000x128xf32>, vector<256x128xf32>, vector<1000x256xf32> -> vector<1000x256xf32>
    %get3A_23 = arith.constant 0 : index
    %get3A_24 = arith.constant 128 : index
    %get3A_25 = vector.load %arg6[%get3A_23, %get3A_24] : memref<256x256xf32, #tpu.memory_space<vmem>>, vector<256x128xf32>
    %dot_general3A_26 = arith.constant dense<0.000000e+00> : vector<1000x256xf32>
    %dot_general3A_27 = tpu.matmul %add3A_17, %get3A_25, %dot_general3A_26 {dimension_numbers = #tpu.dot_dimension_numbers<[1], [1], [0], [0], [0, 0, 1, 0], [], []>, transpose_lhs_hint = false} : vector<1000x128xf32>, vector<256x128xf32>, vector<1000x256xf32> -> vector<1000x256xf32>
    %add3A_28 = arith.addf %dot_general3A_22, %dot_general3A_27 : vector<1000x256xf32>
    %get3A_29 = arith.constant 0 : index
    %get3A_30 = arith.constant 0 : index
    %get3A_31 = vector.load %arg7[%get3A_29, %get3A_30] : memref<1x256xf32, #tpu.memory_space<vmem>>, vector<1x256xf32>
    %add3A_32 = vector.broadcast %get3A_31 : vector<1x256xf32> to vector<1000x256xf32>
    %add3A_33 = arith.addf %add3A_28, %add3A_32 : vector<1000x256xf32>
    %max3A = arith.constant 0.000000e+00 : f32
    %max3A_34 = vector.broadcast %max3A : f32 to vector<1000x256xf32>
    %max3A_35 = arith.maximumf %add3A_33, %max3A_34 : vector<1000x256xf32>
    %get3A_36 = arith.constant 0 : index
    %get3A_37 = arith.constant 0 : index
    %get3A_38 = vector.load %arg8[%get3A_36, %get3A_37] : memref<128x256xf32, #tpu.memory_space<vmem>>, vector<128x256xf32>
    %dot_general3A_39 = arith.constant dense<0.000000e+00> : vector<1000x128xf32>
    %dot_general3A_40 = tpu.matmul %max3A_35, %get3A_38, %dot_general3A_39 {dimension_numbers = #tpu.dot_dimension_numbers<[1], [1], [0], [0], [0, 0, 1, 0], [], []>, transpose_lhs_hint = false} : vector<1000x256xf32>, vector<128x256xf32>, vector<1000x128xf32> -> vector<1000x128xf32>
    %get3A_41 = arith.constant 0 : index
    %get3A_42 = arith.constant 0 : index
    %get3A_43 = vector.load %arg9[%get3A_41, %get3A_42] : memref<1x128xf32, #tpu.memory_space<vmem>>, vector<1x128xf32>
    %add3A_44 = vector.broadcast %get3A_43 : vector<1x128xf32> to vector<1000x128xf32>
    %add3A_45 = arith.addf %dot_general3A_40, %add3A_44 : vector<1000x128xf32>
    %swap3A = arith.constant 0 : index
    %swap3A_46 = arith.constant 0 : index
    %swap3A_47 = vector.load %arg10[%swap3A, %swap3A_46] : memref<1000x128xf32, #tpu.memory_space<vmem>>, vector<1000x128xf32>
    tpu.vector_store %arg10[%swap3A, %swap3A_46], %add3A_45 {strides = array<i32>} : memref<1000x128xf32, #tpu.memory_space<vmem>>, vector<1000x128xf32>,
    return
  }
  func.func @transform_0(%arg0: i32) -> (i32, i32) {
    %c0_i32 = arith.constant 0 : i32
    %c0_i32_0 = arith.constant 0 : i32
    return %arg0, %c0_i32 : i32, i32
  }
  func.func @transform_1(%arg0: i32) -> (i32, i32) {
    %c0_i32 = arith.constant 0 : i32
    %c0_i32_0 = arith.constant 0 : i32
    return %arg0, %c0_i32 : i32, i32
  }
  func.func @transform_2(%arg0: i32) -> (i32, i32) {
    %add3A = arith.constant 10 : i32
    %add3A_0 = arith.addi %add3A, %arg0 : i32
    %c0_i32 = arith.constant 0 : i32
    %c0_i32_1 = arith.constant 0 : i32
    return %add3A_0, %c0_i32 : i32, i32
  }
  func.func @transform_3(%arg0: i32) -> (i32, i32) {
    %c0_i32 = arith.constant 0 : i32
    %c0_i32_0 = arith.constant 0 : i32
    %c0_i32_1 = arith.constant 0 : i32
    return %c0_i32, %c0_i32_0 : i32, i32
  }
  func.func @transform_4(%arg0: i32) -> (i32, i32) {
    %c0_i32 = arith.constant 0 : i32
    %c0_i32_0 = arith.constant 0 : i32
    %c0_i32_1 = arith.constant 0 : i32
    return %c0_i32, %c0_i32_0 : i32, i32
  }
  func.func @transform_5(%arg0: i32) -> (i32, i32) {
    %c0_i32 = arith.constant 0 : i32
    %c0_i32_0 = arith.constant 0 : i32
    %c0_i32_1 = arith.constant 0 : i32
    return %c0_i32, %c0_i32_0 : i32, i32
  }
  func.func @transform_6(%arg0: i32) -> (i32, i32) {
    %c0_i32 = arith.constant 0 : i32
    %c0_i32_0 = arith.constant 0 : i32
    %c0_i32_1 = arith.constant 0 : i32
    return %c0_i32, %c0_i32_0 : i32, i32
  }
  func.func @transform_7(%arg0: i32) -> (i32, i32) {
    %c0_i32 = arith.constant 0 : i32
    %c0_i32_0 = arith.constant 0 : i32
    %c0_i32_1 = arith.constant 0 : i32
    return %c0_i32, %c0_i32_0 : i32, i32
  }
  func.func @transform_8(%arg0: i32) -> (i32, i32) {
    %c0_i32 = arith.constant 0 : i32
    %c0_i32_0 = arith.constant 0 : i32
    %c0_i32_1 = arith.constant 0 : i32
    return %c0_i32, %c0_i32_0 : i32, i32
  }
  func.func @transform_9(%arg0: i32) -> (i32, i32) {
    %c0_i32 = arith.constant 0 : i32
    %c0_i32_0 = arith.constant 0 : i32
    return %arg0, %c0_i32 : i32, i32
  }
}

module attributes {stable_mosaic.version = 14 : i64} {
  func.func @_build_y_body(%arg0: i32, %arg1: memref<1000x128xf32, #tpu.memory_space<vmem>>, %arg2: memref<4x128x128xf32, #tpu.memory_space<vmem>>, %arg3: memref<4x1000x128xf32, #tpu.memory_space<vmem>>) attributes {dimension_semantics = [#tpu.dimension_semantics<arbitrary>], iteration_bounds = array<i64: 10>, scalar_prefetch = 0 : i64, scratch_operands = 0 : i64, tpu.core_type = #tpu.core_type<tc>, window_params = [{transform_indices = @transform_0, window_bounds = array<i64: 1000, 128>}, {pipeline_mode = #tpu.pipeline_mode<synchronous>, transform_indices = @transform_1, window_bounds = array<i64: 4, 128, 128>}, {transform_indices = @transform_2, window_bounds = array<i64: 4, 1000, 128>}]} {
    %get3A = arith.constant 0 : index
    %get3A_0 = arith.constant 0 : index
    %get3A_1 = vector.load %arg1[%get3A, %get3A_0] : memref<1000x128xf32, #tpu.memory_space<vmem>>, vector<1000x128xf32>
    %get3A_2 = arith.constant 0 : index
    %get3A_3 = arith.constant 0 : index
    %get3A_4 = arith.constant 0 : index
    %get3A_5 = vector.load %arg2[%get3A_2, %get3A_3, %get3A_4] : memref<4x128x128xf32, #tpu.memory_space<vmem>>, vector<1x128x128xf32>
    %get3A_6 = vector.shape_cast %get3A_5 : vector<1x128x128xf32> to vector<128x128xf32>
    %dot_general3A = arith.constant dense<0.000000e+00> : vector<1000x128xf32>
    %dot_general3A_7 = tpu.matmul %get3A_1, %get3A_6, %dot_general3A {dimension_numbers = #tpu.dot_dimension_numbers<[1], [0], [0], [1], [0, 0, 1, 1], [], []>, transpose_lhs_hint = false} : vector<1000x128xf32>, vector<128x128xf32>, vector<1000x128xf32> -> vector<1000x128xf32>
    %swap3A = arith.constant 0 : index
    %swap3A_8 = arith.constant 0 : index
    %swap3A_9 = arith.constant 0 : index
    %swap3A_10 = vector.load %arg3[%swap3A, %swap3A_8, %swap3A_9] : memref<4x1000x128xf32, #tpu.memory_space<vmem>>, vector<1x1000x128xf32>
    %swap3A_11 = vector.shape_cast %swap3A_10 : vector<1x1000x128xf32> to vector<1000x128xf32>
    %swap3A_12 = vector.shape_cast %dot_general3A_7 : vector<1000x128xf32> to vector<1x1000x128xf32>
    tpu.vector_store %arg3[%swap3A, %swap3A_8, %swap3A_9], %swap3A_12 {strides = array<i32>} : memref<4x1000x128xf32, #tpu.memory_space<vmem>>, vector<1x1000x128xf32>,
    %get3A_13 = arith.constant 1 : index
    %get3A_14 = arith.constant 0 : index
    %get3A_15 = arith.constant 0 : index
    %get3A_16 = vector.load %arg2[%get3A_13, %get3A_14, %get3A_15] : memref<4x128x128xf32, #tpu.memory_space<vmem>>, vector<1x128x128xf32>
    %get3A_17 = vector.shape_cast %get3A_16 : vector<1x128x128xf32> to vector<128x128xf32>
    %dot_general3A_18 = arith.constant dense<0.000000e+00> : vector<1000x128xf32>
    %dot_general3A_19 = tpu.matmul %get3A_1, %get3A_17, %dot_general3A_18 {dimension_numbers = #tpu.dot_dimension_numbers<[1], [0], [0], [1], [0, 0, 1, 1], [], []>, transpose_lhs_hint = false} : vector<1000x128xf32>, vector<128x128xf32>, vector<1000x128xf32> -> vector<1000x128xf32>
    %swap3A_20 = arith.constant 1 : index
    %swap3A_21 = arith.constant 0 : index
    %swap3A_22 = arith.constant 0 : index
    %swap3A_23 = vector.load %arg3[%swap3A_20, %swap3A_21, %swap3A_22] : memref<4x1000x128xf32, #tpu.memory_space<vmem>>, vector<1x1000x128xf32>
    %swap3A_24 = vector.shape_cast %swap3A_23 : vector<1x1000x128xf32> to vector<1000x128xf32>
    %swap3A_25 = vector.shape_cast %dot_general3A_19 : vector<1000x128xf32> to vector<1x1000x128xf32>
    tpu.vector_store %arg3[%swap3A_20, %swap3A_21, %swap3A_22], %swap3A_25 {strides = array<i32>} : memref<4x1000x128xf32, #tpu.memory_space<vmem>>, vector<1x1000x128xf32>,
    %get3A_26 = arith.constant 2 : index
    %get3A_27 = arith.constant 0 : index
    %get3A_28 = arith.constant 0 : index
    %get3A_29 = vector.load %arg2[%get3A_26, %get3A_27, %get3A_28] : memref<4x128x128xf32, #tpu.memory_space<vmem>>, vector<1x128x128xf32>
    %get3A_30 = vector.shape_cast %get3A_29 : vector<1x128x128xf32> to vector<128x128xf32>
    %dot_general3A_31 = arith.constant dense<0.000000e+00> : vector<1000x128xf32>
    %dot_general3A_32 = tpu.matmul %get3A_1, %get3A_30, %dot_general3A_31 {dimension_numbers = #tpu.dot_dimension_numbers<[1], [0], [0], [1], [0, 0, 1, 1], [], []>, transpose_lhs_hint = false} : vector<1000x128xf32>, vector<128x128xf32>, vector<1000x128xf32> -> vector<1000x128xf32>
    %swap3A_33 = arith.constant 2 : index
    %swap3A_34 = arith.constant 0 : index
    %swap3A_35 = arith.constant 0 : index
    %swap3A_36 = vector.load %arg3[%swap3A_33, %swap3A_34, %swap3A_35] : memref<4x1000x128xf32, #tpu.memory_space<vmem>>, vector<1x1000x128xf32>
    %swap3A_37 = vector.shape_cast %swap3A_36 : vector<1x1000x128xf32> to vector<1000x128xf32>
    %swap3A_38 = vector.shape_cast %dot_general3A_32 : vector<1000x128xf32> to vector<1x1000x128xf32>
    tpu.vector_store %arg3[%swap3A_33, %swap3A_34, %swap3A_35], %swap3A_38 {strides = array<i32>} : memref<4x1000x128xf32, #tpu.memory_space<vmem>>, vector<1x1000x128xf32>,
    %get3A_39 = arith.constant 3 : index
    %get3A_40 = arith.constant 0 : index
    %get3A_41 = arith.constant 0 : index
    %get3A_42 = vector.load %arg2[%get3A_39, %get3A_40, %get3A_41] : memref<4x128x128xf32, #tpu.memory_space<vmem>>, vector<1x128x128xf32>
    %get3A_43 = vector.shape_cast %get3A_42 : vector<1x128x128xf32> to vector<128x128xf32>
    %dot_general3A_44 = arith.constant dense<0.000000e+00> : vector<1000x128xf32>
    %dot_general3A_45 = tpu.matmul %get3A_1, %get3A_43, %dot_general3A_44 {dimension_numbers = #tpu.dot_dimension_numbers<[1], [0], [0], [1], [0, 0, 1, 1], [], []>, transpose_lhs_hint = false} : vector<1000x128xf32>, vector<128x128xf32>, vector<1000x128xf32> -> vector<1000x128xf32>
    %swap3A_46 = arith.constant 3 : index
    %swap3A_47 = arith.constant 0 : index
    %swap3A_48 = arith.constant 0 : index
    %swap3A_49 = vector.load %arg3[%swap3A_46, %swap3A_47, %swap3A_48] : memref<4x1000x128xf32, #tpu.memory_space<vmem>>, vector<1x1000x128xf32>
    %swap3A_50 = vector.shape_cast %swap3A_49 : vector<1x1000x128xf32> to vector<1000x128xf32>
    %swap3A_51 = vector.shape_cast %dot_general3A_45 : vector<1000x128xf32> to vector<1x1000x128xf32>
    tpu.vector_store %arg3[%swap3A_46, %swap3A_47, %swap3A_48], %swap3A_51 {strides = array<i32>} : memref<4x1000x128xf32, #tpu.memory_space<vmem>>, vector<1x1000x128xf32>,
    return
  }
  func.func @transform_0(%arg0: i32) -> (i32, i32) {
    %c0_i32 = arith.constant 0 : i32
    %c0_i32_0 = arith.constant 0 : i32
    return %arg0, %c0_i32 : i32, i32
  }
  func.func @transform_1(%arg0: i32) -> (i32, i32, i32) {
    %c0_i32 = arith.constant 0 : i32
    %c0_i32_0 = arith.constant 0 : i32
    %c0_i32_1 = arith.constant 0 : i32
    %c0_i32_2 = arith.constant 0 : i32
    return %c0_i32, %c0_i32_0, %c0_i32_1 : i32, i32, i32
  }
  func.func @transform_2(%arg0: i32) -> (i32, i32, i32) {
    %c0_i32 = arith.constant 0 : i32
    %c0_i32_0 = arith.constant 0 : i32
    %c0_i32_1 = arith.constant 0 : i32
    return %c0_i32, %arg0, %c0_i32_0 : i32, i32, i32
  }
}

</mosaic_0001>

<sc_bundles>
// kernel: kernel.5.cloned.1.call-start
scs
__scs_entry_jumppad:
0x0: {  	(pc) =	sbr.rel $0x88, $3  }
0x1: {  	(tag) =	ssettag $0x0;
	lr =	simm.s32 $0x1  }
0x2: {  	[smem:$0x3F97] =	sst lr;
	_ =	strace $0xD0000000  }
0x3: {  	_ = 	snop  }
0x4: {  	_ = 	snop  }
0x5: {  	_ = 	snop  }
0x6: {  	_ = 	snop  }
0x7: {  	_ = 	snop  }
__scs_overlays_trampoline_lowered:
0x8: {  	[smem:$0x3FA6] =	sst s0  }
0x9: {  	[smem:$0x3FA7] =	sst s1  }
0xa: {  	[smem:$0x3FA8] =	sst s2  }
0xb: {  	[smem:$0x3FA9] =	sst s3  }
0xc: {  	[smem:$0x3FAA] =	sst s4  }
0xd: {  	[smem:$0x3FAB] =	sst s5  }
0xe: {  	[smem:$0x3FAC] =	sst s6  }
0xf: {  	[smem:$0x3FAD] =	sst s7  }
0x10: {  	[smem:$0x3FAE] =	sst s8  }
0x11: {  	[smem:$0x3FAF] =	sst s9;
	s0 =	simm.s32 @!p0 $0x0  }
0x12: {  	s1 =	sld [smem:$0x3F95];
	s0 =	simm.s32 @p0 $0x1  }
0x13: {  	[smem:$0x3FB0] =	sst s0;
	s0 =	simm.s32 @!p1 $0x0  }
0x14: {  	s2 =	sld [smem:$0x3F94];
	s0 =	simm.s32 @p1 $0x1  }
0x15: {  	[smem:$0x3FB1] =	sst s0;
	s0 =	simm.s32 @!p2 $0x0  }
0x16: {  	s3 =	sld [smem:$0x3FDB];
	s0 =	simm.s32 @p2 $0x1  }
0x17: {  	s4 =	simm.s32 $0x1BF5;
	[smem:$0x3FB3] =	sst s0  }
0x18: {  	s0 =	sld [smem:$0x3F96];
	_ =	swait.ge [sflag:s4], $0x0  }
0x19: {  	s7 =	sld [smem:$0x3F97]  }
0x1a: {  	s8 =	sadd.s32 $0xFFFFE003, lr  }
0x1b: {  	s9 =	sadd.s32 $0xFFFFFEF7, lr;
	s5 =	simm.s32 $0xFFFFFFFF;
	p2 =	slt.u32 s8, $0xFFFFF086  }
0x1c: {  	p1 =	slt.u32 s9, $0xF7A;
	s5 =	simm.s32 @!p2 $0x0  }
0x1d: {  	s5 =	simm.s32 @p1 $0x1;
	p0 =	seq.s32 s7, s2  }
0x1e: {  	s7 =	smul.u32 @!p0 $0xF7A, s2;
	p2 =	seq.s32 @!p0 s5, $0x0  }
0x1f: {  	s9 =	smul.u32 $0xF7A, s1;
	s8 =	simm.s32 @!p0 $0x1BF5;
	p2 =	por !p2, p0  }
0x20: {  	[sflag:s8] =	ssyncset.s32 @!p0 $0xFFFFF086;
	s6 =	sadd.s32 @!p0 s3, s7;
	s7 =	simm.s32 @!p0 $0x108  }
0x21: {  	s3 =	sadd.s32 s3, s9;
	s6 =	sadd.s32 @!p0 $0x88, s6;
	s7 =	simm.s32 @p2 $0x1082  }
0x22: {  	[simem:s7], [sflag:s8] =	dma.local @!p0 [hbm:s6], $0xF7A  }
0x23: {  	s9 =	sor.u32 $0xD0000000, s2;
	s6 =	simm.s32 $0x108;
	_ =	swait.ge @!p0 [sflag:s8], $0x0  }
0x24: {  	s3 =	sadd.s32 $0x88, s3;
	s6 =	simm.s32 @!p1 $0x1082;
	[sflag:s4] =	ssyncset.s32 $0xFFFFF086  }
0x25: {  	[simem:s6], [sflag:s4] =	dma.local [hbm:s3], $0xF7A  }
0x26: {  	[smem:$0x3F97] =	sst s1;
	(tag) =	ssettag s2;
	_ =	strace s9  }
0x27: {  	s1 =	sld [smem:$0x3FA7]  }
0x28: {  	s2 =	sld [smem:$0x3FA8]  }
0x29: {  	s4 =	sld [smem:$0x3FAA]  }
0x2a: {  	p0 =	seq.s32 s5, $0x0;
	s5 =	sld [smem:$0x3FAB]  }
0x2b: {  	s6 =	sld [smem:$0x3FAC]  }
0x2c: {  	s7 =	sld [smem:$0x3FAD]  }
0x2d: {  	s3 =	simm.s32 $0x108;
	s8 =	sld [smem:$0x3FAE]  }
0x2e: {  	s3 =	simm.s32 @!p0 $0x1082;
	s9 =	sld [smem:$0x3FAF]  }
0x2f: {  	lr =	sadd.s32 s0, s3;
	s0 =	sld [smem:$0x3FA6]  }
0x30: {  	s3 =	sld [smem:$0x3FA9]  }
0x31: {  	[smem:$0x3FB2] =	sst s10  }
0x32: {  	s10 =	sld [smem:$0x3FB0];
	_ =	sdelay $0x3  }
0x33: {  	p0 =	seq.s32 s10, $0x1;
	s10 =	sld [smem:$0x3FB2];
	_ =	sdelay $0x3  }
0x34: {  	[smem:$0x3FB2] =	sst s10  }
0x35: {  	s10 =	sld [smem:$0x3FB1];
	_ =	sdelay $0x3  }
0x36: {  	p1 =	seq.s32 s10, $0x1;
	s10 =	sld [smem:$0x3FB2];
	_ =	sdelay $0x3  }
0x37: {  	[smem:$0x3FB2] =	sst s10  }
0x38: {  	s10 =	sld [smem:$0x3FB3]  }
0x39: {  	_ = 	snop;
	(pc) =	sbr.ind lr, $3  }
0x3a: {  	_ = 	snop  }
0x3b: {  	_ = 	snop  }
0x3c: {  	p2 =	seq.s32 s10, $0x1;
	s10 =	sld [smem:$0x3FB2]  }
0x3d: {  	_ =	shalt  }
0x3e: {  	_ =	shalt  }
0x3f: {  	_ =	shalt  }
0x40: {  	_ =	shalt  }
0x41: {  	_ =	shalt  }
0x42: {  	_ =	shalt  }
0x43: {  	_ =	shalt  }
0x44: {  	_ =	shalt  }
0x45: {  	_ =	shalt  }
0x46: {  	_ =	shalt  }
0x47: {  	_ =	shalt  }
0x48: {  	_ =	shalt  }
0x49: {  	_ =	shalt  }
0x4a: {  	_ =	shalt  }
0x4b: {  	_ =	shalt  }
0x4c: {  	_ =	shalt  }
0x4d: {  	_ =	shalt  }
0x4e: {  	_ =	shalt  }
0x4f: {  	_ =	shalt  }
0x50: {  	_ =	shalt  }
0x51: {  	_ =	shalt  }
0x52: {  	_ =	shalt  }
0x53: {  	_ =	shalt  }
0x54: {  	_ =	shalt  }
0x55: {  	_ =	shalt  }
0x56: {  	_ =	shalt  }
0x57: {  	_ =	shalt  }
0x58: {  	_ =	shalt  }
0x59: {  	_ =	shalt  }
0x5a: {  	_ =	shalt  }
0x5b: {  	_ =	shalt  }
0x5c: {  	_ =	shalt  }
0x5d: {  	_ =	shalt  }
0x5e: {  	_ =	shalt  }
0x5f: {  	_ =	shalt  }
0x60: {  	_ =	shalt  }
0x61: {  	_ =	shalt  }
0x62: {  	_ =	shalt  }
0x63: {  	_ =	shalt  }
0x64: {  	_ =	shalt  }
0x65: {  	_ =	shalt  }
0x66: {  	_ =	shalt  }
0x67: {  	_ =	shalt  }
0x68: {  	_ =	shalt  }
0x69: {  	_ =	shalt  }
0x6a: {  	_ =	shalt  }
0x6b: {  	_ =	shalt  }
0x6c: {  	_ =	shalt  }
0x6d: {  	_ =	shalt  }
0x6e: {  	_ =	shalt  }
0x6f: {  	_ =	shalt  }
0x70: {  	_ =	shalt  }
0x71: {  	_ =	shalt  }
0x72: {  	_ =	shalt  }
0x73: {  	_ =	shalt  }
0x74: {  	_ =	shalt  }
0x75: {  	_ =	shalt  }
0x76: {  	_ =	shalt  }
0x77: {  	_ =	shalt  }
0x78: {  	_ =	shalt  }
0x79: {  	_ =	shalt  }
0x7a: {  	_ =	shalt  }
0x7b: {  	_ =	shalt  }
0x7c: {  	_ =	shalt  }
0x7d: {  	_ =	shalt  }
0x7e: {  	_ =	shalt  }
0x7f: {  	_ =	shalt  }
0x80: {  	_ =	shalt  }
0x81: {  	_ =	shalt  }
0x82: {  	_ =	shalt  }
0x83: {  	_ =	shalt  }
0x84: {  	_ =	shalt  }
0x85: {  	_ =	shalt  }
0x86: {  	_ =	shalt  }
0x87: {  	_ =	shalt  }
.Lfunc_end0:
.L_simem_size_0:
called_computation_lowered:
.L_overlay_start_0:
0x88: {  	s2 =	sld [smem:$0x3FD9]  }
0x89: {  	s3 =	sld [smem:$0x3FFE];
	_ =	sdelay $0x1  }
0x8a: {  	s1 =	srdreg.scid  }
0x8b: {  	s0 =	sand.u32 $0x1, s1  }
0x8c: {  	s17 =	sshll.u32 s0, $0xA;
	s2 =	sadd.s32 s3, s2  }
0x8d: {  	s2 =	sadd.s32 s2, s17  }
0x8e: {  	[smem:$0x3FBE] =	sst s2  }
0x8f: {  	_ = 	snop  }
0x90: {  	s2 =	sld [smem:$0x3FC7]  }
0x91: {  	s18 =	sld [smem:$0x3FD0];
	(tm) =	ssettm $0x1  }
0x92: {  	s4 =	sld [smem:$0x3FFB];
	_ =	sdelay $0x3  }
0x93: {  	_ =	strace s4  }
0x94: {  	s4 =	sld [smem:$0x3FFC];
	_ =	sdelay $0x3  }
0x95: {  	_ =	strace s4  }
0x96: {  	s4 =	sld [smem:$0x3FFD];
	_ =	sdelay $0x3  }
0x97: {  	_ =	strace s4  }
0x98: {  	_ =	strace $0x8FFFFFFF  }
0x99: {  	s19 =	sld [smem:$0x3FDB];
	_ =	sdelay $0x1  }
0x9a: {  	s5 =	simm.s32 $_scs_section_size  }
0x9b: {  	s6 =	simm.s32 $_size__tile_overlayer_lowered;
	s7 =	simm.s32 $_tile_overlayer_lowered  }
0x9c: {  	s22 =	simm.s32 $0x1BFF;
	s21 =	sshll.u32 s7, $0x1;
	s4 =	sadd.s32 s5, s19  }
0x9d: {  	s8 =	simm.s32 $0x0;
	s20 =	sshll.u32 s6, $0x1;
	s6 =	sadd.s32 s21, s4  }
0x9e: {  	[timem:s8], [sflag:s22] =	dma.local [hbm:s6], s20  }
0x9f: {  	_ =	swait.ge [sflag:s22], s20  }
0xa0: {  	s5 =	ssub.s32 $0x0, s20;
	[sflag:s22] =	ssyncset.done $0x0  }
0xa1: {  	[sflag:s22] =	ssyncadd.s32 s5;
	_ =	sdelay $0x1  }
0xa2: {  	s23 =	simm.s32 $0x1B8B  }
0xa3: {  	_ =	swait.ge [sflag:s23], $0x1  }
0xa4: {  	[sflag:s23] =	ssyncset.done $0x0  }
0xa5: {  	s25 =	simm.s32 $0x1B8E;
	s24 =	sld [smem:$0x3FFE];
	[sflag:s23] =	ssyncadd.s32 $0xFFFFFFFF  }
0xa6: {  	s26 =	simm.s32 $execute0_lowered;
	[smem:$0x3FD2] =	sst s25  }
0xa7: {  	s6 =	sshll.u32 s26, $0x1;
	_ =	strace $0x80000046;
	[dreg:$0x1] =	wrdreg $0xFFFFFFFF  }
0xa8: {  	s28 =	simm.s32 $_size_execute0_lowered;
	s4 =	sadd.s32 s4, s6;
	[dreg:$0x0] =	wrdreg $0x0  }
0xa9: {  	s6 =	sshll.u32 s28, $0x1;
	[dreg:$0x2] =	wrdreg s4  }
0xaa: {  	[dreg:$0x3] =	wrdreg s6  }
0xab: {  	[dreg:$0x4] =	wrdreg $0xC0  }
0xac: {  	_ =	task [dreg:s8], $0x5FFFF  }
0xad: {  	[dreg:$0x1] =	wrdreg $0xFFFFFFFF  }
0xae: {  	[dreg:$0x0] =	wrdreg $0x60  }
0xaf: {  	[dreg:$0x2] =	wrdreg s18  }
0xb0: {  	[dreg:$0x3] =	wrdreg s2  }
0xb1: {  	[dreg:$0x4] =	wrdreg s24  }
0xb2: {  	[dreg:$0x5] =	wrdreg $0xC6000  }
0xb3: {  	[dreg:$0x6] =	wrdreg $0x9  }
0xb4: {  	_ =	task.clear_ibuf [dreg:s8], $0x7FFFF;
	_ =	strace $0x90000046  }
0xb5: {  	s29 =	simm.s32 $0x9;
	_ =	strace $0x80000048  }
0xb6: {  	_ =	swait.ge [sflag:s29], $0x1  }
0xb7: {  	[sflag:s29] =	ssyncadd.s32 $0xFFFFFFFF  }
0xb8: {  	_ =	strace $0x90000048  }
0xb9: {  	_ =	sfence  }
0xba: {  	s30 =	sld [smem:$0x0];
	_ =	sdelay $0x2  }
0xbb: {  	s31 =	sshll.u32 s1, $0xD;
	s1 =	sshrl.u32 s1, $0x2  }
0xbc: {  	s3 =	sand.u32 $0x4000, s31;
	s1 =	sadd.s32 s1, s30  }
0xbd: {  	s0 =	sor.u32 s3, s0;
	s1 =	sshll.u32 s1, $0x11  }
0xbe: {  	s0 =	sor.u32 s1, s0  }
0xbf: {  	s0 =	sadd.s32 $0x8F2B, s0  }
0xc0: {  	[sflag:s0] =	ssyncadd.remote.s32 $0x1  }
0xc1: {  	_ =	sfence.sel $0xFFFF  }
0xc2: {  	[dreg:$0x0] =	wrdreg $0xFFFFFFFF;
	(pc) =	sbr.abs _section_cstart, $3  }
0xc3: {  	[dreg:$0x1] =	wrdreg $0xFFFFFFFF  }
0xc4: {  	_ =	task.clear_ibuf [dreg:s8], $0x2FFFF;
	_ =	strace $0x9FFFFFFF  }
0xc5: {  	(tm) =	ssettm $0x7FFFFFFF  }
tec
execute0_lowered:
.L_overlay_start_1:
0x0: {  	(tag) =	ssettag $0x1  }
0x1: {  	s12 =	rddreg [dreg:$0x0]  }
0x2: {  	s13 =	rddreg [dreg:$0x1]  }
0x3: {  	s0 =	rddreg [dreg:$0x2]  }
0x4: {  	s3 =	rddreg [dreg:$0x3];
	s5 =	simm.s32 $0x0  }
0x5: {  	s1 =	srdreg.scid;
	s14 =	stileid.u32;
	s28 =	simm.s32 $0x280  }
0x6: {  	s29 =	simm.s32 $0x500;
	s30 =	simm.s32 $0xE;
	s31 =	simm.s32 $0xD  }
0x7: {  	[smem:$0x7FF] =	sst s5;
	s1 =	sand.u32 $0x1, s1;
	s4 =	sshll.u32 s14, $0x5  }
0x8: {  	s6 =	sadd.s32 $0x1600, s0;
	s0 =	sadd.s32 $0x9DA00, s0;
	s20 =	smul.u32 $0x4E000, s14  }
0x9: {  	s21 =	smul.u32 $0x2700, s14;
	s25 =	sshll.u32 s14, $0x8;
	p0 =	sne.s32 s14, $0xF  }
0xa: {  	p1 =	sgt.u32 s14, $0x1;
	_ =	strace $0x80000047;
	s22 =	smul.u32 $0x27100, s1  }
0xb: {  	s2 =	ssub.s32 $0x2, s1;
	s7 =	sshll.u32 s1, $0x4;
	s24 =	smul.u32 $0x138800, s1  }
0xc: {  	s1 =	sshll.u32 s1, $0x7;
	s8 =	sshrl.u32 s2, $0x1;
	s9 =	sor.u32 s7, s4  }
0xd: {  	s1 =	sor.u32 s1, s25;
	s2 =	ssub.s32 s2, s8;
	s17 =	sor.u32 $0x200, s9  }
0xe: {  	s15 =	sadd.s32 s12, s9;
	s10 =	sadd.s32 s13, s9;
	s19 =	sor.u32 $0x400, s9  }
0xf: {  	s9 =	sor.u32 $0x9C00, s9;
	[dreg:$0x6] =	wrdreg s10;
	s18 =	sadd.s32 s12, s17  }
0x10: {  	s8 =	sadd.s32 s13, s17;
	s11 =	sadd.s32 s12, s19;
	[dreg:$0x5] =	wrdreg s15  }
0x11: {  	s10 =	sshrl.u32 s20, $0x2;
	s23 =	sadd.s32 s12, s9;
	[dreg:$0x7] =	wrdreg s18  }
0x12: {  	s9 =	sadd.s32 s13, s9;
	s2 =	smax.u32 s2, $0x1;
	[dreg:$0x8] =	wrdreg s8  }
0x13: {  	s17 =	sadd.s32 s4, s13;
	s20 =	sor.u32 $0x4000, s1;
	[dreg:$0x9] =	wrdreg s11  }
0x14: {  	s14 =	sadd.s32 $0xA040, s15;
	s8 =	sadd.s32 s13, s19;
	[dreg:$0xc] =	wrdreg s23  }
0x15: {  	s26 =	sadd.s32 s10, s3;
	[dreg:$0xd] =	wrdreg s9;
	s10 =	sshrl.u32 s24, $0x3  }
0x16: {  	s9 =	sor.u32 $0x2000, s1;
	[dreg:$0x10] =	wrdreg s2;
	s18 =	sor.u32 $0x5000, s1  }
0x17: {  	s24 =	sor.u32 $0x3000, s1;
	[dreg:$0x1f] =	wrdreg s14;
	s14 =	simm.s32 $0x480  }
0x18: {  	[dreg:$0xa] =	wrdreg s8;
	s8 =	sadd.s32 s21, s22;
	s2 =	sshrl.u32 s18, $0x3  }
0x19: {  	s21 =	sshrl.u32 s20, $0x3;
	s25 =	sshrl.u32 s24, $0x3;
	s18 =	sadd.s32 $0xA640, s15  }
0x1a: {  	s20 =	sadd.s32 $0x4000, s26;
	s24 =	sadd.s32 $0x138000, s3;
	[dreg:$0xb] =	wrdreg s26  }
0x1b: {  	s8 =	sadd.s32 s0, s8;
	s0 =	sadd.s32 s0, s10;
	[smem:$0x7F7] =	sst s18  }
0x1c: {  	s10 =	sadd.s32 s4, s12;
	s22 =	sadd.s32 s2, s13;
	[smem:$0x7F8] =	sst s20  }
0x1d: {  	s2 =	sadd.s32 s2, s12;
	s23 =	sadd.s32 s21, s13;
	[smem:$0x7FC] =	sst s24  }
0x1e: {  	s20 =	simm.s32 $0x580;
	s4 =	simm.s32 $0x600;
	[dreg:$0xe] =	wrdreg s8  }
0x1f: {  	s18 =	simm.s32 $0x1;
	s24 =	simm.s32 $0xC;
	[dreg:$0x14] =	wrdreg s22  }
0x20: {  	s0 =	sadd.s32 $0x27000, s0;
	s8 =	sshrl.u32 s9, $0x3;
	[dreg:$0x15] =	wrdreg s2  }
0x21: {  	s19 =	sadd.s32 s7, s10;
	[dreg:$0x16] =	wrdreg s23;
	s9 =	sadd.s32 s25, s13  }
0x22: {  	s22 =	sadd.s32 $0xC000, s26;
	s23 =	sadd.s32 $0x10000, s26;
	[dreg:$0xf] =	wrdreg s0  }
0x23: {  	s11 =	sadd.s32 s8, s13;
	s16 =	sadd.s32 s8, s12;
	[dreg:$0x19] =	wrdreg s9  }
0x24: {  	s0 =	sadd.s32 s7, s17;
	s7 =	sshrl.u32 s1, $0x3;
	[smem:$0x7FA] =	sst s22  }
0x25: {  	s8 =	sadd.s32 $0x56200, s1;
	s1 =	sadd.s32 $0x55200, s1;
	[smem:$0x7FB] =	sst s23  }
0x26: {  	s13 =	sadd.s32 $0x9E40, s15;
	s17 =	sadd.s32 $0xA440, s15;
	[dreg:$0x11] =	wrdreg s11  }
0x27: {  	s22 =	simm.s32 $0x8600;
	s23 =	simm.s32 $0x5;
	[dreg:$0x12] =	wrdreg s16  }
0x28: {  	s0 =	sadd.s32 $0xC00, s0;
	[dreg:$0x18] =	wrdreg s7;
	s10 =	sshrl.u32 s8, $0x3  }
0x29: {  	s1 =	sshrl.u32 s1, $0x3;
	[dreg:$0x1e] =	wrdreg s13;
	s16 =	sadd.s32 $0xA240, s15  }
0x2a: {  	[smem:$0x7F6] =	sst s17;
	s8 =	simm.s32 $0x80;
	s17 =	simm.s32 $0x200  }
0x2b: {  	s13 =	simm.s32 $0x7;
	s7 =	simm.s32 $0x8;
	[dreg:$0x13] =	wrdreg s0  }
0x2c: {  	s0 =	sadd.s32 s21, s12;
	s11 =	sadd.s32 s1, s12;
	[smem:$0x7F5] =	sst s16  }
0x2d: {  	s21 =	sadd.s32 $0x8000, s26;
	s1 =	simm.s32 $0x4600;
	[dreg:$0x17] =	wrdreg s0  }
0x2e: {  	s16 =	simm.s32 $0xA;
	s0 =	sadd.s32 s25, s12;
	[dreg:$0x1c] =	wrdreg s11  }
.Ltmp0:
0x2f: {  	[smem:$0x7F9] =	sst s21;
	s25 =	sadd.s32 $0x13840, s15;
	(pc) =	sbr.rel .LBB2_1-.Ltmp0, $4  }
0x30: {  	s21 =	simm.s32 $0xB;
	s11 =	simm.s32 $0x0;
	[dreg:$0x1a] =	wrdreg s0  }
0x31: {  	s0 =	sadd.s32 s10, s12;
	s12 =	sadd.s32 $0x9C40, s15;
	[smem:$0x7FD] =	sst s25  }
0x32: {  	s15 =	simm.s32 $0x100;
	s10 =	simm.s32 $0x9;
	[dreg:$0x1b] =	wrdreg s0  }
0x33: {  	v0 =	vimm.f32 $0.0e+00;
	s25 =	simm.s32 $0x6;
	[dreg:$0x1d] =	wrdreg s12;
	s12 =	simm.s32 $0x300  }
.LBB2_6:
0x34: {  	_ =	swait.ge [sflag:s16], $0x4000  }
0x35: {  	[sflag:s16] =	ssyncset.done $0x0  }
0x36: {  	s0 =	simm.s32 $0x180;
	[sflag:s16] =	ssyncadd.s32 $0xFFFFC000  }
0x37: {  	[spmem:s3] =	stream.indirect.scatter.add.f32 [tilespmem:s4], [sflag:$0xD], $0x80, s0, s8, $0xb8;
	[tilespmem:$0x1FE80] =	vst v63  }
0x38: {  	s2 =	sld [smem:$0x7FD]  }
0x39: {  	[tilespmem:s22], [sflag:$0xC] =	stream.indirect.gather [hbm4b:s6+s8], $0x80, s20, s8, $0xb8;
	[tilespmem:$0x1FE80] =	vst v63  }
0x3a: {  	s0 =	simm.s32 @!p1 $0x0  }
0x3b: {  	[tilespmem:s0], [sflag:$0x1] =	stream.linear.gather @!p1 [hbm4b:s2+s0], $0x80, $0x38;
	[tilespmem:$0x1FE80] =	vst v63  }
0x3c: {  	s9 =	rddreg [dreg:$0xc];
	s2 =	simm.s32 @!p1 $0x300  }
0x3d: {  	[tilespmem:s2], [sflag:$0x7] =	stream.linear.gather @!p1 [hbm4b:s9+s0], $0x80, $0x38;
	[tilespmem:$0x1FE80] =	vst v63  }
0x3e: {  	s2 =	simm.s32 @!p1 $0x480;
	s9 =	rddreg [dreg:$0xd]  }
0x3f: {  	[tilespmem:s2], [sflag:$0x7] =	stream.linear.gather @!p1 [hbm4b:s9+s0], $0x80, $0x38;
	[tilespmem:$0x1FE80] =	vst v63  }
0x40: {  	_ =	swait.ge [sflag:s31], $0x4000  }
0x41: {  	[sflag:s31] =	ssyncset.done $0x0  }
0x42: {  	[sflag:s31] =	ssyncadd.s32 $0xFFFFC000  }
0x43: {  	_ =	swait.ge [sflag:s21], $0x4000  }
0x44: {  	[sflag:s21] =	ssyncset.done $0x0  }
0x45: {  	s17 =	simm.s32 $0x200;
	[sflag:s21] =	ssyncadd.s32 $0xFFFFC000  }
0x46: {  	[spmem:s3] =	stream.indirect.scatter.add.f32 [tilespmem:s1], [sflag:$0xD], $0x80, s17, s8, $0xb8;
	[tilespmem:$0x1FE80] =	vst v63  }
0x47: {  	_ =	swait.ge [sflag:s31], $0x4000  }
0x48: {  	[sflag:s31] =	ssyncset.done $0x0  }
0x49: {  	[sflag:s31] =	ssyncadd.s32 $0xFFFFC000  }
0x4a: {  	_ =	swait.ge [sflag:s24], $0x4000  }
0x4b: {  	[sflag:s24] =	ssyncset.done $0x0  }
0x4c: {  	s28 =	simm.s32 $0x280;
	[sflag:s24] =	ssyncadd.s32 $0xFFFFC000  }
0x4d: {  	[spmem:s3] =	stream.indirect.scatter.add.f32 [tilespmem:s22], [sflag:$0xD], $0x80, s28, s8, $0xb8;
	[tilespmem:$0x1FE80] =	vst v63  }
0x4e: {  	_ =	swait.ge [sflag:s31], $0x4000  }
0x4f: {  	[sflag:s31] =	ssyncset.done $0x0  }
0x50: {  	[sflag:s31] =	ssyncadd.s32 $0xFFFFC000  }
0x51: {  	s11 =	sld [smem:$0x7F4];
	_ =	swait.ge @!p1 [sflag:s13], $0x80  }
0x52: {  	[sflag:s13] =	ssyncset.done @!p1 $0x0  }
0x53: {  	[sflag:s13] =	ssyncadd.s32 @!p1 $0xFFFFFF80  }
0x54: {  	_ =	swait.ge @!p1 [sflag:s13], $0x80  }
0x55: {  	[sflag:s13] =	ssyncset.done @!p1 $0x0  }
0x56: {  	[sflag:s13] =	ssyncadd.s32 @!p1 $0xFFFFFF80  }
0x57: {  	_ =	swait.ge @!p1 [sflag:s18], $0x80  }
0x58: {  	[sflag:s18] =	ssyncset.done @!p1 $0x0  }
0x59: {  	[sflag:s18] =	ssyncadd.s32 @!p1 $0xFFFFFF80  }
0x5a: {  	v1 =	vld @!p1 [tilespmem:$0x480]  }
0x5b: {  	v2 =	vld @!p1 [tilespmem:$0x300]  }
0x5c: {  	v3 =	vld @!p1 [tilespmem:$0x490]  }
0x5d: {  	v4 =	vld @!p1 [tilespmem:$0x310]  }
0x5e: {  	v5 =	vld @!p1 [tilespmem:$0x4A0]  }
0x5f: {  	v6 =	vld @!p1 [tilespmem:$0x320]  }
0x60: {  	v7 =	vld @!p1 [tilespmem:$0x4B0]  }
0x61: {  	v8 =	vld @!p1 [tilespmem:$0x330]  }
0x62: {  	v9 =	vld @!p1 [tilespmem:$0x4C0]  }
0x63: {  	v10 =	vld @!p1 [tilespmem:$0x340]  }
0x64: {  	v11 =	vld @!p1 [tilespmem:$0x4D0]  }
0x65: {  	v12 =	vld @!p1 [tilespmem:$0x350];
	v1 =	vmul.u32 @!p1 $0x2710, v1  }
0x66: {  	v13 =	vld @!p1 [tilespmem:$0x4E0];
	v3 =	vmul.u32 @!p1 $0x2710, v3  }
0x67: {  	v1 =	vadd.s32 @!p1 v2, v1;
	v2 =	vmul.u32 @!p1 $0x2710, v5;
	v5 =	vld @!p1 [tilespmem:$0x4F0]  }
0x68: {  	[tilespmem:$0x480] =	vst @!p1 v1;
	v1 =	vadd.s32 @!p1 v4, v3;
	v3 =	vmul.u32 @!p1 $0x2710, v7;
	v4 =	vld @!p1 [tilespmem:$0x360]  }
0x69: {  	[tilespmem:$0x490] =	vst @!p1 v1;
	v1 =	vadd.s32 @!p1 v6, v2;
	v2 =	vmul.u32 @!p1 $0x2710, v9;
	v6 =	vld @!p1 [tilespmem:$0x370]  }
0x6a: {  	[tilespmem:$0x4A0] =	vst @!p1 v1;
	v1 =	vadd.s32 @!p1 v8, v3;
	v3 =	vmul.u32 @!p1 $0x2710, v11  }
0x6b: {  	[tilespmem:$0x4B0] =	vst @!p1 v1;
	v1 =	vadd.s32 @!p1 v10, v2;
	v2 =	vmul.u32 @!p1 $0x2710, v13  }
0x6c: {  	[tilespmem:$0x4C0] =	vst @!p1 v1;
	v1 =	vadd.s32 @!p1 v12, v3;
	v3 =	vmul.u32 @!p1 $0x2710, v5  }
0x6d: {  	[tilespmem:$0x4D0] =	vst @!p1 v1;
	v1 =	vadd.s32 @!p1 v4, v2  }
0x6e: {  	[tilespmem:$0x4E0] =	vst @!p1 v1;
	v1 =	vadd.s32 @!p1 v6, v3  }
0x6f: {  	[tilespmem:$0x4F0] =	vst @!p1 v1  }
0x70: {  	[tilespmem:s4], [sflag:$0xA] =	stream.indirect.gather @!p1 [hbm4b:s6+s8], $0x80, s14, s8, $0xb8;
	[tilespmem:$0x1FE80] =	vst v63  }
0x71: {  	_ =	swait.ge @!p1 [sflag:s16], $0x4000  }
0x72: {  	[sflag:s16] =	ssyncset.done @!p1 $0x0  }
0x73: {  	[sflag:s16] =	ssyncadd.s32 @!p1 $0xFFFFC000  }
0x74: {  	[spmem:s3] =	stream.indirect.scatter.add.f32 @!p1 [tilespmem:s4], [sflag:$0xD], $0x80, s5, s8, $0xb8;
	[tilespmem:$0x1FE80] =	vst v63  }
0x75: {  	_ =	swait.ge @!p1 [sflag:s31], $0x4000  }
0x76: {  	[sflag:s31] =	ssyncset.done @!p1 $0x0  }
0x77: {  	[sflag:s31] =	ssyncadd.s32 @!p1 $0xFFFFC000  }
0x78: {  	s2 =	stileid.u32;
	[bflag:$0x0] =	sbarrier.arrive $0xFFFF  }
0x79: {  	s30 =	simm.s32 $0xE;
	s0 =	sshll.u32 s2, $0x6;
	s26 =	rddreg [dreg:$0xb]  }
0x7a: {  	s0 =	sor.u32 $0x1C0E, s0;
	s9 =	rddreg [dreg:$0xe];
	s2 =	sshrl.u32 s26, $0x3  }
0x7b: {  	[hbm:s9], [sflag:s0] =	dma.local [spmem:s2], $0x2700  }
0x7c: {  	_ =	swait.ge [sflag:s30], $0x2700  }
0x7d: {  	s2 =	sld [smem:$0x7FC];
	_ =	sdelay $0x1  }
0x7e: {  	[sflag:s30] =	ssyncset.done $0x0  }
0x7f: {  	s9 =	rddreg [dreg:$0xf];
	[sflag:s30] =	ssyncadd.s32 $0xFFFFD900;
	s2 =	sshrl.u32 @!p0 s2, $0x3  }
0x80: {  	[hbm:s9], [sflag:s0] =	dma.local @!p0 [spmem:s2], $0x100  }
0x81: {  	s0 =	simm.s32 @!p0 $0xE  }
0x82: {  	_ =	swait.ge @!p0 [sflag:s0], $0x100  }
0x83: {  	s11 =	sadd.s32 $0x1, s11;
	s9 =	rddreg [dreg:$0x10]  }
0x84: {  	p2 =	sne.s32 s11, s9  }
.Ltmp1:
0x85: {  	_ = 	snop;
	(pc) =	sbr.rel @!p2 .LBB2_7-.Ltmp1, $3  }
0x86: {  	_ =	sdelay $0x1  }
0x87: {  	[sflag:s0] =	ssyncset.done @!p0 $0x0  }
0x88: {  	[sflag:s0] =	ssyncadd.s32 @!p0 $0xFFFFFF00  }
.LBB2_1:
0x89: {  	[smem:$0x7F4] =	sst s11  }
0x8a: {  	s0 =	rddreg [dreg:$0x1d]  }
0x8b: {  	s2 =	rddreg [dreg:$0x1e]  }
0x8c: {  	[tilespmem:s5], [sflag:$0x1] =	stream.linear.gather [hbm4b:s0+s5], $0x80, $0x38;
	[tilespmem:$0x1FE80] =	vst v63  }
0x8d: {  	s9 =	rddreg [dreg:$0x1f]  }
0x8e: {  	[tilespmem:s8], [sflag:$0x2] =	stream.linear.gather [hbm4b:s2+s5], $0x80, $0x38;
	[tilespmem:$0x1FE80] =	vst v63  }
0x8f: {  	s11 =	sld [smem:$0x7F5]  }
0x90: {  	[tilespmem:s15], [sflag:$0x3] =	stream.linear.gather [hbm4b:s9+s5], $0x80, $0x38;
	[tilespmem:$0x1FE80] =	vst v63  }
0x91: {  	s2 =	simm.s32 $0x180;
	s15 =	sld [smem:$0x7F6]  }
0x92: {  	[tilespmem:s2], [sflag:$0x4] =	stream.linear.gather [hbm4b:s11+s5], $0x80, $0x38;
	[tilespmem:$0x1FE80] =	vst v63  }
0x93: {  	_ = 	snop  }
0x94: {  	[tilespmem:s17], [sflag:$0x5] =	stream.linear.gather [hbm4b:s15+s5], $0x80, $0x38;
	[tilespmem:$0x1FE80] =	vst v63  }
0x95: {  	s17 =	sld [smem:$0x7F7];
	_ =	sdelay $0x2  }
0x96: {  	[tilespmem:s28], [sflag:$0x6] =	stream.linear.gather [hbm4b:s17+s5], $0x80, $0x38;
	[tilespmem:$0x1FE80] =	vst v63  }
0x97: {  	s2 =	rddreg [dreg:$0x5]  }
0x98: {  	[tilespmem:s12], [sflag:$0x7] =	stream.linear.gather [hbm4b:s2+s5], $0x80, $0x38;
	[tilespmem:$0x1FE80] =	vst v63  }
0x99: {  	s9 =	rddreg [dreg:$0x6]  }
0x9a: {  	[tilespmem:s14], [sflag:$0x7] =	stream.linear.gather [hbm4b:s9+s5], $0x80, $0x38;
	[tilespmem:$0x1FE80] =	vst v63  }
0x9b: {  	s11 =	rddreg [dreg:$0x7];
	s12 =	simm.s32 $0x380  }
0x9c: {  	[tilespmem:s12], [sflag:$0x8] =	stream.linear.gather [hbm4b:s11+s5], $0x80, $0x38;
	[tilespmem:$0x1FE80] =	vst v63  }
0x9d: {  	s15 =	rddreg [dreg:$0x8]  }
0x9e: {  	[tilespmem:s29], [sflag:$0x8] =	stream.linear.gather [hbm4b:s15+s5], $0x80, $0x38;
	[tilespmem:$0x1FE80] =	vst v63  }
0x9f: {  	s17 =	rddreg [dreg:$0x9];
	s28 =	simm.s32 $0x400  }
0xa0: {  	[tilespmem:s28], [sflag:$0x9] =	stream.linear.gather [hbm4b:s17+s5], $0x80, $0x38;
	[tilespmem:$0x1FE80] =	vst v63  }
0xa1: {  	s0 =	simm.s32 $0x0;
	s9 =	simm.s32 $0x200;
	s29 =	rddreg [dreg:$0xa]  }
0xa2: {  	[tilespmem:s20], [sflag:$0x9] =	stream.linear.gather [hbm4b:s29+s5], $0x80, $0x38;
	[tilespmem:$0x1FE80] =	vst v63  }
.LBB2_2:
0xa3: {  	p2 =	sne.s32 s9, $0xFE00;
	[tilespmem:s0+$0x670] =	vst v0  }
0xa4: {  	[tilespmem:s0+$0x600] =	vst v0  }
0xa5: {  	[tilespmem:s0+$0x610] =	vst v0  }
.Ltmp2:
0xa6: {  	[tilespmem:s0+$0x620] =	vst v0;
	(pc) =	sbr.rel @p2 .LBB2_2-.Ltmp2, $4  }
0xa7: {  	[tilespmem:s0+$0x630] =	vst v0  }
0xa8: {  	[tilespmem:s0+$0x640] =	vst v0  }
0xa9: {  	[tilespmem:s0+$0x650] =	vst v0  }
0xaa: {  	[tilespmem:s0+$0x660] =	vst v0;
	s0 =	sshra.s32 s9, $0x2;
	s9 =	sadd.s32 $0x200, s9  }
0xab: {  	[tilespmem:s0+$0x670] =	vst v0  }
0xac: {  	[tilespmem:s0+$0x600] =	vst v0  }
0xad: {  	[tilespmem:s0+$0x610] =	vst v0  }
0xae: {  	[tilespmem:s0+$0x620] =	vst v0  }
0xaf: {  	[tilespmem:s0+$0x630] =	vst v0  }
0xb0: {  	[tilespmem:s0+$0x640] =	vst v0  }
0xb1: {  	[tilespmem:s0+$0x650] =	vst v0  }
0xb2: {  	[tilespmem:s0+$0x660] =	vst v0  }
0xb3: {  	[spmem:s26] =	stream.linear.scatter [tilespmem:s4], [sflag:$0xE], $0x4000, $0x38;
	[tilespmem:$0x1FE80] =	vst v63  }
0xb4: {  	_ =	swait.ge [sflag:s30], $0x4000  }
0xb5: {  	s20 =	sld [smem:$0x7F8]  }
0xb6: {  	[sflag:s30] =	ssyncset.done $0x0  }
0xb7: {  	[sflag:s30] =	ssyncadd.s32 $0xFFFFC000  }
0xb8: {  	[spmem:s20] =	stream.linear.scatter [tilespmem:s4], [sflag:$0xE], $0x4000, $0x38;
	[tilespmem:$0x1FE80] =	vst v63  }
0xb9: {  	_ =	swait.ge [sflag:s30], $0x4000  }
0xba: {  	s26 =	sld [smem:$0x7F9]  }
0xbb: {  	[sflag:s30] =	ssyncset.done $0x0  }
0xbc: {  	[sflag:s30] =	ssyncadd.s32 $0xFFFFC000  }
0xbd: {  	[spmem:s26] =	stream.linear.scatter [tilespmem:s4], [sflag:$0xE], $0x4000, $0x38;
	[tilespmem:$0x1FE80] =	vst v63  }
0xbe: {  	_ =	swait.ge [sflag:s30], $0x4000  }
0xbf: {  	s28 =	sld [smem:$0x7FA]  }
0xc0: {  	[sflag:s30] =	ssyncset.done $0x0  }
0xc1: {  	[sflag:s30] =	ssyncadd.s32 $0xFFFFC000  }
0xc2: {  	[spmem:s28] =	stream.linear.scatter [tilespmem:s4], [sflag:$0xE], $0x4000, $0x38;
	[tilespmem:$0x1FE80] =	vst v63  }
0xc3: {  	_ =	swait.ge [sflag:s30], $0x4000  }
0xc4: {  	s29 =	sld [smem:$0x7FB]  }
0xc5: {  	[sflag:s30] =	ssyncset.done $0x0  }
0xc6: {  	[sflag:s30] =	ssyncadd.s32 $0xFFFFC000  }
0xc7: {  	[spmem:s29] =	stream.linear.scatter [tilespmem:s4], [sflag:$0xE], $0x3800, $0x38;
	[tilespmem:$0x1FE80] =	vst v63  }
0xc8: {  	_ =	swait.ge [sflag:s30], $0x3800  }
0xc9: {  	s2 =	sld [smem:$0x7FC]  }
0xca: {  	[sflag:s30] =	ssyncset.done $0x0  }
0xcb: {  	s0 =	simm.s32 @!p0 $0x600;
	[sflag:s30] =	ssyncadd.s32 $0xFFFFC800  }
0xcc: {  	[spmem:s2] =	stream.linear.scatter @!p0 [tilespmem:s0], [sflag:$0xE], $0x800, $0x38;
	[tilespmem:$0x1FE80] =	vst v63  }
0xcd: {  	s0 =	simm.s32 @!p0 $0xE  }
0xce: {  	_ =	swait.ge @!p0 [sflag:s0], $0x800  }
0xcf: {  	[sflag:s0] =	ssyncset.done @!p0 $0x0  }
0xd0: {  	s17 =	simm.s32 $0x100;
	s12 =	simm.s32 $0x300;
	[sflag:s0] =	ssyncadd.s32 @!p0 $0xFFFFF800  }
0xd1: {  	s20 =	simm.s32 $0x580;
	s26 =	simm.s32 $0x0;
	[bflag:$0x0] =	sbarrier.arrive $0xFFFF  }
.LBB2_4:
0xd2: {  	_ =	swait.ge [sflag:s13], $0x80  }
0xd3: {  	[sflag:s13] =	ssyncset.done $0x0  }
0xd4: {  	[sflag:s13] =	ssyncadd.s32 $0xFFFFFF80  }
0xd5: {  	_ =	swait.ge [sflag:s13], $0x80  }
0xd6: {  	[sflag:s13] =	ssyncset.done $0x0  }
0xd7: {  	[sflag:s13] =	ssyncadd.s32 $0xFFFFFF80  }
0xd8: {  	_ =	swait.ge [sflag:s18], $0x80  }
0xd9: {  	[sflag:s18] =	ssyncset.done $0x0  }
0xda: {  	[sflag:s18] =	ssyncadd.s32 $0xFFFFFF80  }
0xdb: {  	v1 =	vld [tilespmem:$0x480]  }
0xdc: {  	v2 =	vld [tilespmem:$0x300]  }
0xdd: {  	v3 =	vld [tilespmem:$0x490]  }
0xde: {  	v4 =	vld [tilespmem:$0x310]  }
0xdf: {  	v5 =	vld [tilespmem:$0x4A0]  }
0xe0: {  	v6 =	vld [tilespmem:$0x320]  }
0xe1: {  	v7 =	vld [tilespmem:$0x4B0]  }
0xe2: {  	v8 =	vld [tilespmem:$0x330]  }
0xe3: {  	v9 =	vld [tilespmem:$0x4C0]  }
0xe4: {  	v10 =	vld [tilespmem:$0x340]  }
0xe5: {  	v11 =	vld [tilespmem:$0x4D0]  }
0xe6: {  	v12 =	vld [tilespmem:$0x350];
	v1 =	vmul.u32 $0x2710, v1  }
0xe7: {  	v13 =	vld [tilespmem:$0x4E0];
	v3 =	vmul.u32 $0x2710, v3  }
0xe8: {  	v44 =	vld [tilespmem:$0x4F0];
	v1 =	vadd.s32 v2, v1;
	v2 =	vmul.u32 $0x2710, v5  }
0xe9: {  	v45 =	vld [tilespmem:$0x360];
	[tilespmem:$0x480] =	vst v1;
	v1 =	vadd.s32 v4, v3;
	v3 =	vmul.u32 $0x2710, v7  }
0xea: {  	v46 =	vld [tilespmem:$0x370];
	[tilespmem:$0x490] =	vst v1;
	v1 =	vadd.s32 v6, v2;
	v2 =	vmul.u32 $0x2710, v9  }
0xeb: {  	[tilespmem:$0x4A0] =	vst v1;
	v1 =	vadd.s32 v8, v3;
	v3 =	vmul.u32 $0x2710, v11  }
0xec: {  	[tilespmem:$0x4B0] =	vst v1;
	v1 =	vadd.s32 v10, v2;
	v2 =	vmul.u32 $0x2710, v13  }
0xed: {  	[tilespmem:$0x4C0] =	vst v1;
	v1 =	vadd.s32 v12, v3;
	v3 =	vmul.u32 $0x2710, v44  }
0xee: {  	[tilespmem:$0x4D0] =	vst v1;
	v1 =	vadd.s32 v45, v2  }
0xef: {  	p2 =	seq.s32 s26, $0x0;
	[tilespmem:$0x4E0] =	vst v1;
	v1 =	vadd.s32 v46, v3  }
0xf0: {  	s28 =	simm.s32 @!p2 $0xD;
	[tilespmem:$0x4F0] =	vst v1  }
0xf1: {  	_ =	swait.ge @!p2 [sflag:s28], $0x4000  }
0xf2: {  	s29 =	sadd.s32 @!p2 s26, s19;
	s30 =	simm.s32 @!p2 $0x0;
	[sflag:s28] =	ssyncset.done @!p2 $0x0  }
0xf3: {  	s9 =	simm.s32 @!p2 $0x180;
	s0 =	sadd.s32 @!p2 $0xA240, s29;
	[sflag:s28] =	ssyncadd.s32 @!p2 $0xFFFFC000  }
0xf4: {  	[tilespmem:s9], [sflag:$0x4] =	stream.linear.gather @!p2 [hbm4b:s0+s30], $0x80, $0x38;
	[tilespmem:$0x1FE80] =	vst v63  }
0xf5: {  	s0 =	simm.s32 @!p2 $0xB  }
0xf6: {  	_ =	swait.ge @!p2 [sflag:s0], $0x4000  }
0xf7: {  	s11 =	simm.s32 @!p2 $0x4600;
	s9 =	simm.s32 @!p2 $0x200;
	[sflag:s0] =	ssyncset.done @!p2 $0x0  }
0xf8: {  	s2 =	rddreg [dreg:$0x18];
	[sflag:s0] =	ssyncadd.s32 @!p2 $0xFFFFC000;
	s0 =	simm.s32 @!p2 $0x80  }
0xf9: {  	[spmem:s3] =	stream.indirect.scatter.add.f32 @!p2 [tilespmem:s11], [sflag:$0xD], $0x80, s9, s0, $0xb8;
	[tilespmem:$0x1FE80] =	vst v63  }
0xfa: {  	s11 =	sadd.s32 @!p2 s26, s2  }
0xfb: {  	s2 =	rddreg [dreg:$0x0];
	s11 =	sor.u32 @!p2 $0x200, s11  }
0xfc: {  	s15 =	sadd.s32 @!p2 s2, s11;
	s2 =	simm.s32 @!p2 $0x380  }
0xfd: {  	[tilespmem:s2], [sflag:$0x8] =	stream.linear.gather @!p2 [hbm4b:s15+s30], $0x80, $0x38;
	[tilespmem:$0x1FE80] =	vst v63  }
0xfe: {  	s2 =	rddreg [dreg:$0x1]  }
0xff: {  	s2 =	sadd.s32 @!p2 s2, s11;
	s11 =	simm.s32 @!p2 $0x500  }
0x100: {  	[tilespmem:s11], [sflag:$0x8] =	stream.linear.gather @!p2 [hbm4b:s2+s30], $0x80, $0x38;
	[tilespmem:$0x1FE80] =	vst v63  }
0x101: {  	_ = 	snop  }
0x102: {  	[tilespmem:s4], [sflag:$0xA] =	stream.indirect.gather [hbm4b:s6+s8], $0x80, s14, s8, $0xb8;
	[tilespmem:$0x1FE80] =	vst v63  }
0x103: {  	_ =	swait.ge [sflag:s7], $0x80  }
0x104: {  	[sflag:s7] =	ssyncset.done $0x0  }
0x105: {  	[sflag:s7] =	ssyncadd.s32 $0xFFFFFF80  }
0x106: {  	_ =	swait.ge [sflag:s7], $0x80  }
0x107: {  	[sflag:s7] =	ssyncset.done $0x0  }
0x108: {  	s11 =	simm.s32 $0x2;
	[sflag:s7] =	ssyncadd.s32 $0xFFFFFF80  }
0x109: {  	_ =	swait.ge [sflag:s11], $0x80  }
0x10a: {  	[sflag:s11] =	ssyncset.done $0x0  }
0x10b: {  	[sflag:s11] =	ssyncadd.s32 $0xFFFFFF80  }
0x10c: {  	v1 =	vld [tilespmem:$0x500]  }
0x10d: {  	v2 =	vld [tilespmem:$0x380]  }
0x10e: {  	v3 =	vld [tilespmem:$0x510]  }
0x10f: {  	v47 =	vld [tilespmem:$0x390]  }
0x110: {  	v48 =	vld [tilespmem:$0x520]  }
0x111: {  	v49 =	vld [tilespmem:$0x3A0]  }
0x112: {  	v50 =	vld [tilespmem:$0x530]  }
0x113: {  	v51 =	vld [tilespmem:$0x3B0]  }
0x114: {  	v52 =	vld [tilespmem:$0x540]  }
0x115: {  	v53 =	vld [tilespmem:$0x3C0]  }
0x116: {  	v54 =	vld [tilespmem:$0x550]  }
0x117: {  	v55 =	vld [tilespmem:$0x3D0];
	v1 =	vmul.u32 $0x2710, v1  }
0x118: {  	v56 =	vld [tilespmem:$0x560];
	v3 =	vmul.u32 $0x2710, v3  }
0x119: {  	v57 =	vld [tilespmem:$0x570];
	v1 =	vadd.s32 v2, v1;
	v2 =	vmul.u32 $0x2710, v48  }
0x11a: {  	v58 =	vld [tilespmem:$0x3E0];
	[tilespmem:$0x500] =	vst v1;
	v1 =	vadd.s32 v47, v3;
	v3 =	vmul.u32 $0x2710, v50  }
0x11b: {  	v59 =	vld [tilespmem:$0x3F0];
	[tilespmem:$0x510] =	vst v1;
	v1 =	vadd.s32 v49, v2;
	v2 =	vmul.u32 $0x2710, v52  }
0x11c: {  	[tilespmem:$0x520] =	vst v1;
	v1 =	vadd.s32 v51, v3;
	v3 =	vmul.u32 $0x2710, v54  }
0x11d: {  	[tilespmem:$0x530] =	vst v1;
	v1 =	vadd.s32 v53, v2;
	v2 =	vmul.u32 $0x2710, v56  }
0x11e: {  	[tilespmem:$0x540] =	vst v1;
	v1 =	vadd.s32 v55, v3;
	v3 =	vmul.u32 $0x2710, v57  }
0x11f: {  	[tilespmem:$0x550] =	vst v1;
	v1 =	vadd.s32 v58, v2  }
0x120: {  	[tilespmem:$0x560] =	vst v1;
	v1 =	vadd.s32 v59, v3  }
0x121: {  	[tilespmem:$0x570] =	vst v1  }
0x122: {  	_ =	swait.ge @!p2 [sflag:s28], $0x4000  }
0x123: {  	[sflag:s28] =	ssyncset.done @!p2 $0x0  }
0x124: {  	s2 =	sadd.s32 @!p2 $0xA440, s29;
	[sflag:s28] =	ssyncadd.s32 @!p2 $0xFFFFC000  }
0x125: {  	[tilespmem:s9], [sflag:$0x5] =	stream.linear.gather @!p2 [hbm4b:s2+s30], $0x80, $0x38;
	[tilespmem:$0x1FE80] =	vst v63  }
0x126: {  	s2 =	simm.s32 @!p2 $0xC  }
0x127: {  	_ =	swait.ge @!p2 [sflag:s2], $0x4000  }
0x128: {  	[sflag:s2] =	ssyncset.done @!p2 $0x0  }
0x129: {  	s9 =	simm.s32 @!p2 $0x280;
	[sflag:s2] =	ssyncadd.s32 @!p2 $0xFFFFC000;
	s2 =	simm.s32 @!p2 $0x8600  }
0x12a: {  	[spmem:s3] =	stream.indirect.scatter.add.f32 @!p2 [tilespmem:s2], [sflag:$0xD], $0x80, s9, s0, $0xb8;
	[tilespmem:$0x1FE80] =	vst v63  }
0x12b: {  	s0 =	rddreg [dreg:$0x12]  }
0x12c: {  	s2 =	simm.s32 @!p2 $0x400;
	s0 =	sadd.s32 @!p2 s26, s0  }
0x12d: {  	[tilespmem:s2], [sflag:$0x9] =	stream.linear.gather @!p2 [hbm4b:s0+s30], $0x80, $0x38;
	[tilespmem:$0x1FE80] =	vst v63  }
0x12e: {  	s0 =	rddreg [dreg:$0x11]  }
0x12f: {  	s2 =	simm.s32 @!p2 $0x580;
	s0 =	sadd.s32 @!p2 s26, s0  }
0x130: {  	[tilespmem:s2], [sflag:$0x9] =	stream.linear.gather @!p2 [hbm4b:s0+s30], $0x80, $0x38;
	[tilespmem:$0x1FE80] =	vst v63  }
0x131: {  	s11 =	simm.s32 $0x500  }
0x132: {  	[tilespmem:s1], [sflag:$0xB] =	stream.indirect.gather [hbm4b:s6+s8], $0x80, s11, s8, $0xb8;
	[tilespmem:$0x1FE80] =	vst v63  }
0x133: {  	_ =	swait.ge [sflag:s10], $0x80  }
0x134: {  	[sflag:s10] =	ssyncset.done $0x0  }
0x135: {  	[sflag:s10] =	ssyncadd.s32 $0xFFFFFF80  }
0x136: {  	_ =	swait.ge [sflag:s10], $0x80  }
0x137: {  	[sflag:s10] =	ssyncset.done $0x0  }
0x138: {  	s15 =	simm.s32 $0x3;
	[sflag:s10] =	ssyncadd.s32 $0xFFFFFF80  }
0x139: {  	_ =	swait.ge [sflag:s15], $0x80  }
0x13a: {  	[sflag:s15] =	ssyncset.done $0x0  }
0x13b: {  	[sflag:s15] =	ssyncadd.s32 $0xFFFFFF80  }
0x13c: {  	v1 =	vld [tilespmem:$0x580]  }
0x13d: {  	v2 =	vld [tilespmem:$0x400]  }
0x13e: {  	v3 =	vld [tilespmem:$0x590]  }
0x13f: {  	v60 =	vld [tilespmem:$0x410]  }
0x140: {  	v61 =	vld [tilespmem:$0x5A0]  }
0x141: {  	v62 =	vld [tilespmem:$0x420]  }
0x142: {  	v63 =	vld [tilespmem:$0x5B0]  }
0x143: {  	v16 =	vld [tilespmem:$0x430]  }
0x144: {  	v17 =	vld [tilespmem:$0x5C0]  }
0x145: {  	v18 =	vld [tilespmem:$0x440]  }
0x146: {  	v19 =	vld [tilespmem:$0x5D0]  }
0x147: {  	v20 =	vld [tilespmem:$0x450];
	v1 =	vmul.u32 $0x2710, v1  }
0x148: {  	v21 =	vld [tilespmem:$0x5E0];
	v3 =	vmul.u32 $0x2710, v3  }
0x149: {  	v22 =	vld [tilespmem:$0x5F0];
	v1 =	vadd.s32 v2, v1;
	v2 =	vmul.u32 $0x2710, v61  }
0x14a: {  	v23 =	vld [tilespmem:$0x460];
	[tilespmem:$0x580] =	vst v1;
	v1 =	vadd.s32 v60, v3;
	v3 =	vmul.u32 $0x2710, v63  }
0x14b: {  	v24 =	vld [tilespmem:$0x470];
	[tilespmem:$0x590] =	vst v1;
	v1 =	vadd.s32 v62, v2;
	v2 =	vmul.u32 $0x2710, v17  }
0x14c: {  	[tilespmem:$0x5A0] =	vst v1;
	v1 =	vadd.s32 v16, v3;
	v3 =	vmul.u32 $0x2710, v19  }
0x14d: {  	[tilespmem:$0x5B0] =	vst v1;
	v1 =	vadd.s32 v18, v2;
	v2 =	vmul.u32 $0x2710, v21  }
0x14e: {  	[tilespmem:$0x5C0] =	vst v1;
	v1 =	vadd.s32 v20, v3;
	v3 =	vmul.u32 $0x2710, v22  }
0x14f: {  	[tilespmem:$0x5D0] =	vst v1;
	v1 =	vadd.s32 v23, v2  }
0x150: {  	[tilespmem:$0x5E0] =	vst v1;
	v1 =	vadd.s32 v24, v3  }
0x151: {  	[tilespmem:$0x5F0] =	vst v1  }
0x152: {  	_ =	swait.ge @!p2 [sflag:s28], $0x4000  }
0x153: {  	[sflag:s28] =	ssyncset.done @!p2 $0x0  }
0x154: {  	s0 =	sadd.s32 @!p2 $0xA640, s29;
	[sflag:s28] =	ssyncadd.s32 @!p2 $0xFFFFC000  }
0x155: {  	[tilespmem:s9], [sflag:$0x6] =	stream.linear.gather @!p2 [hbm4b:s0+s30], $0x80, $0x38;
	[tilespmem:$0x1FE80] =	vst v63  }
0x156: {  	_ =	swait.ge [sflag:s16], $0x4000  }
0x157: {  	[sflag:s16] =	ssyncset.done $0x0  }
0x158: {  	s28 =	rddreg [dreg:$0x1a];
	[sflag:s16] =	ssyncadd.s32 $0xFFFFC000  }
0x159: {  	[spmem:s3] =	stream.indirect.scatter.add.f32 [tilespmem:s4], [sflag:$0xD], $0x80, s5, s8, $0xb8;
	[tilespmem:$0x1FE80] =	vst v63  }
0x15a: {  	s30 =	rddreg [dreg:$0x19];
	s0 =	sadd.s32 s26, s28  }
0x15b: {  	[tilespmem:s12], [sflag:$0x7] =	stream.linear.gather [hbm4b:s0+s5], $0x80, $0x38;
	[tilespmem:$0x1FE80] =	vst v63  }
0x15c: {  	s0 =	sadd.s32 s26, s30  }
0x15d: {  	[tilespmem:s14], [sflag:$0x7] =	stream.linear.gather [hbm4b:s0+s5], $0x80, $0x38;
	[tilespmem:$0x1FE80] =	vst v63  }
0x15e: {  	_ = 	snop  }
0x15f: {  	[tilespmem:s22], [sflag:$0xC] =	stream.indirect.gather [hbm4b:s6+s8], $0x80, s20, s8, $0xb8;
	[tilespmem:$0x1FE80] =	vst v63  }
0x160: {  	_ =	swait.ge [sflag:s13], $0x80  }
0x161: {  	[sflag:s13] =	ssyncset.done $0x0  }
0x162: {  	[sflag:s13] =	ssyncadd.s32 $0xFFFFFF80  }
0x163: {  	_ =	swait.ge [sflag:s13], $0x80  }
0x164: {  	[sflag:s13] =	ssyncset.done $0x0  }
0x165: {  	s2 =	simm.s32 $0x4;
	[sflag:s13] =	ssyncadd.s32 $0xFFFFFF80  }
0x166: {  	_ =	swait.ge [sflag:s2], $0x80  }
0x167: {  	[sflag:s2] =	ssyncset.done $0x0  }
0x168: {  	[sflag:s2] =	ssyncadd.s32 $0xFFFFFF80  }
0x169: {  	v1 =	vld [tilespmem:$0x480]  }
0x16a: {  	v2 =	vld [tilespmem:$0x300]  }
0x16b: {  	v3 =	vld [tilespmem:$0x490]  }
0x16c: {  	v25 =	vld [tilespmem:$0x310]  }
0x16d: {  	v26 =	vld [tilespmem:$0x4A0]  }
0x16e: {  	v27 =	vld [tilespmem:$0x320]  }
0x16f: {  	v28 =	vld [tilespmem:$0x4B0]  }
0x170: {  	v29 =	vld [tilespmem:$0x330]  }
0x171: {  	v30 =	vld [tilespmem:$0x4C0]  }
0x172: {  	v31 =	vld [tilespmem:$0x340]  }
0x173: {  	v32 =	vld [tilespmem:$0x4D0]  }
0x174: {  	v33 =	vld [tilespmem:$0x350];
	v1 =	vmul.u32 $0x2710, v1  }
0x175: {  	v34 =	vld [tilespmem:$0x4E0];
	v3 =	vmul.u32 $0x2710, v3  }
0x176: {  	v35 =	vld [tilespmem:$0x4F0];
	v1 =	vadd.s32 v2, v1;
	v2 =	vmul.u32 $0x2710, v26  }
0x177: {  	v36 =	vld [tilespmem:$0x360];
	[tilespmem:$0x480] =	vst v1;
	v1 =	vadd.s32 v25, v3;
	v3 =	vmul.u32 $0x2710, v28  }
0x178: {  	v37 =	vld [tilespmem:$0x370];
	[tilespmem:$0x490] =	vst v1;
	v1 =	vadd.s32 v27, v2;
	v2 =	vmul.u32 $0x2710, v30  }
0x179: {  	[tilespmem:$0x4A0] =	vst v1;
	v1 =	vadd.s32 v29, v3;
	v3 =	vmul.u32 $0x2710, v32  }
0x17a: {  	[tilespmem:$0x4B0] =	vst v1;
	v1 =	vadd.s32 v31, v2;
	v2 =	vmul.u32 $0x2710, v34  }
0x17b: {  	[tilespmem:$0x4C0] =	vst v1;
	v1 =	vadd.s32 v33, v3;
	v3 =	vmul.u32 $0x2710, v35  }
0x17c: {  	[tilespmem:$0x4D0] =	vst v1;
	v1 =	vadd.s32 v36, v2  }
0x17d: {  	[tilespmem:$0x4E0] =	vst v1;
	v1 =	vadd.s32 v37, v3  }
0x17e: {  	[tilespmem:$0x4F0] =	vst v1  }
0x17f: {  	p2 =	seq.s32 s26, $0x9000;
	_ =	swait.ge [sflag:s31], $0x4000  }
0x180: {  	s0 =	sadd.s32 @!p2 s26, s19;
	[sflag:s31] =	ssyncset.done $0x0  }
0x181: {  	s2 =	sadd.s32 @!p2 $0xA840, s0;
	s0 =	simm.s32 @!p2 $0x0;
	[sflag:s31] =	ssyncadd.s32 $0xFFFFC000  }
0x182: {  	[tilespmem:s0], [sflag:$0x1] =	stream.linear.gather @!p2 [hbm4b:s2+s0], $0x80, $0x38;
	[tilespmem:$0x1FE80] =	vst v63  }
0x183: {  	_ =	swait.ge [sflag:s21], $0x4000  }
0x184: {  	[sflag:s21] =	ssyncset.done $0x0  }
0x185: {  	s9 =	rddreg [dreg:$0x17];
	[sflag:s21] =	ssyncadd.s32 $0xFFFFC000  }
0x186: {  	[spmem:s3] =	stream.indirect.scatter.add.f32 [tilespmem:s1], [sflag:$0xD], $0x80, s8, s8, $0xb8;
	[tilespmem:$0x1FE80] =	vst v63  }
0x187: {  	s12 =	simm.s32 $0x380;
	s15 =	rddreg [dreg:$0x16];
	s2 =	sadd.s32 s26, s9  }
0x188: {  	[tilespmem:s12], [sflag:$0x8] =	stream.linear.gather [hbm4b:s2+s5], $0x80, $0x38;
	[tilespmem:$0x1FE80] =	vst v63  }
0x189: {  	s2 =	sadd.s32 s26, s15  }
0x18a: {  	[tilespmem:s11], [sflag:$0x8] =	stream.linear.gather [hbm4b:s2+s5], $0x80, $0x38;
	[tilespmem:$0x1FE80] =	vst v63  }
0x18b: {  	_ = 	snop  }
0x18c: {  	[tilespmem:s4], [sflag:$0xA] =	stream.indirect.gather [hbm4b:s6+s8], $0x80, s14, s8, $0xb8;
	[tilespmem:$0x1FE80] =	vst v63  }
0x18d: {  	_ =	swait.ge [sflag:s7], $0x80  }
0x18e: {  	[sflag:s7] =	ssyncset.done $0x0  }
0x18f: {  	[sflag:s7] =	ssyncadd.s32 $0xFFFFFF80  }
0x190: {  	_ =	swait.ge [sflag:s7], $0x80  }
0x191: {  	[sflag:s7] =	ssyncset.done $0x0  }
0x192: {  	[sflag:s7] =	ssyncadd.s32 $0xFFFFFF80  }
0x193: {  	_ =	swait.ge [sflag:s23], $0x80  }
0x194: {  	[sflag:s23] =	ssyncset.done $0x0  }
0x195: {  	[sflag:s23] =	ssyncadd.s32 $0xFFFFFF80  }
0x196: {  	v1 =	vld [tilespmem:$0x500]  }
0x197: {  	v2 =	vld [tilespmem:$0x380]  }
0x198: {  	v3 =	vld [tilespmem:$0x510]  }
0x199: {  	v38 =	vld [tilespmem:$0x390]  }
0x19a: {  	v39 =	vld [tilespmem:$0x520]  }
0x19b: {  	v40 =	vld [tilespmem:$0x3A0]  }
0x19c: {  	v41 =	vld [tilespmem:$0x530]  }
0x19d: {  	v42 =	vld [tilespmem:$0x3B0]  }
0x19e: {  	v43 =	vld [tilespmem:$0x540]  }
0x19f: {  	v44 =	vld [tilespmem:$0x3C0]  }
0x1a0: {  	v45 =	vld [tilespmem:$0x550]  }
0x1a1: {  	v46 =	vld [tilespmem:$0x3D0];
	v1 =	vmul.u32 $0x2710, v1  }
0x1a2: {  	v47 =	vld [tilespmem:$0x560];
	v3 =	vmul.u32 $0x2710, v3  }
0x1a3: {  	v48 =	vld [tilespmem:$0x570];
	v1 =	vadd.s32 v2, v1;
	v2 =	vmul.u32 $0x2710, v39  }
0x1a4: {  	v49 =	vld [tilespmem:$0x3E0];
	[tilespmem:$0x500] =	vst v1;
	v1 =	vadd.s32 v38, v3;
	v3 =	vmul.u32 $0x2710, v41  }
0x1a5: {  	v50 =	vld [tilespmem:$0x3F0];
	[tilespmem:$0x510] =	vst v1;
	v1 =	vadd.s32 v40, v2;
	v2 =	vmul.u32 $0x2710, v43  }
0x1a6: {  	[tilespmem:$0x520] =	vst v1;
	v1 =	vadd.s32 v42, v3;
	v3 =	vmul.u32 $0x2710, v45  }
0x1a7: {  	[tilespmem:$0x530] =	vst v1;
	v1 =	vadd.s32 v44, v2;
	v2 =	vmul.u32 $0x2710, v47  }
0x1a8: {  	[tilespmem:$0x540] =	vst v1;
	v1 =	vadd.s32 v46, v3;
	v3 =	vmul.u32 $0x2710, v48  }
0x1a9: {  	[tilespmem:$0x550] =	vst v1;
	v1 =	vadd.s32 v49, v2  }
0x1aa: {  	[tilespmem:$0x560] =	vst v1;
	v1 =	vadd.s32 v50, v3  }
0x1ab: {  	[tilespmem:$0x570] =	vst v1  }
0x1ac: {  	_ =	swait.ge [sflag:s31], $0x4000  }
0x1ad: {  	[sflag:s31] =	ssyncset.done $0x0;
	s2 =	rddreg [dreg:$0x1c]  }
0x1ae: {  	s9 =	simm.s32 @!p2 $0x80;
	[sflag:s31] =	ssyncadd.s32 $0xFFFFC000;
	s2 =	sadd.s32 @!p2 s26, s2  }
0x1af: {  	[tilespmem:s9], [sflag:$0x2] =	stream.linear.gather @!p2 [hbm4b:s2+s0], $0x80, $0x38;
	[tilespmem:$0x1FE80] =	vst v63  }
0x1b0: {  	_ =	swait.ge [sflag:s24], $0x4000  }
0x1b1: {  	[sflag:s24] =	ssyncset.done $0x0  }
0x1b2: {  	[sflag:s24] =	ssyncadd.s32 $0xFFFFC000  }
0x1b3: {  	[spmem:s3] =	stream.indirect.scatter.add.f32 [tilespmem:s22], [sflag:$0xD], $0x80, s17, s8, $0xb8;
	[tilespmem:$0x1FE80] =	vst v63  }
0x1b4: {  	s17 =	rddreg [dreg:$0x15]  }
0x1b5: {  	s28 =	simm.s32 $0x400;
	s30 =	rddreg [dreg:$0x14];
	s0 =	sadd.s32 s26, s17  }
0x1b6: {  	[tilespmem:s28], [sflag:$0x9] =	stream.linear.gather [hbm4b:s0+s5], $0x80, $0x38;
	[tilespmem:$0x1FE80] =	vst v63  }
0x1b7: {  	s0 =	sadd.s32 s26, s30  }
0x1b8: {  	[tilespmem:s20], [sflag:$0x9] =	stream.linear.gather [hbm4b:s0+s5], $0x80, $0x38;
	[tilespmem:$0x1FE80] =	vst v63  }
0x1b9: {  	_ = 	snop  }
0x1ba: {  	[tilespmem:s1], [sflag:$0xB] =	stream.indirect.gather [hbm4b:s6+s8], $0x80, s11, s8, $0xb8;
	[tilespmem:$0x1FE80] =	vst v63  }
0x1bb: {  	_ =	swait.ge [sflag:s10], $0x80  }
0x1bc: {  	[sflag:s10] =	ssyncset.done $0x0  }
0x1bd: {  	[sflag:s10] =	ssyncadd.s32 $0xFFFFFF80  }
0x1be: {  	_ =	swait.ge [sflag:s10], $0x80  }
0x1bf: {  	[sflag:s10] =	ssyncset.done $0x0  }
0x1c0: {  	[sflag:s10] =	ssyncadd.s32 $0xFFFFFF80  }
0x1c1: {  	_ =	swait.ge [sflag:s25], $0x80  }
0x1c2: {  	[sflag:s25] =	ssyncset.done $0x0  }
0x1c3: {  	[sflag:s25] =	ssyncadd.s32 $0xFFFFFF80  }
0x1c4: {  	v1 =	vld [tilespmem:$0x580]  }
0x1c5: {  	v2 =	vld [tilespmem:$0x400]  }
0x1c6: {  	v3 =	vld [tilespmem:$0x590]  }
0x1c7: {  	v51 =	vld [tilespmem:$0x410]  }
0x1c8: {  	v52 =	vld [tilespmem:$0x5A0]  }
0x1c9: {  	v53 =	vld [tilespmem:$0x420]  }
0x1ca: {  	v54 =	vld [tilespmem:$0x5B0]  }
0x1cb: {  	v55 =	vld [tilespmem:$0x430]  }
0x1cc: {  	v56 =	vld [tilespmem:$0x5C0]  }
0x1cd: {  	v57 =	vld [tilespmem:$0x440]  }
0x1ce: {  	v58 =	vld [tilespmem:$0x5D0]  }
0x1cf: {  	v59 =	vld [tilespmem:$0x450];
	v1 =	vmul.u32 $0x2710, v1  }
0x1d0: {  	v60 =	vld [tilespmem:$0x5E0];
	v3 =	vmul.u32 $0x2710, v3  }
0x1d1: {  	v61 =	vld [tilespmem:$0x5F0];
	v1 =	vadd.s32 v2, v1;
	v2 =	vmul.u32 $0x2710, v52  }
0x1d2: {  	v62 =	vld [tilespmem:$0x460];
	[tilespmem:$0x580] =	vst v1;
	v1 =	vadd.s32 v51, v3;
	v3 =	vmul.u32 $0x2710, v54  }
0x1d3: {  	v63 =	vld [tilespmem:$0x470];
	[tilespmem:$0x590] =	vst v1;
	v1 =	vadd.s32 v53, v2;
	v2 =	vmul.u32 $0x2710, v56  }
0x1d4: {  	[tilespmem:$0x5A0] =	vst v1;
	v1 =	vadd.s32 v55, v3;
	v3 =	vmul.u32 $0x2710, v58  }
0x1d5: {  	[tilespmem:$0x5B0] =	vst v1;
	v1 =	vadd.s32 v57, v2;
	v2 =	vmul.u32 $0x2710, v60  }
0x1d6: {  	[tilespmem:$0x5C0] =	vst v1;
	v1 =	vadd.s32 v59, v3;
	v3 =	vmul.u32 $0x2710, v61  }
0x1d7: {  	[tilespmem:$0x5D0] =	vst v1;
	v1 =	vadd.s32 v62, v2  }
.Ltmp3:
0x1d8: {  	[tilespmem:$0x5E0] =	vst v1;
	v1 =	vadd.s32 v63, v3;
	(pc) =	sbr.rel @p2 .LBB2_6-.Ltmp3, $4  }
0x1d9: {  	[tilespmem:$0x5F0] =	vst v1  }
0x1da: {  	_ =	swait.ge [sflag:s31], $0x4000  }
0x1db: {  	s29 =	simm.s32 $0x500;
	s15 =	simm.s32 $0x100;
	[sflag:s31] =	ssyncset.done $0x0  }
0x1dc: {  	s12 =	simm.s32 $0x300;
	s20 =	simm.s32 $0x580;
	[sflag:s31] =	ssyncadd.s32 $0xFFFFC000  }
0x1dd: {  	s0 =	rddreg [dreg:$0x1b]  }
0x1de: {  	s0 =	sadd.s32 s26, s0  }
0x1df: {  	[tilespmem:s15], [sflag:$0x3] =	stream.linear.gather [hbm4b:s0+s5], $0x80, $0x38;
	[tilespmem:$0x1FE80] =	vst v63  }
0x1e0: {  	_ =	swait.ge [sflag:s16], $0x4000  }
0x1e1: {  	[sflag:s16] =	ssyncset.done $0x0  }
0x1e2: {  	s28 =	simm.s32 $0x180;
	s29 =	sadd.s32 s26, s19;
	[sflag:s16] =	ssyncadd.s32 $0xFFFFC000  }
0x1e3: {  	[spmem:s3] =	stream.indirect.scatter.add.f32 [tilespmem:s4], [sflag:$0xD], $0x80, s28, s8, $0xb8;
	[tilespmem:$0x1FE80] =	vst v63  }
0x1e4: {  	s0 =	sadd.s32 $0xC00, s29;
	s30 =	rddreg [dreg:$0x13]  }
0x1e5: {  	[tilespmem:s12], [sflag:$0x7] =	stream.linear.gather [hbm4b:s0+s5], $0x80, $0x38;
	[tilespmem:$0x1FE80] =	vst v63  }
.Ltmp4:
0x1e6: {  	s0 =	sadd.s32 s26, s30;
	(pc) =	sbr.rel .LBB2_4-.Ltmp4, $4  }
0x1e7: {  	[tilespmem:s14], [sflag:$0x7] =	stream.linear.gather [hbm4b:s0+s5], $0x80, $0x38;
	[tilespmem:$0x1FE80] =	vst v63  }
0x1e8: {  	s17 =	simm.s32 $0x100  }
0x1e9: {  	[tilespmem:s22], [sflag:$0xC] =	stream.indirect.gather [hbm4b:s6+s8], $0x80, s20, s8, $0xb8;
	[tilespmem:$0x1FE80] =	vst v63  }
0x1ea: {  	s26 =	sadd.s32 $0xC00, s26;
	s12 =	simm.s32 $0x300;
	s20 =	simm.s32 $0x580  }
.LBB2_7:
0x1eb: {  	_ =	sfence.sel $0x180000  }
0x1ec: {  	[bflag:$0x0] =	sbarrier.arrive $0xFFFF  }
0x1ed: {  	_ =	strace $0x90000047  }
0x1ee: {  	s0 =	stileid.u32;
	[bflag:$0x2] =	sbarrier.arrive $0xFFFF  }
0x1ef: {  	p0 =	sne.s32 s0, $0x0;
	s0 =	rddreg [dreg:$0x4]  }
0x1f0: {  	s0 =	sadd.s32 @!p0 $0x100000, s0  }
0x1f1: {  	[sflag:s0] =	ssyncadd.tile.s32 @!p0 $0x1;
	_ =	shalt  }
.Lfunc_end2:
_tile_overlayer_lowered:
.L_overlay_start_2:
0x1f2: {  	(tag) =	ssettag $0x2  }
0x1f3: {  	s0 =	rddreg [dreg:$0x0];
	s2 =	stileid.u32  }
0x1f4: {  	s1 =	rddreg [dreg:$0x1];
	p0 =	sne.s32 s2, $0x0  }
0x1f5: {  	s3 =	rddreg [dreg:$0x2];
	[bflag:$0x3] =	sbarrier.arrive $0xFFFF;
	s2 =	simm.s32 @!p0 $0x1C0E  }
0x1f6: {  	[timem:s3], [sflag:s2] =	dma.local @!p0 [hbm:s0], s1  }
0x1f7: {  	s0 =	simm.s32 @!p0 $0xE  }
0x1f8: {  	_ =	swait.ge @!p0 [sflag:s0], s1  }
0x1f9: {  	s1 =	ssub.s32 @!p0 $0x0, s1;
	[sflag:s0] =	ssyncset.done @!p0 $0x0  }
0x1fa: {  	[sflag:s0] =	ssyncadd.s32 @!p0 s1  }
0x1fb: {  	[bflag:$0x3] =	sbarrier.arrive $0xFFFF  }
0x1fc: {  	_ =	shalt  }

</sc_bundles>
